<compile_context>
chip_gen: v7x
topology: tpu7x:2x2x1
jax: 0.10.2.dev20260603
libtpu: 0.0.44.dev20260713+nightly
codegen_flags: <defaults>
</compile_context>

<pallas_src>
import functools

import jax
import jax.numpy as jnp
from jax import lax
from jax.experimental import pallas as pl
from jax.experimental.pallas import tpu as pltpu
from jax.experimental.pallas import tpu_sc as plsc

N = 10000
E = 160000
D = 256
H = 256
C = 4
CP = 16
NC = 2
NS = 16
KE = 100
KE5 = 125
KEP = 128
NCH_HALF = E // (NC * NS) // KE5
NCH_FULL = E // NS // KE
NPAD = 10240
RPT = NPAD // NS
BN = 2000
G = N // BN

_f32 = jnp.float32


_SC_PARAMS = pltpu.CompilerParams(use_tc_tiling_on_sc=False)


@functools.cache
def _mesh():
    return plsc.VectorSubcoreMesh(core_axis_name="c", subcore_axis_name="s",
                                  num_cores=NC, num_subcores=NS)


def _deg_body(dst_hbm, ones_hbm, zer_hbm, out_hbm, idx_v, ones_v, acc, sem):
    c = lax.axis_index("c")
    s = lax.axis_index("s")
    w = c * NS + s
    pltpu.sync_copy(zer_hbm, acc.at[pl.ds(s * RPT, RPT)])
    pltpu.sync_copy(ones_hbm, ones_v)
    pltpu.sync_copy(dst_hbm.at[w], idx_v)
    plsc.subcore_barrier()

    @pl.loop(0, NCH_HALF, step=8)
    def _(j):
        descs = [pltpu.async_copy(ones_v, acc.at[idx_v.at[j + b]], sem,
                                  add=True) for b in range(8)]
        for d in descs:
            d.wait()

    plsc.subcore_barrier()
    pltpu.sync_copy(acc.at[pl.ds(s * RPT, RPT)],
                    out_hbm.at[pl.ds(c * NPAD + s * RPT, RPT)])


@functools.cache
def _deg_call():
    return pl.kernel(
        _deg_body,
        out_type=jax.ShapeDtypeStruct((NC * NPAD, CP), _f32),
        mesh=_mesh(),
        scratch_types=[
            pltpu.VMEM((NCH_HALF, KE5), jnp.int32),
            pltpu.VMEM((KE5, CP), _f32),
            pltpu.VMEM_SHARED((NPAD, CP), _f32),
            pltpu.SemaphoreType.DMA,
        ],
        compiler_params=_SC_PARAMS,
    )


def _agg1_body(y_hbm, src_hbm, dst_hbm, zer_hbm, out_hbm, sidx, didx,
               b0, b1, acc, g0, g1, s0, s1):
    c = lax.axis_index("c")
    s = lax.axis_index("s")
    w = c * NS + s
    bufs = (b0, b1)
    gsem = (g0, g1)
    ssem = (s0, s1)
    pltpu.sync_copy(zer_hbm, acc.at[pl.ds(s * RPT, RPT)])
    pltpu.sync_copy(src_hbm.at[w], sidx)
    pltpu.sync_copy(dst_hbm.at[w], didx)
    plsc.subcore_barrier()

    def gather(jb, b, sem):
        return pltpu.async_copy(y_hbm.at[sidx.at[jb]], bufs[b], sem)

    def scatter(jb, b):
        return pltpu.async_copy(bufs[b], acc.at[didx.at[jb]], ssem[b],
                                add=True)

    for b in range(2):
        gather(b, b, gsem[b])

    @pl.loop(0, NCH_HALF - 2, step=2)
    def _(j):
        descs = []
        for b in range(2):
            pltpu.make_async_copy(y_hbm.at[sidx.at[j + b]], bufs[b],
                                  gsem[b]).wait()
            descs.append(scatter(j + b, b))
        for b in range(2):
            descs[b].wait()
            gather(j + b + 2, b, gsem[b])

    descs = []
    for b in range(2):
        jb = NCH_HALF - 2 + b
        pltpu.make_async_copy(y_hbm.at[sidx.at[jb]], bufs[b], gsem[b]).wait()
        descs.append(scatter(jb, b))
    for d in descs:
        d.wait()

    plsc.subcore_barrier()
    pltpu.sync_copy(acc.at[pl.ds(s * RPT, RPT)],
                    out_hbm.at[pl.ds(c * NPAD + s * RPT, RPT)])


@functools.cache
def _agg1_call():
    return pl.kernel(
        _agg1_body,
        out_type=jax.ShapeDtypeStruct((NC * NPAD, 2, 128), jnp.bfloat16),
        mesh=_mesh(),
        scratch_types=[
            pltpu.VMEM((NCH_HALF, KE5), jnp.int32),
            pltpu.VMEM((NCH_HALF, KE5), jnp.int32),
            pltpu.VMEM((KE5, 2, 128), jnp.bfloat16),
            pltpu.VMEM((KE5, 2, 128), jnp.bfloat16),
            pltpu.VMEM_SHARED((NPAD, 2, 128), jnp.bfloat16),
        ] + [pltpu.SemaphoreType.DMA] * 4,
        compiler_params=_SC_PARAMS,
    )


def _agg2_body(z_hbm, src_hbm, dst_hbm, zer_hbm, out_hbm, sidx, didx,
               b0, b1, b2, b3, acc, g0, g1, g2, g3, s0, s1, s2, s3):
    c = lax.axis_index("c")
    s = lax.axis_index("s")
    w = c * NS + s
    bufs = (b0, b1, b2, b3)
    gsem = (g0, g1, g2, g3)
    ssem = (s0, s1, s2, s3)
    pltpu.sync_copy(zer_hbm, acc.at[pl.ds(s * RPT, RPT)])
    pltpu.sync_copy(src_hbm.at[w], sidx)
    pltpu.sync_copy(dst_hbm.at[w], didx)
    plsc.subcore_barrier()

    def gather(jb, b, sem):
        return pltpu.async_copy(z_hbm.at[sidx.at[jb]], bufs[b], sem)

    def scatter(jb, b):
        return pltpu.async_copy(bufs[b], acc.at[didx.at[jb]], ssem[b],
                                add=True)

    for b in range(4):
        gather(b, b, gsem[b])

    @pl.loop(0, NCH_HALF - 4, step=4)
    def _(j):
        descs = []
        for b in range(4):
            pltpu.make_async_copy(z_hbm.at[sidx.at[j + b]], bufs[b],
                                  gsem[b]).wait()
            descs.append(scatter(j + b, b))
        for b in range(4):
            descs[b].wait()
            gather(j + b + 4, b, gsem[b])

    descs = []
    for b in range(4):
        jb = NCH_HALF - 4 + b
        pltpu.make_async_copy(z_hbm.at[sidx.at[jb]], bufs[b], gsem[b]).wait()
        descs.append(scatter(jb, b))
    for d in descs:
        d.wait()

    plsc.subcore_barrier()
    pltpu.sync_copy(acc.at[pl.ds(s * RPT, RPT)],
                    out_hbm.at[pl.ds(c * NPAD + s * RPT, RPT)])


@functools.cache
def _agg2_call():
    return pl.kernel(
        _agg2_body,
        out_type=jax.ShapeDtypeStruct((NC * NPAD, CP), _f32),
        mesh=_mesh(),
        scratch_types=[
            pltpu.VMEM((NCH_HALF, KE5), jnp.int32),
            pltpu.VMEM((NCH_HALF, KE5), jnp.int32),
            pltpu.VMEM((KE5, CP), _f32),
            pltpu.VMEM((KE5, CP), _f32),
            pltpu.VMEM((KE5, CP), _f32),
            pltpu.VMEM((KE5, CP), _f32),
            pltpu.VMEM_SHARED((NPAD, CP), _f32),
        ] + [pltpu.SemaphoreType.DMA] * 8,
        compiler_params=_SC_PARAMS,
    )


def _dinv_from(dega):
    return jax.lax.rsqrt(dega[0, :, 0] + dega[1, :, 0] + 1.0)[:, None]


def _y_body(dega_ref, x_ref, w1_ref, y_ref, yb_ref):
    dinv = _dinv_from(dega_ref[...])
    y = jnp.dot(x_ref[...], w1_ref[...], preferred_element_type=_f32) * dinv
    y_ref[0] = y[:, :128]
    y_ref[1] = y[:, 128:]
    yb_ref[...] = y.astype(jnp.bfloat16).reshape(BN, 2, 128)


_y_call = pl.pallas_call(
    _y_body,
    grid=(G,),
    in_specs=[
        pl.BlockSpec((2, BN, CP), lambda i: (0, i, 0)),
        pl.BlockSpec((BN, D), lambda i: (i, 0)),
        pl.BlockSpec((D, H), lambda i: (0, 0)),
    ],
    out_specs=[pl.BlockSpec((2, BN, 128), lambda i: (0, i, 0)),
               pl.BlockSpec((BN, 2, 128), lambda i: (i, 0, 0))],
    out_shape=[jax.ShapeDtypeStruct((2, N, 128), _f32),
               jax.ShapeDtypeStruct((N, 2, 128), jnp.bfloat16)],
)


def _h_body(dega_ref, s1_ref, y2_ref, w2_ref, b1_ref, z_ref):
    dinv = _dinv_from(dega_ref[...])
    s1 = s1_ref[...].astype(_f32)
    t = (s1[0] + s1[1]
         + jnp.concatenate([y2_ref[0], y2_ref[1]], axis=1))
    h = jnp.maximum(t * dinv + b1_ref[...], 0.0)
    z_ref[...] = jnp.dot(h, w2_ref[...], preferred_element_type=_f32) * dinv


_h_call = pl.pallas_call(
    _h_body,
    grid=(G,),
    in_specs=[
        pl.BlockSpec((2, BN, CP), lambda i: (0, i, 0)),
        pl.BlockSpec((2, BN, H), lambda i: (0, i, 0)),
        pl.BlockSpec((2, BN, 128), lambda i: (0, i, 0)),
        pl.BlockSpec((H, CP), lambda i: (0, 0)),
        pl.BlockSpec((1, H), lambda i: (0, 0)),
    ],
    out_specs=pl.BlockSpec((BN, CP), lambda i: (i, 0)),
    out_shape=jax.ShapeDtypeStruct((N, CP), _f32),
)


def _out_body(dega_ref, s2_ref, z_ref, b2_ref, o_ref):
    dinv = _dinv_from(dega_ref[...])
    o = (s2_ref[0] + s2_ref[1] + z_ref[...]) * dinv + b2_ref[...]
    col = jax.lax.broadcasted_iota(jnp.int32, o.shape, 1)
    mask = col < C
    m = jnp.max(jnp.where(mask, o, _f32(-1e30)), axis=1, keepdims=True)
    e = jnp.where(mask, jnp.exp(o - m), 0.0)
    lse = jnp.log(jnp.sum(e, axis=1, keepdims=True))
    o_ref[...] = o - m - lse


_out_call = pl.pallas_call(
    _out_body,
    grid=(G,),
    in_specs=[
        pl.BlockSpec((2, BN, CP), lambda i: (0, i, 0)),
        pl.BlockSpec((2, BN, CP), lambda i: (0, i, 0)),
        pl.BlockSpec((BN, CP), lambda i: (i, 0)),
        pl.BlockSpec((1, CP), lambda i: (0, 0)),
    ],
    out_specs=pl.BlockSpec((BN, CP), lambda i: (i, 0)),
    out_shape=jax.ShapeDtypeStruct((N, CP), _f32),
)


def kernel(x, edge_index, W1, b1, W2, b2):
    src = edge_index[0]
    dst = edge_index[1]

    def _lin(flat, shape):
        r = flat.size // 128
        return lax.optimization_barrier(flat.reshape(r, 128)).reshape(shape)

    dst_half = _lin(dst, (NC * NS, NCH_HALF, KE5))
    src_half = _lin(src, (NC * NS, NCH_HALF, KE5))



    ones16 = jnp.ones((KE5, CP), _f32)
    zer16 = jnp.zeros((RPT, CP), _f32)
    zer256 = jnp.zeros((RPT, 2, 128), jnp.bfloat16)
    w2p = jnp.pad(W2, ((0, 0), (0, CP - C)))
    b1r = b1.reshape(1, H)
    b2p = jnp.pad(b2, (0, CP - C)).reshape(1, CP)

    dega = _deg_call()(dst_half, ones16, zer16).reshape(NC, NPAD, CP)
    y2, yb = _y_call(dega, x, W1)
    s1 = _agg1_call()(yb, src_half, dst_half, zer256).reshape(NC, NPAD, H)
    z = _h_call(dega, s1, y2, w2p, b1r)
    s2 = _agg2_call()(z, src_half, dst_half, zer16).reshape(NC, NPAD, CP)
    out = _out_call(dega, s2, z, b2p)
    return out[:, :C]

# --- scband reference (transcript-rebuilt; emitter-appended) ---
"""Pipeline reference for scband-net-37460704756123 (READ-ONLY COPY).

The authoritative reference and input builder live on the scoring server;
editing this copy changes nothing except your own understanding.
"""

import jax, jax.numpy as jnp
import numpy as np

N = 10000
E = 160000
D = 256
H = 256
C = 4


def setup_inputs(seed: int = 0) -> dict:
    key = jax.random.key(seed)
    k1, k2, k3, k4 = jax.random.split(key, 4)
    x = jax.random.normal(k1, (N, D), dtype=jnp.float32)
    edge_index = jax.random.randint(k2, (2, E), 0, N, dtype=jnp.int32)
    W1 = jax.random.normal(k3, (D, H), dtype=jnp.float32) * (1.0 / np.sqrt(D))
    b1 = jnp.zeros((H,), dtype=jnp.float32)
    W2 = jax.random.normal(k4, (H, C), dtype=jnp.float32) * (1.0 / np.sqrt(H))
    b2 = jnp.zeros((C,), dtype=jnp.float32)
    return {"x": x, "edge_index": edge_index, "W1": W1, "b1": b1, "W2": W2, "b2": b2}


def _gcn_conv(x, edge_index, W, b):
    # Faithful GCNConv: add self-loops, symmetric normalization, scatter-add aggregation
    n = x.shape[0]
    xw = x @ W
    loop = jnp.arange(n, dtype=edge_index.dtype)
    src = jnp.concatenate([edge_index[0], loop])
    dst = jnp.concatenate([edge_index[1], loop])
    deg = jnp.zeros((n,), dtype=x.dtype).at[dst].add(1.0)
    deg_inv_sqrt = jnp.where(deg > 0, 1.0 / jnp.sqrt(deg), 0.0)
    norm = deg_inv_sqrt[src] * deg_inv_sqrt[dst]
    msg = xw[src] * norm[:, None]
    out = jnp.zeros((n, W.shape[1]), dtype=x.dtype).at[dst].add(msg)
    return out + b


def reference(x, edge_index, W1, b1, W2, b2):
    h = jax.nn.relu(_gcn_conv(x, edge_index, W1, b1))
    # F.dropout with training=False is identity (eval mode)
    out = _gcn_conv(h, edge_index, W2, b2)
    return jax.nn.log_softmax(out, axis=1)

if __name__ == "__main__":
    import jax
    _d = setup_inputs()
    print(jax.jit(kernel)(*tuple(_d.values())))

</pallas_src>

<mosaic_0001>
#map = affine_map<(d0, d1) -> (0, 0)>
#map1 = affine_map<(d0, d1) -> (0, 0, 0)>
module attributes {stable_mosaic.version = 14 : i64} {
  func.func @_agg2_body(%arg0: i32, %arg1: i32, %arg2: memref<10000x16xf32, #tpu.memory_space<hbm>>, %arg3: memref<32x40x125xi32, #tpu.memory_space<hbm>>, %arg4: memref<32x40x125xi32, #tpu.memory_space<hbm>>, %arg5: memref<640x16xf32, #tpu.memory_space<hbm>>, %arg6: memref<20480x16xf32, #tpu.memory_space<hbm>>, %arg7: memref<40x125xi32, #tpu.memory_space<vmem>>, %arg8: memref<40x125xi32, #tpu.memory_space<vmem>>, %arg9: memref<125x16xf32, #tpu.memory_space<vmem>>, %arg10: memref<125x16xf32, #tpu.memory_space<vmem>>, %arg11: memref<125x16xf32, #tpu.memory_space<vmem>>, %arg12: memref<125x16xf32, #tpu.memory_space<vmem>>, %arg13: memref<10240x16xf32, #tpu.memory_space<vmem_shared>>, %arg14: memref<!tpu.dma_semaphore, #tpu.memory_space<semaphore_mem>>, %arg15: memref<!tpu.dma_semaphore, #tpu.memory_space<semaphore_mem>>, %arg16: memref<!tpu.dma_semaphore, #tpu.memory_space<semaphore_mem>>, %arg17: memref<!tpu.dma_semaphore, #tpu.memory_space<semaphore_mem>>, %arg18: memref<!tpu.dma_semaphore, #tpu.memory_space<semaphore_mem>>, %arg19: memref<!tpu.dma_semaphore, #tpu.memory_space<semaphore_mem>>, %arg20: memref<!tpu.dma_semaphore, #tpu.memory_space<semaphore_mem>>, %arg21: memref<!tpu.dma_semaphore, #tpu.memory_space<semaphore_mem>>) attributes {dimension_semantics = [#tpu.dimension_semantics<core_parallel>, #tpu.dimension_semantics<subcore_parallel>], iteration_bounds = array<i64: 2, 16>, scalar_prefetch = 0 : i64, scratch_operands = 15 : i64, tpu.core_type = #tpu.core_type<sc_vector_subcore>, window_params = [{transform_indices = #map}, {transform_indices = #map1}, {transform_indices = #map1}, {transform_indices = #map}, {transform_indices = #map}]} {
    %mul3A = arith.constant 16 : i32
    %mul3A_0 = arith.muli %arg0, %mul3A : i32
    %add3A = arith.addi %mul3A_0, %arg1 : i32
    %mul3A_1 = arith.constant 640 : i32
    %mul3A_2 = arith.muli %arg1, %mul3A_1 : i32
    "tpu.region"() ({
      %run_scoped3A = tpu.sem_alloc : memref<!tpu.dma_semaphore, #tpu.memory_space<semaphore_mem>>
      %dma_start3A_125 = arith.constant 0 : i32
      %dma_start3A_126 = tpu.memref_slice %arg13[%mul3A_2, %dma_start3A_125] : memref<10240x16xf32, #tpu.memory_space<vmem_shared>> -> memref<640x16xf32, #tpu.memory_space<vmem_shared>>
      tpu.enqueue_dma source(%arg5 : memref<640x16xf32, #tpu.memory_space<hbm>>) target(%dma_start3A_126 : memref<640x16xf32, #tpu.memory_space<vmem_shared>>) target_semaphore(%run_scoped3A : memref<!tpu.dma_semaphore, #tpu.memory_space<semaphore_mem>>)
      %dma_wait3A_127 = arith.constant 0 : i32
      %dma_wait3A_128 = tpu.memref_slice %arg13[%mul3A_2, %dma_wait3A_127] : memref<10240x16xf32, #tpu.memory_space<vmem_shared>> -> memref<640x16xf32, #tpu.memory_space<vmem_shared>>
      tpu.wait_dma2 semaphore(%run_scoped3A : memref<!tpu.dma_semaphore, #tpu.memory_space<semaphore_mem>>) src(%arg5 : memref<640x16xf32, #tpu.memory_space<hbm>>) dst(%dma_wait3A_128 : memref<640x16xf32, #tpu.memory_space<vmem_shared>>)
      tpu.yield
    }) : () -> ()
    "tpu.region"() ({
      %run_scoped3A = tpu.sem_alloc : memref<!tpu.dma_semaphore, #tpu.memory_space<semaphore_mem>>
      %dma_start3A_125 = arith.constant 0 : i32
      %dma_start3A_126 = arith.constant 0 : i32
      %dma_start3A_127 = tpu.memref_slice %arg3[%add3A, %dma_start3A_125, %dma_start3A_126] : memref<32x40x125xi32, #tpu.memory_space<hbm>> -> memref<1x40x125xi32, #tpu.memory_space<hbm>>
      %dma_start3A_128 = tpu.memref_squeeze %dma_start3A_127 : memref<1x40x125xi32, #tpu.memory_space<hbm>> -> memref<40x125xi32, #tpu.memory_space<hbm>>
      %dma_start3A_129 = arith.constant 0 : i32
      %dma_start3A_130 = arith.constant 0 : i32
      %dma_start3A_131 = tpu.memref_slice %arg3[%add3A, %dma_start3A_129, %dma_start3A_130] : memref<32x40x125xi32, #tpu.memory_space<hbm>> -> memref<1x40x125xi32, #tpu.memory_space<hbm>>
      %dma_start3A_132 = tpu.memref_squeeze %dma_start3A_131 : memref<1x40x125xi32, #tpu.memory_space<hbm>> -> memref<40x125xi32, #tpu.memory_space<hbm>>
      tpu.enqueue_dma source(%dma_start3A_132 : memref<40x125xi32, #tpu.memory_space<hbm>>) target(%arg7 : memref<40x125xi32, #tpu.memory_space<vmem>>) target_semaphore(%run_scoped3A : memref<!tpu.dma_semaphore, #tpu.memory_space<semaphore_mem>>)
      %dma_wait3A_133 = arith.constant 0 : i32
      %dma_wait3A_134 = arith.constant 0 : i32
      %dma_wait3A_135 = tpu.memref_slice %arg3[%add3A, %dma_wait3A_133, %dma_wait3A_134] : memref<32x40x125xi32, #tpu.memory_space<hbm>> -> memref<1x40x125xi32, #tpu.memory_space<hbm>>
      %dma_wait3A_136 = tpu.memref_squeeze %dma_wait3A_135 : memref<1x40x125xi32, #tpu.memory_space<hbm>> -> memref<40x125xi32, #tpu.memory_space<hbm>>
      %dma_wait3A_137 = arith.constant 0 : i32
      %dma_wait3A_138 = arith.constant 0 : i32
      %dma_wait3A_139 = tpu.memref_slice %arg3[%add3A, %dma_wait3A_137, %dma_wait3A_138] : memref<32x40x125xi32, #tpu.memory_space<hbm>> -> memref<1x40x125xi32, #tpu.memory_space<hbm>>
      %dma_wait3A_140 = tpu.memref_squeeze %dma_wait3A_139 : memref<1x40x125xi32, #tpu.memory_space<hbm>> -> memref<40x125xi32, #tpu.memory_space<hbm>>
      tpu.wait_dma2 semaphore(%run_scoped3A : memref<!tpu.dma_semaphore, #tpu.memory_space<semaphore_mem>>) src(%dma_wait3A_140 : memref<40x125xi32, #tpu.memory_space<hbm>>) dst(%arg7 : memref<40x125xi32, #tpu.memory_space<vmem>>)
      tpu.yield
    }) : () -> ()
    "tpu.region"() ({
      %run_scoped3A = tpu.sem_alloc : memref<!tpu.dma_semaphore, #tpu.memory_space<semaphore_mem>>
      %dma_start3A_125 = arith.constant 0 : i32
      %dma_start3A_126 = arith.constant 0 : i32
      %dma_start3A_127 = tpu.memref_slice %arg4[%add3A, %dma_start3A_125, %dma_start3A_126] : memref<32x40x125xi32, #tpu.memory_space<hbm>> -> memref<1x40x125xi32, #tpu.memory_space<hbm>>
      %dma_start3A_128 = tpu.memref_squeeze %dma_start3A_127 : memref<1x40x125xi32, #tpu.memory_space<hbm>> -> memref<40x125xi32, #tpu.memory_space<hbm>>
      %dma_start3A_129 = arith.constant 0 : i32
      %dma_start3A_130 = arith.constant 0 : i32
      %dma_start3A_131 = tpu.memref_slice %arg4[%add3A, %dma_start3A_129, %dma_start3A_130] : memref<32x40x125xi32, #tpu.memory_space<hbm>> -> memref<1x40x125xi32, #tpu.memory_space<hbm>>
      %dma_start3A_132 = tpu.memref_squeeze %dma_start3A_131 : memref<1x40x125xi32, #tpu.memory_space<hbm>> -> memref<40x125xi32, #tpu.memory_space<hbm>>
      tpu.enqueue_dma source(%dma_start3A_132 : memref<40x125xi32, #tpu.memory_space<hbm>>) target(%arg8 : memref<40x125xi32, #tpu.memory_space<vmem>>) target_semaphore(%run_scoped3A : memref<!tpu.dma_semaphore, #tpu.memory_space<semaphore_mem>>)
      %dma_wait3A_133 = arith.constant 0 : i32
      %dma_wait3A_134 = arith.constant 0 : i32
      %dma_wait3A_135 = tpu.memref_slice %arg4[%add3A, %dma_wait3A_133, %dma_wait3A_134] : memref<32x40x125xi32, #tpu.memory_space<hbm>> -> memref<1x40x125xi32, #tpu.memory_space<hbm>>
      %dma_wait3A_136 = tpu.memref_squeeze %dma_wait3A_135 : memref<1x40x125xi32, #tpu.memory_space<hbm>> -> memref<40x125xi32, #tpu.memory_space<hbm>>
      %dma_wait3A_137 = arith.constant 0 : i32
      %dma_wait3A_138 = arith.constant 0 : i32
      %dma_wait3A_139 = tpu.memref_slice %arg4[%add3A, %dma_wait3A_137, %dma_wait3A_138] : memref<32x40x125xi32, #tpu.memory_space<hbm>> -> memref<1x40x125xi32, #tpu.memory_space<hbm>>
      %dma_wait3A_140 = tpu.memref_squeeze %dma_wait3A_139 : memref<1x40x125xi32, #tpu.memory_space<hbm>> -> memref<40x125xi32, #tpu.memory_space<hbm>>
      tpu.wait_dma2 semaphore(%run_scoped3A : memref<!tpu.dma_semaphore, #tpu.memory_space<semaphore_mem>>) src(%dma_wait3A_140 : memref<40x125xi32, #tpu.memory_space<hbm>>) dst(%arg8 : memref<40x125xi32, #tpu.memory_space<vmem>>)
      tpu.yield
    }) : () -> ()
    %barrier3A = arith.constant 0 : index
    tpu.barrier barrier_id(%barrier3A)
    %dma_start3A = arith.constant 0 : i32
    %dma_start3A_3 = arith.constant 0 : i32
    %dma_start3A_4 = tpu.memref_slice %arg7[%dma_start3A, %dma_start3A_3] : memref<40x125xi32, #tpu.memory_space<vmem>> -> memref<1x125xi32, #tpu.memory_space<vmem>>
    %dma_start3A_5 = tpu.memref_squeeze %dma_start3A_4 : memref<1x125xi32, #tpu.memory_space<vmem>> -> memref<125xi32, #tpu.memory_space<vmem>>
    %dma_start3A_6 = arith.constant 0 : i32
    %dma_start3A_7 = arith.constant 0 : i32
    %dma_start3A_8 = tpu.memref_slice %arg2[%dma_start3A_6, %dma_start3A_7] : memref<10000x16xf32, #tpu.memory_space<hbm>> -> memref<10000x16xf32, #tpu.memory_space<hbm>>
    tpu.enqueue_indirect_dma source(%dma_start3A_8 : memref<10000x16xf32, #tpu.memory_space<hbm>>) target(%arg9 : memref<125x16xf32, #tpu.memory_space<vmem>>) offsets(%dma_start3A_5 : memref<125xi32, #tpu.memory_space<vmem>>) semaphore(%arg14 : memref<!tpu.dma_semaphore, #tpu.memory_space<semaphore_mem>>)
    %dma_start3A_9 = arith.constant 1 : i32
    %dma_start3A_10 = arith.constant 0 : i32
    %dma_start3A_11 = tpu.memref_slice %arg7[%dma_start3A_9, %dma_start3A_10] : memref<40x125xi32, #tpu.memory_space<vmem>> -> memref<1x125xi32, #tpu.memory_space<vmem>>
    %dma_start3A_12 = tpu.memref_squeeze %dma_start3A_11 : memref<1x125xi32, #tpu.memory_space<vmem>> -> memref<125xi32, #tpu.memory_space<vmem>>
    %dma_start3A_13 = arith.constant 0 : i32
    %dma_start3A_14 = arith.constant 0 : i32
    %dma_start3A_15 = tpu.memref_slice %arg2[%dma_start3A_13, %dma_start3A_14] : memref<10000x16xf32, #tpu.memory_space<hbm>> -> memref<10000x16xf32, #tpu.memory_space<hbm>>
    tpu.enqueue_indirect_dma source(%dma_start3A_15 : memref<10000x16xf32, #tpu.memory_space<hbm>>) target(%arg10 : memref<125x16xf32, #tpu.memory_space<vmem>>) offsets(%dma_start3A_12 : memref<125xi32, #tpu.memory_space<vmem>>) semaphore(%arg15 : memref<!tpu.dma_semaphore, #tpu.memory_space<semaphore_mem>>)
    %dma_start3A_16 = arith.constant 2 : i32
    %dma_start3A_17 = arith.constant 0 : i32
    %dma_start3A_18 = tpu.memref_slice %arg7[%dma_start3A_16, %dma_start3A_17] : memref<40x125xi32, #tpu.memory_space<vmem>> -> memref<1x125xi32, #tpu.memory_space<vmem>>
    %dma_start3A_19 = tpu.memref_squeeze %dma_start3A_18 : memref<1x125xi32, #tpu.memory_space<vmem>> -> memref<125xi32, #tpu.memory_space<vmem>>
    %dma_start3A_20 = arith.constant 0 : i32
    %dma_start3A_21 = arith.constant 0 : i32
    %dma_start3A_22 = tpu.memref_slice %arg2[%dma_start3A_20, %dma_start3A_21] : memref<10000x16xf32, #tpu.memory_space<hbm>> -> memref<10000x16xf32, #tpu.memory_space<hbm>>
    tpu.enqueue_indirect_dma source(%dma_start3A_22 : memref<10000x16xf32, #tpu.memory_space<hbm>>) target(%arg11 : memref<125x16xf32, #tpu.memory_space<vmem>>) offsets(%dma_start3A_19 : memref<125xi32, #tpu.memory_space<vmem>>) semaphore(%arg16 : memref<!tpu.dma_semaphore, #tpu.memory_space<semaphore_mem>>)
    %dma_start3A_23 = arith.constant 3 : i32
    %dma_start3A_24 = arith.constant 0 : i32
    %dma_start3A_25 = tpu.memref_slice %arg7[%dma_start3A_23, %dma_start3A_24] : memref<40x125xi32, #tpu.memory_space<vmem>> -> memref<1x125xi32, #tpu.memory_space<vmem>>
    %dma_start3A_26 = tpu.memref_squeeze %dma_start3A_25 : memref<1x125xi32, #tpu.memory_space<vmem>> -> memref<125xi32, #tpu.memory_space<vmem>>
    %dma_start3A_27 = arith.constant 0 : i32
    %dma_start3A_28 = arith.constant 0 : i32
    %dma_start3A_29 = tpu.memref_slice %arg2[%dma_start3A_27, %dma_start3A_28] : memref<10000x16xf32, #tpu.memory_space<hbm>> -> memref<10000x16xf32, #tpu.memory_space<hbm>>
    tpu.enqueue_indirect_dma source(%dma_start3A_29 : memref<10000x16xf32, #tpu.memory_space<hbm>>) target(%arg12 : memref<125x16xf32, #tpu.memory_space<vmem>>) offsets(%dma_start3A_26 : memref<125xi32, #tpu.memory_space<vmem>>) semaphore(%arg17 : memref<!tpu.dma_semaphore, #tpu.memory_space<semaphore_mem>>)
    %scan3A = arith.constant 0 : i32
    %scan3A_30 = arith.constant 9 : i32
    %scan3A_31 = arith.addi %scan3A, %scan3A_30 : i32
    %scan3A_32 = arith.constant 1 : i32
    scf.for %scan3A_125 = %scan3A to %scan3A_31 step %scan3A_32  : i32 {
      %mul3A_126 = arith.constant 4 : i32
      %mul3A_127 = arith.muli %scan3A_125, %mul3A_126 : i32
      %add3A_128 = arith.constant 0 : i32
      %add3A_129 = arith.addi %add3A_128, %mul3A_127 : i32
      %add3A_130 = arith.constant 0 : i32
      %add3A_131 = arith.addi %add3A_129, %add3A_130 : i32
      %dma_wait3A_132 = arith.constant 0 : i32
      %dma_wait3A_133 = tpu.memref_slice %arg7[%add3A_131, %dma_wait3A_132] : memref<40x125xi32, #tpu.memory_space<vmem>> -> memref<1x125xi32, #tpu.memory_space<vmem>>
      %dma_wait3A_134 = tpu.memref_squeeze %dma_wait3A_133 : memref<1x125xi32, #tpu.memory_space<vmem>> -> memref<125xi32, #tpu.memory_space<vmem>>
      %dma_wait3A_135 = arith.constant 0 : i32
      %dma_wait3A_136 = arith.constant 0 : i32
      %dma_wait3A_137 = tpu.memref_slice %arg2[%dma_wait3A_135, %dma_wait3A_136] : memref<10000x16xf32, #tpu.memory_space<hbm>> -> memref<10000x16xf32, #tpu.memory_space<hbm>>
      tpu.wait_indirect_dma semaphore(%arg14 : memref<!tpu.dma_semaphore, #tpu.memory_space<semaphore_mem>>) src(%dma_wait3A_137 : memref<10000x16xf32, #tpu.memory_space<hbm>>) dst(%arg9 : memref<125x16xf32, #tpu.memory_space<vmem>>)
      %add3A_138 = arith.constant 0 : i32
      %add3A_139 = arith.addi %add3A_129, %add3A_138 : i32
      %dma_start3A_140 = arith.constant 0 : i32
      %dma_start3A_141 = tpu.memref_slice %arg8[%add3A_139, %dma_start3A_140] : memref<40x125xi32, #tpu.memory_space<vmem>> -> memref<1x125xi32, #tpu.memory_space<vmem>>
      %dma_start3A_142 = tpu.memref_squeeze %dma_start3A_141 : memref<1x125xi32, #tpu.memory_space<vmem>> -> memref<125xi32, #tpu.memory_space<vmem>>
      %dma_start3A_143 = arith.constant 0 : i32
      %dma_start3A_144 = arith.constant 0 : i32
      %dma_start3A_145 = tpu.memref_slice %arg13[%dma_start3A_143, %dma_start3A_144] : memref<10240x16xf32, #tpu.memory_space<vmem_shared>> -> memref<10240x16xf32, #tpu.memory_space<vmem_shared>>
      tpu.enqueue_indirect_dma source(%arg9 : memref<125x16xf32, #tpu.memory_space<vmem>>) target(%dma_start3A_145 : memref<10240x16xf32, #tpu.memory_space<vmem_shared>>) offsets(%dma_start3A_142 : memref<125xi32, #tpu.memory_space<vmem>>) semaphore(%arg18 : memref<!tpu.dma_semaphore, #tpu.memory_space<semaphore_mem>>) {add = true}
      %add3A_146 = arith.constant 1 : i32
      %add3A_147 = arith.addi %add3A_129, %add3A_146 : i32
      %dma_wait3A_148 = arith.constant 0 : i32
      %dma_wait3A_149 = tpu.memref_slice %arg7[%add3A_147, %dma_wait3A_148] : memref<40x125xi32, #tpu.memory_space<vmem>> -> memref<1x125xi32, #tpu.memory_space<vmem>>
      %dma_wait3A_150 = tpu.memref_squeeze %dma_wait3A_149 : memref<1x125xi32, #tpu.memory_space<vmem>> -> memref<125xi32, #tpu.memory_space<vmem>>
      %dma_wait3A_151 = arith.constant 0 : i32
      %dma_wait3A_152 = arith.constant 0 : i32
      %dma_wait3A_153 = tpu.memref_slice %arg2[%dma_wait3A_151, %dma_wait3A_152] : memref<10000x16xf32, #tpu.memory_space<hbm>> -> memref<10000x16xf32, #tpu.memory_space<hbm>>
      tpu.wait_indirect_dma semaphore(%arg15 : memref<!tpu.dma_semaphore, #tpu.memory_space<semaphore_mem>>) src(%dma_wait3A_153 : memref<10000x16xf32, #tpu.memory_space<hbm>>) dst(%arg10 : memref<125x16xf32, #tpu.memory_space<vmem>>)
      %add3A_154 = arith.constant 1 : i32
      %add3A_155 = arith.addi %add3A_129, %add3A_154 : i32
      %dma_start3A_156 = arith.constant 0 : i32
      %dma_start3A_157 = tpu.memref_slice %arg8[%add3A_155, %dma_start3A_156] : memref<40x125xi32, #tpu.memory_space<vmem>> -> memref<1x125xi32, #tpu.memory_space<vmem>>
      %dma_start3A_158 = tpu.memref_squeeze %dma_start3A_157 : memref<1x125xi32, #tpu.memory_space<vmem>> -> memref<125xi32, #tpu.memory_space<vmem>>
      %dma_start3A_159 = arith.constant 0 : i32
      %dma_start3A_160 = arith.constant 0 : i32
      %dma_start3A_161 = tpu.memref_slice %arg13[%dma_start3A_159, %dma_start3A_160] : memref<10240x16xf32, #tpu.memory_space<vmem_shared>> -> memref<10240x16xf32, #tpu.memory_space<vmem_shared>>
      tpu.enqueue_indirect_dma source(%arg10 : memref<125x16xf32, #tpu.memory_space<vmem>>) target(%dma_start3A_161 : memref<10240x16xf32, #tpu.memory_space<vmem_shared>>) offsets(%dma_start3A_158 : memref<125xi32, #tpu.memory_space<vmem>>) semaphore(%arg19 : memref<!tpu.dma_semaphore, #tpu.memory_space<semaphore_mem>>) {add = true}
      %add3A_162 = arith.constant 2 : i32
      %add3A_163 = arith.addi %add3A_129, %add3A_162 : i32
      %dma_wait3A_164 = arith.constant 0 : i32
      %dma_wait3A_165 = tpu.memref_slice %arg7[%add3A_163, %dma_wait3A_164] : memref<40x125xi32, #tpu.memory_space<vmem>> -> memref<1x125xi32, #tpu.memory_space<vmem>>
      %dma_wait3A_166 = tpu.memref_squeeze %dma_wait3A_165 : memref<1x125xi32, #tpu.memory_space<vmem>> -> memref<125xi32, #tpu.memory_space<vmem>>
      %dma_wait3A_167 = arith.constant 0 : i32
      %dma_wait3A_168 = arith.constant 0 : i32
      %dma_wait3A_169 = tpu.memref_slice %arg2[%dma_wait3A_167, %dma_wait3A_168] : memref<10000x16xf32, #tpu.memory_space<hbm>> -> memref<10000x16xf32, #tpu.memory_space<hbm>>
      tpu.wait_indirect_dma semaphore(%arg16 : memref<!tpu.dma_semaphore, #tpu.memory_space<semaphore_mem>>) src(%dma_wait3A_169 : memref<10000x16xf32, #tpu.memory_space<hbm>>) dst(%arg11 : memref<125x16xf32, #tpu.memory_space<vmem>>)
      %add3A_170 = arith.constant 2 : i32
      %add3A_171 = arith.addi %add3A_129, %add3A_170 : i32
      %dma_start3A_172 = arith.constant 0 : i32
      %dma_start3A_173 = tpu.memref_slice %arg8[%add3A_171, %dma_start3A_172] : memref<40x125xi32, #tpu.memory_space<vmem>> -> memref<1x125xi32, #tpu.memory_space<vmem>>
      %dma_start3A_174 = tpu.memref_squeeze %dma_start3A_173 : memref<1x125xi32, #tpu.memory_space<vmem>> -> memref<125xi32, #tpu.memory_space<vmem>>
      %dma_start3A_175 = arith.constant 0 : i32
      %dma_start3A_176 = arith.constant 0 : i32
      %dma_start3A_177 = tpu.memref_slice %arg13[%dma_start3A_175, %dma_start3A_176] : memref<10240x16xf32, #tpu.memory_space<vmem_shared>> -> memref<10240x16xf32, #tpu.memory_space<vmem_shared>>
      tpu.enqueue_indirect_dma source(%arg11 : memref<125x16xf32, #tpu.memory_space<vmem>>) target(%dma_start3A_177 : memref<10240x16xf32, #tpu.memory_space<vmem_shared>>) offsets(%dma_start3A_174 : memref<125xi32, #tpu.memory_space<vmem>>) semaphore(%arg20 : memref<!tpu.dma_semaphore, #tpu.memory_space<semaphore_mem>>) {add = true}
      %add3A_178 = arith.constant 3 : i32
      %add3A_179 = arith.addi %add3A_129, %add3A_178 : i32
      %dma_wait3A_180 = arith.constant 0 : i32
      %dma_wait3A_181 = tpu.memref_slice %arg7[%add3A_179, %dma_wait3A_180] : memref<40x125xi32, #tpu.memory_space<vmem>> -> memref<1x125xi32, #tpu.memory_space<vmem>>
      %dma_wait3A_182 = tpu.memref_squeeze %dma_wait3A_181 : memref<1x125xi32, #tpu.memory_space<vmem>> -> memref<125xi32, #tpu.memory_space<vmem>>
      %dma_wait3A_183 = arith.constant 0 : i32
      %dma_wait3A_184 = arith.constant 0 : i32
      %dma_wait3A_185 = tpu.memref_slice %arg2[%dma_wait3A_183, %dma_wait3A_184] : memref<10000x16xf32, #tpu.memory_space<hbm>> -> memref<10000x16xf32, #tpu.memory_space<hbm>>
      tpu.wait_indirect_dma semaphore(%arg17 : memref<!tpu.dma_semaphore, #tpu.memory_space<semaphore_mem>>) src(%dma_wait3A_185 : memref<10000x16xf32, #tpu.memory_space<hbm>>) dst(%arg12 : memref<125x16xf32, #tpu.memory_space<vmem>>)
      %add3A_186 = arith.constant 3 : i32
      %add3A_187 = arith.addi %add3A_129, %add3A_186 : i32
      %dma_start3A_188 = arith.constant 0 : i32
      %dma_start3A_189 = tpu.memref_slice %arg8[%add3A_187, %dma_start3A_188] : memref<40x125xi32, #tpu.memory_space<vmem>> -> memref<1x125xi32, #tpu.memory_space<vmem>>
      %dma_start3A_190 = tpu.memref_squeeze %dma_start3A_189 : memref<1x125xi32, #tpu.memory_space<vmem>> -> memref<125xi32, #tpu.memory_space<vmem>>
      %dma_start3A_191 = arith.constant 0 : i32
      %dma_start3A_192 = arith.constant 0 : i32
      %dma_start3A_193 = tpu.memref_slice %arg13[%dma_start3A_191, %dma_start3A_192] : memref<10240x16xf32, #tpu.memory_space<vmem_shared>> -> memref<10240x16xf32, #tpu.memory_space<vmem_shared>>
      tpu.enqueue_indirect_dma source(%arg12 : memref<125x16xf32, #tpu.memory_space<vmem>>) target(%dma_start3A_193 : memref<10240x16xf32, #tpu.memory_space<vmem_shared>>) offsets(%dma_start3A_190 : memref<125xi32, #tpu.memory_space<vmem>>) semaphore(%arg21 : memref<!tpu.dma_semaphore, #tpu.memory_space<semaphore_mem>>) {add = true}
      %dma_wait3A_194 = arith.constant 0 : i32
      %dma_wait3A_195 = tpu.memref_slice %arg8[%add3A_139, %dma_wait3A_194] : memref<40x125xi32, #tpu.memory_space<vmem>> -> memref<1x125xi32, #tpu.memory_space<vmem>>
      %dma_wait3A_196 = tpu.memref_squeeze %dma_wait3A_195 : memref<1x125xi32, #tpu.memory_space<vmem>> -> memref<125xi32, #tpu.memory_space<vmem>>
      %dma_wait3A_197 = arith.constant 0 : i32
      %dma_wait3A_198 = arith.constant 0 : i32
      %dma_wait3A_199 = tpu.memref_slice %arg13[%dma_wait3A_197, %dma_wait3A_198] : memref<10240x16xf32, #tpu.memory_space<vmem_shared>> -> memref<10240x16xf32, #tpu.memory_space<vmem_shared>>
      tpu.wait_indirect_dma semaphore(%arg18 : memref<!tpu.dma_semaphore, #tpu.memory_space<semaphore_mem>>) src(%arg9 : memref<125x16xf32, #tpu.memory_space<vmem>>) dst(%dma_wait3A_199 : memref<10240x16xf32, #tpu.memory_space<vmem_shared>>)
      %add3A_200 = arith.constant 0 : i32
      %add3A_201 = arith.addi %add3A_129, %add3A_200 : i32
      %add3A_202 = arith.constant 4 : i32
      %add3A_203 = arith.addi %add3A_201, %add3A_202 : i32
      %dma_start3A_204 = arith.constant 0 : i32
      %dma_start3A_205 = tpu.memref_slice %arg7[%add3A_203, %dma_start3A_204] : memref<40x125xi32, #tpu.memory_space<vmem>> -> memref<1x125xi32, #tpu.memory_space<vmem>>
      %dma_start3A_206 = tpu.memref_squeeze %dma_start3A_205 : memref<1x125xi32, #tpu.memory_space<vmem>> -> memref<125xi32, #tpu.memory_space<vmem>>
      %dma_start3A_207 = arith.constant 0 : i32
      %dma_start3A_208 = arith.constant 0 : i32
      %dma_start3A_209 = tpu.memref_slice %arg2[%dma_start3A_207, %dma_start3A_208] : memref<10000x16xf32, #tpu.memory_space<hbm>> -> memref<10000x16xf32, #tpu.memory_space<hbm>>
      tpu.enqueue_indirect_dma source(%dma_start3A_209 : memref<10000x16xf32, #tpu.memory_space<hbm>>) target(%arg9 : memref<125x16xf32, #tpu.memory_space<vmem>>) offsets(%dma_start3A_206 : memref<125xi32, #tpu.memory_space<vmem>>) semaphore(%arg14 : memref<!tpu.dma_semaphore, #tpu.memory_space<semaphore_mem>>)
      %dma_wait3A_210 = arith.constant 0 : i32
      %dma_wait3A_211 = tpu.memref_slice %arg8[%add3A_155, %dma_wait3A_210] : memref<40x125xi32, #tpu.memory_space<vmem>> -> memref<1x125xi32, #tpu.memory_space<vmem>>
      %dma_wait3A_212 = tpu.memref_squeeze %dma_wait3A_211 : memref<1x125xi32, #tpu.memory_space<vmem>> -> memref<125xi32, #tpu.memory_space<vmem>>
      %dma_wait3A_213 = arith.constant 0 : i32
      %dma_wait3A_214 = arith.constant 0 : i32
      %dma_wait3A_215 = tpu.memref_slice %arg13[%dma_wait3A_213, %dma_wait3A_214] : memref<10240x16xf32, #tpu.memory_space<vmem_shared>> -> memref<10240x16xf32, #tpu.memory_space<vmem_shared>>
      tpu.wait_indirect_dma semaphore(%arg19 : memref<!tpu.dma_semaphore, #tpu.memory_space<semaphore_mem>>) src(%arg10 : memref<125x16xf32, #tpu.memory_space<vmem>>) dst(%dma_wait3A_215 : memref<10240x16xf32, #tpu.memory_space<vmem_shared>>)
      %add3A_216 = arith.constant 1 : i32
      %add3A_217 = arith.addi %add3A_129, %add3A_216 : i32
      %add3A_218 = arith.constant 4 : i32
      %add3A_219 = arith.addi %add3A_217, %add3A_218 : i32
      %dma_start3A_220 = arith.constant 0 : i32
      %dma_start3A_221 = tpu.memref_slice %arg7[%add3A_219, %dma_start3A_220] : memref<40x125xi32, #tpu.memory_space<vmem>> -> memref<1x125xi32, #tpu.memory_space<vmem>>
      %dma_start3A_222 = tpu.memref_squeeze %dma_start3A_221 : memref<1x125xi32, #tpu.memory_space<vmem>> -> memref<125xi32, #tpu.memory_space<vmem>>
      %dma_start3A_223 = arith.constant 0 : i32
      %dma_start3A_224 = arith.constant 0 : i32
      %dma_start3A_225 = tpu.memref_slice %arg2[%dma_start3A_223, %dma_start3A_224] : memref<10000x16xf32, #tpu.memory_space<hbm>> -> memref<10000x16xf32, #tpu.memory_space<hbm>>
      tpu.enqueue_indirect_dma source(%dma_start3A_225 : memref<10000x16xf32, #tpu.memory_space<hbm>>) target(%arg10 : memref<125x16xf32, #tpu.memory_space<vmem>>) offsets(%dma_start3A_222 : memref<125xi32, #tpu.memory_space<vmem>>) semaphore(%arg15 : memref<!tpu.dma_semaphore, #tpu.memory_space<semaphore_mem>>)
      %dma_wait3A_226 = arith.constant 0 : i32
      %dma_wait3A_227 = tpu.memref_slice %arg8[%add3A_171, %dma_wait3A_226] : memref<40x125xi32, #tpu.memory_space<vmem>> -> memref<1x125xi32, #tpu.memory_space<vmem>>
      %dma_wait3A_228 = tpu.memref_squeeze %dma_wait3A_227 : memref<1x125xi32, #tpu.memory_space<vmem>> -> memref<125xi32, #tpu.memory_space<vmem>>
      %dma_wait3A_229 = arith.constant 0 : i32
      %dma_wait3A_230 = arith.constant 0 : i32
      %dma_wait3A_231 = tpu.memref_slice %arg13[%dma_wait3A_229, %dma_wait3A_230] : memref<10240x16xf32, #tpu.memory_space<vmem_shared>> -> memref<10240x16xf32, #tpu.memory_space<vmem_shared>>
      tpu.wait_indirect_dma semaphore(%arg20 : memref<!tpu.dma_semaphore, #tpu.memory_space<semaphore_mem>>) src(%arg11 : memref<125x16xf32, #tpu.memory_space<vmem>>) dst(%dma_wait3A_231 : memref<10240x16xf32, #tpu.memory_space<vmem_shared>>)
      %add3A_232 = arith.constant 2 : i32
      %add3A_233 = arith.addi %add3A_129, %add3A_232 : i32
      %add3A_234 = arith.constant 4 : i32
      %add3A_235 = arith.addi %add3A_233, %add3A_234 : i32
      %dma_start3A_236 = arith.constant 0 : i32
      %dma_start3A_237 = tpu.memref_slice %arg7[%add3A_235, %dma_start3A_236] : memref<40x125xi32, #tpu.memory_space<vmem>> -> memref<1x125xi32, #tpu.memory_space<vmem>>
      %dma_start3A_238 = tpu.memref_squeeze %dma_start3A_237 : memref<1x125xi32, #tpu.memory_space<vmem>> -> memref<125xi32, #tpu.memory_space<vmem>>
      %dma_start3A_239 = arith.constant 0 : i32
      %dma_start3A_240 = arith.constant 0 : i32
      %dma_start3A_241 = tpu.memref_slice %arg2[%dma_start3A_239, %dma_start3A_240] : memref<10000x16xf32, #tpu.memory_space<hbm>> -> memref<10000x16xf32, #tpu.memory_space<hbm>>
      tpu.enqueue_indirect_dma source(%dma_start3A_241 : memref<10000x16xf32, #tpu.memory_space<hbm>>) target(%arg11 : memref<125x16xf32, #tpu.memory_space<vmem>>) offsets(%dma_start3A_238 : memref<125xi32, #tpu.memory_space<vmem>>) semaphore(%arg16 : memref<!tpu.dma_semaphore, #tpu.memory_space<semaphore_mem>>)
      %dma_wait3A_242 = arith.constant 0 : i32
      %dma_wait3A_243 = tpu.memref_slice %arg8[%add3A_187, %dma_wait3A_242] : memref<40x125xi32, #tpu.memory_space<vmem>> -> memref<1x125xi32, #tpu.memory_space<vmem>>
      %dma_wait3A_244 = tpu.memref_squeeze %dma_wait3A_243 : memref<1x125xi32, #tpu.memory_space<vmem>> -> memref<125xi32, #tpu.memory_space<vmem>>
      %dma_wait3A_245 = arith.constant 0 : i32
      %dma_wait3A_246 = arith.constant 0 : i32
      %dma_wait3A_247 = tpu.memref_slice %arg13[%dma_wait3A_245, %dma_wait3A_246] : memref<10240x16xf32, #tpu.memory_space<vmem_shared>> -> memref<10240x16xf32, #tpu.memory_space<vmem_shared>>
      tpu.wait_indirect_dma semaphore(%arg21 : memref<!tpu.dma_semaphore, #tpu.memory_space<semaphore_mem>>) src(%arg12 : memref<125x16xf32, #tpu.memory_space<vmem>>) dst(%dma_wait3A_247 : memref<10240x16xf32, #tpu.memory_space<vmem_shared>>)
      %add3A_248 = arith.constant 3 : i32
      %add3A_249 = arith.addi %add3A_129, %add3A_248 : i32
      %add3A_250 = arith.constant 4 : i32
      %add3A_251 = arith.addi %add3A_249, %add3A_250 : i32
      %dma_start3A_252 = arith.constant 0 : i32
      %dma_start3A_253 = tpu.memref_slice %arg7[%add3A_251, %dma_start3A_252] : memref<40x125xi32, #tpu.memory_space<vmem>> -> memref<1x125xi32, #tpu.memory_space<vmem>>
      %dma_start3A_254 = tpu.memref_squeeze %dma_start3A_253 : memref<1x125xi32, #tpu.memory_space<vmem>> -> memref<125xi32, #tpu.memory_space<vmem>>
      %dma_start3A_255 = arith.constant 0 : i32
      %dma_start3A_256 = arith.constant 0 : i32
      %dma_start3A_257 = tpu.memref_slice %arg2[%dma_start3A_255, %dma_start3A_256] : memref<10000x16xf32, #tpu.memory_space<hbm>> -> memref<10000x16xf32, #tpu.memory_space<hbm>>
      tpu.enqueue_indirect_dma source(%dma_start3A_257 : memref<10000x16xf32, #tpu.memory_space<hbm>>) target(%arg12 : memref<125x16xf32, #tpu.memory_space<vmem>>) offsets(%dma_start3A_254 : memref<125xi32, #tpu.memory_space<vmem>>) semaphore(%arg17 : memref<!tpu.dma_semaphore, #tpu.memory_space<semaphore_mem>>)
    }
    %scan3A_33 = arith.constant 9 : i32
    %dma_wait3A = arith.constant 36 : i32
    %dma_wait3A_34 = arith.constant 0 : i32
    %dma_wait3A_35 = tpu.memref_slice %arg7[%dma_wait3A, %dma_wait3A_34] : memref<40x125xi32, #tpu.memory_space<vmem>> -> memref<1x125xi32, #tpu.memory_space<vmem>>
    %dma_wait3A_36 = tpu.memref_squeeze %dma_wait3A_35 : memref<1x125xi32, #tpu.memory_space<vmem>> -> memref<125xi32, #tpu.memory_space<vmem>>
    %dma_wait3A_37 = arith.constant 0 : i32
    %dma_wait3A_38 = arith.constant 0 : i32
    %dma_wait3A_39 = tpu.memref_slice %arg2[%dma_wait3A_37, %dma_wait3A_38] : memref<10000x16xf32, #tpu.memory_space<hbm>> -> memref<10000x16xf32, #tpu.memory_space<hbm>>
    tpu.wait_indirect_dma semaphore(%arg14 : memref<!tpu.dma_semaphore, #tpu.memory_space<semaphore_mem>>) src(%dma_wait3A_39 : memref<10000x16xf32, #tpu.memory_space<hbm>>) dst(%arg9 : memref<125x16xf32, #tpu.memory_space<vmem>>)
    %dma_start3A_40 = arith.constant 36 : i32
    %dma_start3A_41 = arith.constant 0 : i32
    %dma_start3A_42 = tpu.memref_slice %arg8[%dma_start3A_40, %dma_start3A_41] : memref<40x125xi32, #tpu.memory_space<vmem>> -> memref<1x125xi32, #tpu.memory_space<vmem>>
    %dma_start3A_43 = tpu.memref_squeeze %dma_start3A_42 : memref<1x125xi32, #tpu.memory_space<vmem>> -> memref<125xi32, #tpu.memory_space<vmem>>
    %dma_start3A_44 = arith.constant 0 : i32
    %dma_start3A_45 = arith.constant 0 : i32
    %dma_start3A_46 = tpu.memref_slice %arg13[%dma_start3A_44, %dma_start3A_45] : memref<10240x16xf32, #tpu.memory_space<vmem_shared>> -> memref<10240x16xf32, #tpu.memory_space<vmem_shared>>
    tpu.enqueue_indirect_dma source(%arg9 : memref<125x16xf32, #tpu.memory_space<vmem>>) target(%dma_start3A_46 : memref<10240x16xf32, #tpu.memory_space<vmem_shared>>) offsets(%dma_start3A_43 : memref<125xi32, #tpu.memory_space<vmem>>) semaphore(%arg18 : memref<!tpu.dma_semaphore, #tpu.memory_space<semaphore_mem>>) {add = true}
    %dma_wait3A_47 = arith.constant 37 : i32
    %dma_wait3A_48 = arith.constant 0 : i32
    %dma_wait3A_49 = tpu.memref_slice %arg7[%dma_wait3A_47, %dma_wait3A_48] : memref<40x125xi32, #tpu.memory_space<vmem>> -> memref<1x125xi32, #tpu.memory_space<vmem>>
    %dma_wait3A_50 = tpu.memref_squeeze %dma_wait3A_49 : memref<1x125xi32, #tpu.memory_space<vmem>> -> memref<125xi32, #tpu.memory_space<vmem>>
    %dma_wait3A_51 = arith.constant 0 : i32
    %dma_wait3A_52 = arith.constant 0 : i32
    %dma_wait3A_53 = tpu.memref_slice %arg2[%dma_wait3A_51, %dma_wait3A_52] : memref<10000x16xf32, #tpu.memory_space<hbm>> -> memref<10000x16xf32, #tpu.memory_space<hbm>>
    tpu.wait_indirect_dma semaphore(%arg15 : memref<!tpu.dma_semaphore, #tpu.memory_space<semaphore_mem>>) src(%dma_wait3A_53 : memref<10000x16xf32, #tpu.memory_space<hbm>>) dst(%arg10 : memref<125x16xf32, #tpu.memory_space<vmem>>)
    %dma_start3A_54 = arith.constant 37 : i32
    %dma_start3A_55 = arith.constant 0 : i32
    %dma_start3A_56 = tpu.memref_slice %arg8[%dma_start3A_54, %dma_start3A_55] : memref<40x125xi32, #tpu.memory_space<vmem>> -> memref<1x125xi32, #tpu.memory_space<vmem>>
    %dma_start3A_57 = tpu.memref_squeeze %dma_start3A_56 : memref<1x125xi32, #tpu.memory_space<vmem>> -> memref<125xi32, #tpu.memory_space<vmem>>
    %dma_start3A_58 = arith.constant 0 : i32
    %dma_start3A_59 = arith.constant 0 : i32
    %dma_start3A_60 = tpu.memref_slice %arg13[%dma_start3A_58, %dma_start3A_59] : memref<10240x16xf32, #tpu.memory_space<vmem_shared>> -> memref<10240x16xf32, #tpu.memory_space<vmem_shared>>
    tpu.enqueue_indirect_dma source(%arg10 : memref<125x16xf32, #tpu.memory_space<vmem>>) target(%dma_start3A_60 : memref<10240x16xf32, #tpu.memory_space<vmem_shared>>) offsets(%dma_start3A_57 : memref<125xi32, #tpu.memory_space<vmem>>) semaphore(%arg19 : memref<!tpu.dma_semaphore, #tpu.memory_space<semaphore_mem>>) {add = true}
    %dma_wait3A_61 = arith.constant 38 : i32
    %dma_wait3A_62 = arith.constant 0 : i32
    %dma_wait3A_63 = tpu.memref_slice %arg7[%dma_wait3A_61, %dma_wait3A_62] : memref<40x125xi32, #tpu.memory_space<vmem>> -> memref<1x125xi32, #tpu.memory_space<vmem>>
    %dma_wait3A_64 = tpu.memref_squeeze %dma_wait3A_63 : memref<1x125xi32, #tpu.memory_space<vmem>> -> memref<125xi32, #tpu.memory_space<vmem>>
    %dma_wait3A_65 = arith.constant 0 : i32
    %dma_wait3A_66 = arith.constant 0 : i32
    %dma_wait3A_67 = tpu.memref_slice %arg2[%dma_wait3A_65, %dma_wait3A_66] : memref<10000x16xf32, #tpu.memory_space<hbm>> -> memref<10000x16xf32, #tpu.memory_space<hbm>>
    tpu.wait_indirect_dma semaphore(%arg16 : memref<!tpu.dma_semaphore, #tpu.memory_space<semaphore_mem>>) src(%dma_wait3A_67 : memref<10000x16xf32, #tpu.memory_space<hbm>>) dst(%arg11 : memref<125x16xf32, #tpu.memory_space<vmem>>)
    %dma_start3A_68 = arith.constant 38 : i32
    %dma_start3A_69 = arith.constant 0 : i32
    %dma_start3A_70 = tpu.memref_slice %arg8[%dma_start3A_68, %dma_start3A_69] : memref<40x125xi32, #tpu.memory_space<vmem>> -> memref<1x125xi32, #tpu.memory_space<vmem>>
    %dma_start3A_71 = tpu.memref_squeeze %dma_start3A_70 : memref<1x125xi32, #tpu.memory_space<vmem>> -> memref<125xi32, #tpu.memory_space<vmem>>
    %dma_start3A_72 = arith.constant 0 : i32
    %dma_start3A_73 = arith.constant 0 : i32
    %dma_start3A_74 = tpu.memref_slice %arg13[%dma_start3A_72, %dma_start3A_73] : memref<10240x16xf32, #tpu.memory_space<vmem_shared>> -> memref<10240x16xf32, #tpu.memory_space<vmem_shared>>
    tpu.enqueue_indirect_dma source(%arg11 : memref<125x16xf32, #tpu.memory_space<vmem>>) target(%dma_start3A_74 : memref<10240x16xf32, #tpu.memory_space<vmem_shared>>) offsets(%dma_start3A_71 : memref<125xi32, #tpu.memory_space<vmem>>) semaphore(%arg20 : memref<!tpu.dma_semaphore, #tpu.memory_space<semaphore_mem>>) {add = true}
    %dma_wait3A_75 = arith.constant 39 : i32
    %dma_wait3A_76 = arith.constant 0 : i32
    %dma_wait3A_77 = tpu.memref_slice %arg7[%dma_wait3A_75, %dma_wait3A_76] : memref<40x125xi32, #tpu.memory_space<vmem>> -> memref<1x125xi32, #tpu.memory_space<vmem>>
    %dma_wait3A_78 = tpu.memref_squeeze %dma_wait3A_77 : memref<1x125xi32, #tpu.memory_space<vmem>> -> memref<125xi32, #tpu.memory_space<vmem>>
    %dma_wait3A_79 = arith.constant 0 : i32
    %dma_wait3A_80 = arith.constant 0 : i32
    %dma_wait3A_81 = tpu.memref_slice %arg2[%dma_wait3A_79, %dma_wait3A_80] : memref<10000x16xf32, #tpu.memory_space<hbm>> -> memref<10000x16xf32, #tpu.memory_space<hbm>>
    tpu.wait_indirect_dma semaphore(%arg17 : memref<!tpu.dma_semaphore, #tpu.memory_space<semaphore_mem>>) src(%dma_wait3A_81 : memref<10000x16xf32, #tpu.memory_space<hbm>>) dst(%arg12 : memref<125x16xf32, #tpu.memory_space<vmem>>)
    %dma_start3A_82 = arith.constant 39 : i32
    %dma_start3A_83 = arith.constant 0 : i32
    %dma_start3A_84 = tpu.memref_slice %arg8[%dma_start3A_82, %dma_start3A_83] : memref<40x125xi32, #tpu.memory_space<vmem>> -> memref<1x125xi32, #tpu.memory_space<vmem>>
    %dma_start3A_85 = tpu.memref_squeeze %dma_start3A_84 : memref<1x125xi32, #tpu.memory_space<vmem>> -> memref<125xi32, #tpu.memory_space<vmem>>
    %dma_start3A_86 = arith.constant 0 : i32
    %dma_start3A_87 = arith.constant 0 : i32
    %dma_start3A_88 = tpu.memref_slice %arg13[%dma_start3A_86, %dma_start3A_87] : memref<10240x16xf32, #tpu.memory_space<vmem_shared>> -> memref<10240x16xf32, #tpu.memory_space<vmem_shared>>
    tpu.enqueue_indirect_dma source(%arg12 : memref<125x16xf32, #tpu.memory_space<vmem>>) target(%dma_start3A_88 : memref<10240x16xf32, #tpu.memory_space<vmem_shared>>) offsets(%dma_start3A_85 : memref<125xi32, #tpu.memory_space<vmem>>) semaphore(%arg21 : memref<!tpu.dma_semaphore, #tpu.memory_space<semaphore_mem>>) {add = true}
    %dma_wait3A_89 = arith.constant 36 : i32
    %dma_wait3A_90 = arith.constant 0 : i32
    %dma_wait3A_91 = tpu.memref_slice %arg8[%dma_wait3A_89, %dma_wait3A_90] : memref<40x125xi32, #tpu.memory_space<vmem>> -> memref<1x125xi32, #tpu.memory_space<vmem>>
    %dma_wait3A_92 = tpu.memref_squeeze %dma_wait3A_91 : memref<1x125xi32, #tpu.memory_space<vmem>> -> memref<125xi32, #tpu.memory_space<vmem>>
    %dma_wait3A_93 = arith.constant 0 : i32
    %dma_wait3A_94 = arith.constant 0 : i32
    %dma_wait3A_95 = tpu.memref_slice %arg13[%dma_wait3A_93, %dma_wait3A_94] : memref<10240x16xf32, #tpu.memory_space<vmem_shared>> -> memref<10240x16xf32, #tpu.memory_space<vmem_shared>>
    tpu.wait_indirect_dma semaphore(%arg18 : memref<!tpu.dma_semaphore, #tpu.memory_space<semaphore_mem>>) src(%arg9 : memref<125x16xf32, #tpu.memory_space<vmem>>) dst(%dma_wait3A_95 : memref<10240x16xf32, #tpu.memory_space<vmem_shared>>)
    %dma_wait3A_96 = arith.constant 37 : i32
    %dma_wait3A_97 = arith.constant 0 : i32
    %dma_wait3A_98 = tpu.memref_slice %arg8[%dma_wait3A_96, %dma_wait3A_97] : memref<40x125xi32, #tpu.memory_space<vmem>> -> memref<1x125xi32, #tpu.memory_space<vmem>>
    %dma_wait3A_99 = tpu.memref_squeeze %dma_wait3A_98 : memref<1x125xi32, #tpu.memory_space<vmem>> -> memref<125xi32, #tpu.memory_space<vmem>>
    %dma_wait3A_100 = arith.constant 0 : i32
    %dma_wait3A_101 = arith.constant 0 : i32
    %dma_wait3A_102 = tpu.memref_slice %arg13[%dma_wait3A_100, %dma_wait3A_101] : memref<10240x16xf32, #tpu.memory_space<vmem_shared>> -> memref<10240x16xf32, #tpu.memory_space<vmem_shared>>
    tpu.wait_indirect_dma semaphore(%arg19 : memref<!tpu.dma_semaphore, #tpu.memory_space<semaphore_mem>>) src(%arg10 : memref<125x16xf32, #tpu.memory_space<vmem>>) dst(%dma_wait3A_102 : memref<10240x16xf32, #tpu.memory_space<vmem_shared>>)
    %dma_wait3A_103 = arith.constant 38 : i32
    %dma_wait3A_104 = arith.constant 0 : i32
    %dma_wait3A_105 = tpu.memref_slice %arg8[%dma_wait3A_103, %dma_wait3A_104] : memref<40x125xi32, #tpu.memory_space<vmem>> -> memref<1x125xi32, #tpu.memory_space<vmem>>
    %dma_wait3A_106 = tpu.memref_squeeze %dma_wait3A_105 : memref<1x125xi32, #tpu.memory_space<vmem>> -> memref<125xi32, #tpu.memory_space<vmem>>
    %dma_wait3A_107 = arith.constant 0 : i32
    %dma_wait3A_108 = arith.constant 0 : i32
    %dma_wait3A_109 = tpu.memref_slice %arg13[%dma_wait3A_107, %dma_wait3A_108] : memref<10240x16xf32, #tpu.memory_space<vmem_shared>> -> memref<10240x16xf32, #tpu.memory_space<vmem_shared>>
    tpu.wait_indirect_dma semaphore(%arg20 : memref<!tpu.dma_semaphore, #tpu.memory_space<semaphore_mem>>) src(%arg11 : memref<125x16xf32, #tpu.memory_space<vmem>>) dst(%dma_wait3A_109 : memref<10240x16xf32, #tpu.memory_space<vmem_shared>>)
    %dma_wait3A_110 = arith.constant 39 : i32
    %dma_wait3A_111 = arith.constant 0 : i32
    %dma_wait3A_112 = tpu.memref_slice %arg8[%dma_wait3A_110, %dma_wait3A_111] : memref<40x125xi32, #tpu.memory_space<vmem>> -> memref<1x125xi32, #tpu.memory_space<vmem>>
    %dma_wait3A_113 = tpu.memref_squeeze %dma_wait3A_112 : memref<1x125xi32, #tpu.memory_space<vmem>> -> memref<125xi32, #tpu.memory_space<vmem>>
    %dma_wait3A_114 = arith.constant 0 : i32
    %dma_wait3A_115 = arith.constant 0 : i32
    %dma_wait3A_116 = tpu.memref_slice %arg13[%dma_wait3A_114, %dma_wait3A_115] : memref<10240x16xf32, #tpu.memory_space<vmem_shared>> -> memref<10240x16xf32, #tpu.memory_space<vmem_shared>>
    tpu.wait_indirect_dma semaphore(%arg21 : memref<!tpu.dma_semaphore, #tpu.memory_space<semaphore_mem>>) src(%arg12 : memref<125x16xf32, #tpu.memory_space<vmem>>) dst(%dma_wait3A_116 : memref<10240x16xf32, #tpu.memory_space<vmem_shared>>)
    %barrier3A_117 = arith.constant 0 : index
    tpu.barrier barrier_id(%barrier3A_117)
    %mul3A_118 = arith.constant 640 : i32
    %mul3A_119 = arith.muli %arg1, %mul3A_118 : i32
    %mul3A_120 = arith.constant 10240 : i32
    %mul3A_121 = arith.muli %arg0, %mul3A_120 : i32
    %mul3A_122 = arith.constant 640 : i32
    %mul3A_123 = arith.muli %arg1, %mul3A_122 : i32
    %add3A_124 = arith.addi %mul3A_121, %mul3A_123 : i32
    "tpu.region"() ({
      %run_scoped3A = tpu.sem_alloc : memref<!tpu.dma_semaphore, #tpu.memory_space<semaphore_mem>>
      %dma_start3A_125 = arith.constant 0 : i32
      %dma_start3A_126 = tpu.memref_slice %arg6[%add3A_124, %dma_start3A_125] : memref<20480x16xf32, #tpu.memory_space<hbm>> -> memref<640x16xf32, #tpu.memory_space<hbm>>
      %dma_start3A_127 = arith.constant 0 : i32
      %dma_start3A_128 = tpu.memref_slice %arg13[%mul3A_119, %dma_start3A_127] : memref<10240x16xf32, #tpu.memory_space<vmem_shared>> -> memref<640x16xf32, #tpu.memory_space<vmem_shared>>
      tpu.enqueue_dma source(%dma_start3A_128 : memref<640x16xf32, #tpu.memory_space<vmem_shared>>) target(%dma_start3A_126 : memref<640x16xf32, #tpu.memory_space<hbm>>) target_semaphore(%run_scoped3A : memref<!tpu.dma_semaphore, #tpu.memory_space<semaphore_mem>>)
      %dma_wait3A_129 = arith.constant 0 : i32
      %dma_wait3A_130 = tpu.memref_slice %arg6[%add3A_124, %dma_wait3A_129] : memref<20480x16xf32, #tpu.memory_space<hbm>> -> memref<640x16xf32, #tpu.memory_space<hbm>>
      %dma_wait3A_131 = arith.constant 0 : i32
      %dma_wait3A_132 = tpu.memref_slice %arg13[%mul3A_119, %dma_wait3A_131] : memref<10240x16xf32, #tpu.memory_space<vmem_shared>> -> memref<640x16xf32, #tpu.memory_space<vmem_shared>>
      tpu.wait_dma2 semaphore(%run_scoped3A : memref<!tpu.dma_semaphore, #tpu.memory_space<semaphore_mem>>) src(%dma_wait3A_132 : memref<640x16xf32, #tpu.memory_space<vmem_shared>>) dst(%dma_wait3A_130 : memref<640x16xf32, #tpu.memory_space<hbm>>)
      tpu.yield
    }) : () -> ()
    return
  }
}

#map = affine_map<(d0, d1) -> (0, 0, 0)>
#map1 = affine_map<(d0, d1) -> (0, 0)>
module attributes {stable_mosaic.version = 14 : i64} {
  func.func @_deg_body(%arg0: i32, %arg1: i32, %arg2: memref<32x40x125xi32, #tpu.memory_space<hbm>>, %arg3: memref<125x16xf32, #tpu.memory_space<hbm>>, %arg4: memref<640x16xf32, #tpu.memory_space<hbm>>, %arg5: memref<20480x16xf32, #tpu.memory_space<hbm>>, %arg6: memref<40x125xi32, #tpu.memory_space<vmem>>, %arg7: memref<125x16xf32, #tpu.memory_space<vmem>>, %arg8: memref<10240x16xf32, #tpu.memory_space<vmem_shared>>, %arg9: memref<!tpu.dma_semaphore, #tpu.memory_space<semaphore_mem>>) attributes {dimension_semantics = [#tpu.dimension_semantics<core_parallel>, #tpu.dimension_semantics<subcore_parallel>], iteration_bounds = array<i64: 2, 16>, scalar_prefetch = 0 : i64, scratch_operands = 4 : i64, tpu.core_type = #tpu.core_type<sc_vector_subcore>, window_params = [{transform_indices = #map}, {transform_indices = #map1}, {transform_indices = #map1}, {transform_indices = #map1}]} {
    %mul3A = arith.constant 16 : i32
    %mul3A_0 = arith.muli %arg0, %mul3A : i32
    %add3A = arith.addi %mul3A_0, %arg1 : i32
    %mul3A_1 = arith.constant 640 : i32
    %mul3A_2 = arith.muli %arg1, %mul3A_1 : i32
    "tpu.region"() ({
      %run_scoped3A = tpu.sem_alloc : memref<!tpu.dma_semaphore, #tpu.memory_space<semaphore_mem>>
      %dma_start3A = arith.constant 0 : i32
      %dma_start3A_15 = tpu.memref_slice %arg8[%mul3A_2, %dma_start3A] : memref<10240x16xf32, #tpu.memory_space<vmem_shared>> -> memref<640x16xf32, #tpu.memory_space<vmem_shared>>
      tpu.enqueue_dma source(%arg4 : memref<640x16xf32, #tpu.memory_space<hbm>>) target(%dma_start3A_15 : memref<640x16xf32, #tpu.memory_space<vmem_shared>>) target_semaphore(%run_scoped3A : memref<!tpu.dma_semaphore, #tpu.memory_space<semaphore_mem>>)
      %dma_wait3A = arith.constant 0 : i32
      %dma_wait3A_16 = tpu.memref_slice %arg8[%mul3A_2, %dma_wait3A] : memref<10240x16xf32, #tpu.memory_space<vmem_shared>> -> memref<640x16xf32, #tpu.memory_space<vmem_shared>>
      tpu.wait_dma2 semaphore(%run_scoped3A : memref<!tpu.dma_semaphore, #tpu.memory_space<semaphore_mem>>) src(%arg4 : memref<640x16xf32, #tpu.memory_space<hbm>>) dst(%dma_wait3A_16 : memref<640x16xf32, #tpu.memory_space<vmem_shared>>)
      tpu.yield
    }) : () -> ()
    "tpu.region"() ({
      %run_scoped3A = tpu.sem_alloc : memref<!tpu.dma_semaphore, #tpu.memory_space<semaphore_mem>>
      tpu.enqueue_dma source(%arg3 : memref<125x16xf32, #tpu.memory_space<hbm>>) target(%arg7 : memref<125x16xf32, #tpu.memory_space<vmem>>) target_semaphore(%run_scoped3A : memref<!tpu.dma_semaphore, #tpu.memory_space<semaphore_mem>>)
      tpu.wait_dma2 semaphore(%run_scoped3A : memref<!tpu.dma_semaphore, #tpu.memory_space<semaphore_mem>>) src(%arg3 : memref<125x16xf32, #tpu.memory_space<hbm>>) dst(%arg7 : memref<125x16xf32, #tpu.memory_space<vmem>>)
      tpu.yield
    }) : () -> ()
    "tpu.region"() ({
      %run_scoped3A = tpu.sem_alloc : memref<!tpu.dma_semaphore, #tpu.memory_space<semaphore_mem>>
      %dma_start3A = arith.constant 0 : i32
      %dma_start3A_15 = arith.constant 0 : i32
      %dma_start3A_16 = tpu.memref_slice %arg2[%add3A, %dma_start3A, %dma_start3A_15] : memref<32x40x125xi32, #tpu.memory_space<hbm>> -> memref<1x40x125xi32, #tpu.memory_space<hbm>>
      %dma_start3A_17 = tpu.memref_squeeze %dma_start3A_16 : memref<1x40x125xi32, #tpu.memory_space<hbm>> -> memref<40x125xi32, #tpu.memory_space<hbm>>
      %dma_start3A_18 = arith.constant 0 : i32
      %dma_start3A_19 = arith.constant 0 : i32
      %dma_start3A_20 = tpu.memref_slice %arg2[%add3A, %dma_start3A_18, %dma_start3A_19] : memref<32x40x125xi32, #tpu.memory_space<hbm>> -> memref<1x40x125xi32, #tpu.memory_space<hbm>>
      %dma_start3A_21 = tpu.memref_squeeze %dma_start3A_20 : memref<1x40x125xi32, #tpu.memory_space<hbm>> -> memref<40x125xi32, #tpu.memory_space<hbm>>
      tpu.enqueue_dma source(%dma_start3A_21 : memref<40x125xi32, #tpu.memory_space<hbm>>) target(%arg6 : memref<40x125xi32, #tpu.memory_space<vmem>>) target_semaphore(%run_scoped3A : memref<!tpu.dma_semaphore, #tpu.memory_space<semaphore_mem>>)
      %dma_wait3A = arith.constant 0 : i32
      %dma_wait3A_22 = arith.constant 0 : i32
      %dma_wait3A_23 = tpu.memref_slice %arg2[%add3A, %dma_wait3A, %dma_wait3A_22] : memref<32x40x125xi32, #tpu.memory_space<hbm>> -> memref<1x40x125xi32, #tpu.memory_space<hbm>>
      %dma_wait3A_24 = tpu.memref_squeeze %dma_wait3A_23 : memref<1x40x125xi32, #tpu.memory_space<hbm>> -> memref<40x125xi32, #tpu.memory_space<hbm>>
      %dma_wait3A_25 = arith.constant 0 : i32
      %dma_wait3A_26 = arith.constant 0 : i32
      %dma_wait3A_27 = tpu.memref_slice %arg2[%add3A, %dma_wait3A_25, %dma_wait3A_26] : memref<32x40x125xi32, #tpu.memory_space<hbm>> -> memref<1x40x125xi32, #tpu.memory_space<hbm>>
      %dma_wait3A_28 = tpu.memref_squeeze %dma_wait3A_27 : memref<1x40x125xi32, #tpu.memory_space<hbm>> -> memref<40x125xi32, #tpu.memory_space<hbm>>
      tpu.wait_dma2 semaphore(%run_scoped3A : memref<!tpu.dma_semaphore, #tpu.memory_space<semaphore_mem>>) src(%dma_wait3A_28 : memref<40x125xi32, #tpu.memory_space<hbm>>) dst(%arg6 : memref<40x125xi32, #tpu.memory_space<vmem>>)
      tpu.yield
    }) : () -> ()
    %barrier3A = arith.constant 0 : index
    tpu.barrier barrier_id(%barrier3A)
    %scan3A = arith.constant 0 : i32
    %scan3A_3 = arith.constant 5 : i32
    %scan3A_4 = arith.addi %scan3A, %scan3A_3 : i32
    %scan3A_5 = arith.constant 1 : i32
    scf.for %scan3A_15 = %scan3A to %scan3A_4 step %scan3A_5  : i32 {
      %mul3A_16 = arith.constant 8 : i32
      %mul3A_17 = arith.muli %scan3A_15, %mul3A_16 : i32
      %add3A_18 = arith.constant 0 : i32
      %add3A_19 = arith.addi %add3A_18, %mul3A_17 : i32
      %add3A_20 = arith.constant 0 : i32
      %add3A_21 = arith.addi %add3A_19, %add3A_20 : i32
      %dma_start3A = arith.constant 0 : i32
      %dma_start3A_22 = tpu.memref_slice %arg6[%add3A_21, %dma_start3A] : memref<40x125xi32, #tpu.memory_space<vmem>> -> memref<1x125xi32, #tpu.memory_space<vmem>>
      %dma_start3A_23 = tpu.memref_squeeze %dma_start3A_22 : memref<1x125xi32, #tpu.memory_space<vmem>> -> memref<125xi32, #tpu.memory_space<vmem>>
      %dma_start3A_24 = arith.constant 0 : i32
      %dma_start3A_25 = arith.constant 0 : i32
      %dma_start3A_26 = tpu.memref_slice %arg8[%dma_start3A_24, %dma_start3A_25] : memref<10240x16xf32, #tpu.memory_space<vmem_shared>> -> memref<10240x16xf32, #tpu.memory_space<vmem_shared>>
      tpu.enqueue_indirect_dma source(%arg7 : memref<125x16xf32, #tpu.memory_space<vmem>>) target(%dma_start3A_26 : memref<10240x16xf32, #tpu.memory_space<vmem_shared>>) offsets(%dma_start3A_23 : memref<125xi32, #tpu.memory_space<vmem>>) semaphore(%arg9 : memref<!tpu.dma_semaphore, #tpu.memory_space<semaphore_mem>>) {add = true}
      %add3A_27 = arith.constant 1 : i32
      %add3A_28 = arith.addi %add3A_19, %add3A_27 : i32
      %dma_start3A_29 = arith.constant 0 : i32
      %dma_start3A_30 = tpu.memref_slice %arg6[%add3A_28, %dma_start3A_29] : memref<40x125xi32, #tpu.memory_space<vmem>> -> memref<1x125xi32, #tpu.memory_space<vmem>>
      %dma_start3A_31 = tpu.memref_squeeze %dma_start3A_30 : memref<1x125xi32, #tpu.memory_space<vmem>> -> memref<125xi32, #tpu.memory_space<vmem>>
      %dma_start3A_32 = arith.constant 0 : i32
      %dma_start3A_33 = arith.constant 0 : i32
      %dma_start3A_34 = tpu.memref_slice %arg8[%dma_start3A_32, %dma_start3A_33] : memref<10240x16xf32, #tpu.memory_space<vmem_shared>> -> memref<10240x16xf32, #tpu.memory_space<vmem_shared>>
      tpu.enqueue_indirect_dma source(%arg7 : memref<125x16xf32, #tpu.memory_space<vmem>>) target(%dma_start3A_34 : memref<10240x16xf32, #tpu.memory_space<vmem_shared>>) offsets(%dma_start3A_31 : memref<125xi32, #tpu.memory_space<vmem>>) semaphore(%arg9 : memref<!tpu.dma_semaphore, #tpu.memory_space<semaphore_mem>>) {add = true}
      %add3A_35 = arith.constant 2 : i32
      %add3A_36 = arith.addi %add3A_19, %add3A_35 : i32
      %dma_start3A_37 = arith.constant 0 : i32
      %dma_start3A_38 = tpu.memref_slice %arg6[%add3A_36, %dma_start3A_37] : memref<40x125xi32, #tpu.memory_space<vmem>> -> memref<1x125xi32, #tpu.memory_space<vmem>>
      %dma_start3A_39 = tpu.memref_squeeze %dma_start3A_38 : memref<1x125xi32, #tpu.memory_space<vmem>> -> memref<125xi32, #tpu.memory_space<vmem>>
      %dma_start3A_40 = arith.constant 0 : i32
      %dma_start3A_41 = arith.constant 0 : i32
      %dma_start3A_42 = tpu.memref_slice %arg8[%dma_start3A_40, %dma_start3A_41] : memref<10240x16xf32, #tpu.memory_space<vmem_shared>> -> memref<10240x16xf32, #tpu.memory_space<vmem_shared>>
      tpu.enqueue_indirect_dma source(%arg7 : memref<125x16xf32, #tpu.memory_space<vmem>>) target(%dma_start3A_42 : memref<10240x16xf32, #tpu.memory_space<vmem_shared>>) offsets(%dma_start3A_39 : memref<125xi32, #tpu.memory_space<vmem>>) semaphore(%arg9 : memref<!tpu.dma_semaphore, #tpu.memory_space<semaphore_mem>>) {add = true}
      %add3A_43 = arith.constant 3 : i32
      %add3A_44 = arith.addi %add3A_19, %add3A_43 : i32
      %dma_start3A_45 = arith.constant 0 : i32
      %dma_start3A_46 = tpu.memref_slice %arg6[%add3A_44, %dma_start3A_45] : memref<40x125xi32, #tpu.memory_space<vmem>> -> memref<1x125xi32, #tpu.memory_space<vmem>>
      %dma_start3A_47 = tpu.memref_squeeze %dma_start3A_46 : memref<1x125xi32, #tpu.memory_space<vmem>> -> memref<125xi32, #tpu.memory_space<vmem>>
      %dma_start3A_48 = arith.constant 0 : i32
      %dma_start3A_49 = arith.constant 0 : i32
      %dma_start3A_50 = tpu.memref_slice %arg8[%dma_start3A_48, %dma_start3A_49] : memref<10240x16xf32, #tpu.memory_space<vmem_shared>> -> memref<10240x16xf32, #tpu.memory_space<vmem_shared>>
      tpu.enqueue_indirect_dma source(%arg7 : memref<125x16xf32, #tpu.memory_space<vmem>>) target(%dma_start3A_50 : memref<10240x16xf32, #tpu.memory_space<vmem_shared>>) offsets(%dma_start3A_47 : memref<125xi32, #tpu.memory_space<vmem>>) semaphore(%arg9 : memref<!tpu.dma_semaphore, #tpu.memory_space<semaphore_mem>>) {add = true}
      %add3A_51 = arith.constant 4 : i32
      %add3A_52 = arith.addi %add3A_19, %add3A_51 : i32
      %dma_start3A_53 = arith.constant 0 : i32
      %dma_start3A_54 = tpu.memref_slice %arg6[%add3A_52, %dma_start3A_53] : memref<40x125xi32, #tpu.memory_space<vmem>> -> memref<1x125xi32, #tpu.memory_space<vmem>>
      %dma_start3A_55 = tpu.memref_squeeze %dma_start3A_54 : memref<1x125xi32, #tpu.memory_space<vmem>> -> memref<125xi32, #tpu.memory_space<vmem>>
      %dma_start3A_56 = arith.constant 0 : i32
      %dma_start3A_57 = arith.constant 0 : i32
      %dma_start3A_58 = tpu.memref_slice %arg8[%dma_start3A_56, %dma_start3A_57] : memref<10240x16xf32, #tpu.memory_space<vmem_shared>> -> memref<10240x16xf32, #tpu.memory_space<vmem_shared>>
      tpu.enqueue_indirect_dma source(%arg7 : memref<125x16xf32, #tpu.memory_space<vmem>>) target(%dma_start3A_58 : memref<10240x16xf32, #tpu.memory_space<vmem_shared>>) offsets(%dma_start3A_55 : memref<125xi32, #tpu.memory_space<vmem>>) semaphore(%arg9 : memref<!tpu.dma_semaphore, #tpu.memory_space<semaphore_mem>>) {add = true}
      %add3A_59 = arith.constant 5 : i32
      %add3A_60 = arith.addi %add3A_19, %add3A_59 : i32
      %dma_start3A_61 = arith.constant 0 : i32
      %dma_start3A_62 = tpu.memref_slice %arg6[%add3A_60, %dma_start3A_61] : memref<40x125xi32, #tpu.memory_space<vmem>> -> memref<1x125xi32, #tpu.memory_space<vmem>>
      %dma_start3A_63 = tpu.memref_squeeze %dma_start3A_62 : memref<1x125xi32, #tpu.memory_space<vmem>> -> memref<125xi32, #tpu.memory_space<vmem>>
      %dma_start3A_64 = arith.constant 0 : i32
      %dma_start3A_65 = arith.constant 0 : i32
      %dma_start3A_66 = tpu.memref_slice %arg8[%dma_start3A_64, %dma_start3A_65] : memref<10240x16xf32, #tpu.memory_space<vmem_shared>> -> memref<10240x16xf32, #tpu.memory_space<vmem_shared>>
      tpu.enqueue_indirect_dma source(%arg7 : memref<125x16xf32, #tpu.memory_space<vmem>>) target(%dma_start3A_66 : memref<10240x16xf32, #tpu.memory_space<vmem_shared>>) offsets(%dma_start3A_63 : memref<125xi32, #tpu.memory_space<vmem>>) semaphore(%arg9 : memref<!tpu.dma_semaphore, #tpu.memory_space<semaphore_mem>>) {add = true}
      %add3A_67 = arith.constant 6 : i32
      %add3A_68 = arith.addi %add3A_19, %add3A_67 : i32
      %dma_start3A_69 = arith.constant 0 : i32
      %dma_start3A_70 = tpu.memref_slice %arg6[%add3A_68, %dma_start3A_69] : memref<40x125xi32, #tpu.memory_space<vmem>> -> memref<1x125xi32, #tpu.memory_space<vmem>>
      %dma_start3A_71 = tpu.memref_squeeze %dma_start3A_70 : memref<1x125xi32, #tpu.memory_space<vmem>> -> memref<125xi32, #tpu.memory_space<vmem>>
      %dma_start3A_72 = arith.constant 0 : i32
      %dma_start3A_73 = arith.constant 0 : i32
      %dma_start3A_74 = tpu.memref_slice %arg8[%dma_start3A_72, %dma_start3A_73] : memref<10240x16xf32, #tpu.memory_space<vmem_shared>> -> memref<10240x16xf32, #tpu.memory_space<vmem_shared>>
      tpu.enqueue_indirect_dma source(%arg7 : memref<125x16xf32, #tpu.memory_space<vmem>>) target(%dma_start3A_74 : memref<10240x16xf32, #tpu.memory_space<vmem_shared>>) offsets(%dma_start3A_71 : memref<125xi32, #tpu.memory_space<vmem>>) semaphore(%arg9 : memref<!tpu.dma_semaphore, #tpu.memory_space<semaphore_mem>>) {add = true}
      %add3A_75 = arith.constant 7 : i32
      %add3A_76 = arith.addi %add3A_19, %add3A_75 : i32
      %dma_start3A_77 = arith.constant 0 : i32
      %dma_start3A_78 = tpu.memref_slice %arg6[%add3A_76, %dma_start3A_77] : memref<40x125xi32, #tpu.memory_space<vmem>> -> memref<1x125xi32, #tpu.memory_space<vmem>>
      %dma_start3A_79 = tpu.memref_squeeze %dma_start3A_78 : memref<1x125xi32, #tpu.memory_space<vmem>> -> memref<125xi32, #tpu.memory_space<vmem>>
      %dma_start3A_80 = arith.constant 0 : i32
      %dma_start3A_81 = arith.constant 0 : i32
      %dma_start3A_82 = tpu.memref_slice %arg8[%dma_start3A_80, %dma_start3A_81] : memref<10240x16xf32, #tpu.memory_space<vmem_shared>> -> memref<10240x16xf32, #tpu.memory_space<vmem_shared>>
      tpu.enqueue_indirect_dma source(%arg7 : memref<125x16xf32, #tpu.memory_space<vmem>>) target(%dma_start3A_82 : memref<10240x16xf32, #tpu.memory_space<vmem_shared>>) offsets(%dma_start3A_79 : memref<125xi32, #tpu.memory_space<vmem>>) semaphore(%arg9 : memref<!tpu.dma_semaphore, #tpu.memory_space<semaphore_mem>>) {add = true}
      %dma_wait3A = arith.constant 0 : i32
      %dma_wait3A_83 = tpu.memref_slice %arg6[%add3A_21, %dma_wait3A] : memref<40x125xi32, #tpu.memory_space<vmem>> -> memref<1x125xi32, #tpu.memory_space<vmem>>
      %dma_wait3A_84 = tpu.memref_squeeze %dma_wait3A_83 : memref<1x125xi32, #tpu.memory_space<vmem>> -> memref<125xi32, #tpu.memory_space<vmem>>
      %dma_wait3A_85 = arith.constant 0 : i32
      %dma_wait3A_86 = arith.constant 0 : i32
      %dma_wait3A_87 = tpu.memref_slice %arg8[%dma_wait3A_85, %dma_wait3A_86] : memref<10240x16xf32, #tpu.memory_space<vmem_shared>> -> memref<10240x16xf32, #tpu.memory_space<vmem_shared>>
      tpu.wait_indirect_dma semaphore(%arg9 : memref<!tpu.dma_semaphore, #tpu.memory_space<semaphore_mem>>) src(%arg7 : memref<125x16xf32, #tpu.memory_space<vmem>>) dst(%dma_wait3A_87 : memref<10240x16xf32, #tpu.memory_space<vmem_shared>>)
      %dma_wait3A_88 = arith.constant 0 : i32
      %dma_wait3A_89 = tpu.memref_slice %arg6[%add3A_28, %dma_wait3A_88] : memref<40x125xi32, #tpu.memory_space<vmem>> -> memref<1x125xi32, #tpu.memory_space<vmem>>
      %dma_wait3A_90 = tpu.memref_squeeze %dma_wait3A_89 : memref<1x125xi32, #tpu.memory_space<vmem>> -> memref<125xi32, #tpu.memory_space<vmem>>
      %dma_wait3A_91 = arith.constant 0 : i32
      %dma_wait3A_92 = arith.constant 0 : i32
      %dma_wait3A_93 = tpu.memref_slice %arg8[%dma_wait3A_91, %dma_wait3A_92] : memref<10240x16xf32, #tpu.memory_space<vmem_shared>> -> memref<10240x16xf32, #tpu.memory_space<vmem_shared>>
      tpu.wait_indirect_dma semaphore(%arg9 : memref<!tpu.dma_semaphore, #tpu.memory_space<semaphore_mem>>) src(%arg7 : memref<125x16xf32, #tpu.memory_space<vmem>>) dst(%dma_wait3A_93 : memref<10240x16xf32, #tpu.memory_space<vmem_shared>>)
      %dma_wait3A_94 = arith.constant 0 : i32
      %dma_wait3A_95 = tpu.memref_slice %arg6[%add3A_36, %dma_wait3A_94] : memref<40x125xi32, #tpu.memory_space<vmem>> -> memref<1x125xi32, #tpu.memory_space<vmem>>
      %dma_wait3A_96 = tpu.memref_squeeze %dma_wait3A_95 : memref<1x125xi32, #tpu.memory_space<vmem>> -> memref<125xi32, #tpu.memory_space<vmem>>
      %dma_wait3A_97 = arith.constant 0 : i32
      %dma_wait3A_98 = arith.constant 0 : i32
      %dma_wait3A_99 = tpu.memref_slice %arg8[%dma_wait3A_97, %dma_wait3A_98] : memref<10240x16xf32, #tpu.memory_space<vmem_shared>> -> memref<10240x16xf32, #tpu.memory_space<vmem_shared>>
      tpu.wait_indirect_dma semaphore(%arg9 : memref<!tpu.dma_semaphore, #tpu.memory_space<semaphore_mem>>) src(%arg7 : memref<125x16xf32, #tpu.memory_space<vmem>>) dst(%dma_wait3A_99 : memref<10240x16xf32, #tpu.memory_space<vmem_shared>>)
      %dma_wait3A_100 = arith.constant 0 : i32
      %dma_wait3A_101 = tpu.memref_slice %arg6[%add3A_44, %dma_wait3A_100] : memref<40x125xi32, #tpu.memory_space<vmem>> -> memref<1x125xi32, #tpu.memory_space<vmem>>
      %dma_wait3A_102 = tpu.memref_squeeze %dma_wait3A_101 : memref<1x125xi32, #tpu.memory_space<vmem>> -> memref<125xi32, #tpu.memory_space<vmem>>
      %dma_wait3A_103 = arith.constant 0 : i32
      %dma_wait3A_104 = arith.constant 0 : i32
      %dma_wait3A_105 = tpu.memref_slice %arg8[%dma_wait3A_103, %dma_wait3A_104] : memref<10240x16xf32, #tpu.memory_space<vmem_shared>> -> memref<10240x16xf32, #tpu.memory_space<vmem_shared>>
      tpu.wait_indirect_dma semaphore(%arg9 : memref<!tpu.dma_semaphore, #tpu.memory_space<semaphore_mem>>) src(%arg7 : memref<125x16xf32, #tpu.memory_space<vmem>>) dst(%dma_wait3A_105 : memref<10240x16xf32, #tpu.memory_space<vmem_shared>>)
      %dma_wait3A_106 = arith.constant 0 : i32
      %dma_wait3A_107 = tpu.memref_slice %arg6[%add3A_52, %dma_wait3A_106] : memref<40x125xi32, #tpu.memory_space<vmem>> -> memref<1x125xi32, #tpu.memory_space<vmem>>
      %dma_wait3A_108 = tpu.memref_squeeze %dma_wait3A_107 : memref<1x125xi32, #tpu.memory_space<vmem>> -> memref<125xi32, #tpu.memory_space<vmem>>
      %dma_wait3A_109 = arith.constant 0 : i32
      %dma_wait3A_110 = arith.constant 0 : i32
      %dma_wait3A_111 = tpu.memref_slice %arg8[%dma_wait3A_109, %dma_wait3A_110] : memref<10240x16xf32, #tpu.memory_space<vmem_shared>> -> memref<10240x16xf32, #tpu.memory_space<vmem_shared>>
      tpu.wait_indirect_dma semaphore(%arg9 : memref<!tpu.dma_semaphore, #tpu.memory_space<semaphore_mem>>) src(%arg7 : memref<125x16xf32, #tpu.memory_space<vmem>>) dst(%dma_wait3A_111 : memref<10240x16xf32, #tpu.memory_space<vmem_shared>>)
      %dma_wait3A_112 = arith.constant 0 : i32
      %dma_wait3A_113 = tpu.memref_slice %arg6[%add3A_60, %dma_wait3A_112] : memref<40x125xi32, #tpu.memory_space<vmem>> -> memref<1x125xi32, #tpu.memory_space<vmem>>
      %dma_wait3A_114 = tpu.memref_squeeze %dma_wait3A_113 : memref<1x125xi32, #tpu.memory_space<vmem>> -> memref<125xi32, #tpu.memory_space<vmem>>
      %dma_wait3A_115 = arith.constant 0 : i32
      %dma_wait3A_116 = arith.constant 0 : i32
      %dma_wait3A_117 = tpu.memref_slice %arg8[%dma_wait3A_115, %dma_wait3A_116] : memref<10240x16xf32, #tpu.memory_space<vmem_shared>> -> memref<10240x16xf32, #tpu.memory_space<vmem_shared>>
      tpu.wait_indirect_dma semaphore(%arg9 : memref<!tpu.dma_semaphore, #tpu.memory_space<semaphore_mem>>) src(%arg7 : memref<125x16xf32, #tpu.memory_space<vmem>>) dst(%dma_wait3A_117 : memref<10240x16xf32, #tpu.memory_space<vmem_shared>>)
      %dma_wait3A_118 = arith.constant 0 : i32
      %dma_wait3A_119 = tpu.memref_slice %arg6[%add3A_68, %dma_wait3A_118] : memref<40x125xi32, #tpu.memory_space<vmem>> -> memref<1x125xi32, #tpu.memory_space<vmem>>
      %dma_wait3A_120 = tpu.memref_squeeze %dma_wait3A_119 : memref<1x125xi32, #tpu.memory_space<vmem>> -> memref<125xi32, #tpu.memory_space<vmem>>
      %dma_wait3A_121 = arith.constant 0 : i32
      %dma_wait3A_122 = arith.constant 0 : i32
      %dma_wait3A_123 = tpu.memref_slice %arg8[%dma_wait3A_121, %dma_wait3A_122] : memref<10240x16xf32, #tpu.memory_space<vmem_shared>> -> memref<10240x16xf32, #tpu.memory_space<vmem_shared>>
      tpu.wait_indirect_dma semaphore(%arg9 : memref<!tpu.dma_semaphore, #tpu.memory_space<semaphore_mem>>) src(%arg7 : memref<125x16xf32, #tpu.memory_space<vmem>>) dst(%dma_wait3A_123 : memref<10240x16xf32, #tpu.memory_space<vmem_shared>>)
      %dma_wait3A_124 = arith.constant 0 : i32
      %dma_wait3A_125 = tpu.memref_slice %arg6[%add3A_76, %dma_wait3A_124] : memref<40x125xi32, #tpu.memory_space<vmem>> -> memref<1x125xi32, #tpu.memory_space<vmem>>
      %dma_wait3A_126 = tpu.memref_squeeze %dma_wait3A_125 : memref<1x125xi32, #tpu.memory_space<vmem>> -> memref<125xi32, #tpu.memory_space<vmem>>
      %dma_wait3A_127 = arith.constant 0 : i32
      %dma_wait3A_128 = arith.constant 0 : i32
      %dma_wait3A_129 = tpu.memref_slice %arg8[%dma_wait3A_127, %dma_wait3A_128] : memref<10240x16xf32, #tpu.memory_space<vmem_shared>> -> memref<10240x16xf32, #tpu.memory_space<vmem_shared>>
      tpu.wait_indirect_dma semaphore(%arg9 : memref<!tpu.dma_semaphore, #tpu.memory_space<semaphore_mem>>) src(%arg7 : memref<125x16xf32, #tpu.memory_space<vmem>>) dst(%dma_wait3A_129 : memref<10240x16xf32, #tpu.memory_space<vmem_shared>>)
    }
    %scan3A_6 = arith.constant 5 : i32
    %barrier3A_7 = arith.constant 0 : index
    tpu.barrier barrier_id(%barrier3A_7)
    %mul3A_8 = arith.constant 640 : i32
    %mul3A_9 = arith.muli %arg1, %mul3A_8 : i32
    %mul3A_10 = arith.constant 10240 : i32
    %mul3A_11 = arith.muli %arg0, %mul3A_10 : i32
    %mul3A_12 = arith.constant 640 : i32
    %mul3A_13 = arith.muli %arg1, %mul3A_12 : i32
    %add3A_14 = arith.addi %mul3A_11, %mul3A_13 : i32
    "tpu.region"() ({
      %run_scoped3A = tpu.sem_alloc : memref<!tpu.dma_semaphore, #tpu.memory_space<semaphore_mem>>
      %dma_start3A = arith.constant 0 : i32
      %dma_start3A_15 = tpu.memref_slice %arg5[%add3A_14, %dma_start3A] : memref<20480x16xf32, #tpu.memory_space<hbm>> -> memref<640x16xf32, #tpu.memory_space<hbm>>
      %dma_start3A_16 = arith.constant 0 : i32
      %dma_start3A_17 = tpu.memref_slice %arg8[%mul3A_9, %dma_start3A_16] : memref<10240x16xf32, #tpu.memory_space<vmem_shared>> -> memref<640x16xf32, #tpu.memory_space<vmem_shared>>
      tpu.enqueue_dma source(%dma_start3A_17 : memref<640x16xf32, #tpu.memory_space<vmem_shared>>) target(%dma_start3A_15 : memref<640x16xf32, #tpu.memory_space<hbm>>) target_semaphore(%run_scoped3A : memref<!tpu.dma_semaphore, #tpu.memory_space<semaphore_mem>>)
      %dma_wait3A = arith.constant 0 : i32
      %dma_wait3A_18 = tpu.memref_slice %arg5[%add3A_14, %dma_wait3A] : memref<20480x16xf32, #tpu.memory_space<hbm>> -> memref<640x16xf32, #tpu.memory_space<hbm>>
      %dma_wait3A_19 = arith.constant 0 : i32
      %dma_wait3A_20 = tpu.memref_slice %arg8[%mul3A_9, %dma_wait3A_19] : memref<10240x16xf32, #tpu.memory_space<vmem_shared>> -> memref<640x16xf32, #tpu.memory_space<vmem_shared>>
      tpu.wait_dma2 semaphore(%run_scoped3A : memref<!tpu.dma_semaphore, #tpu.memory_space<semaphore_mem>>) src(%dma_wait3A_20 : memref<640x16xf32, #tpu.memory_space<vmem_shared>>) dst(%dma_wait3A_18 : memref<640x16xf32, #tpu.memory_space<hbm>>)
      tpu.yield
    }) : () -> ()
    return
  }
}

#map = affine_map<(d0, d1) -> (0, 0, 0)>
module attributes {stable_mosaic.version = 14 : i64} {
  func.func @_agg1_body(%arg0: i32, %arg1: i32, %arg2: memref<10000x2x128xbf16, #tpu.memory_space<hbm>>, %arg3: memref<32x40x125xi32, #tpu.memory_space<hbm>>, %arg4: memref<32x40x125xi32, #tpu.memory_space<hbm>>, %arg5: memref<640x2x128xbf16, #tpu.memory_space<hbm>>, %arg6: memref<20480x2x128xbf16, #tpu.memory_space<hbm>>, %arg7: memref<40x125xi32, #tpu.memory_space<vmem>>, %arg8: memref<40x125xi32, #tpu.memory_space<vmem>>, %arg9: memref<125x2x128xbf16, #tpu.memory_space<vmem>>, %arg10: memref<125x2x128xbf16, #tpu.memory_space<vmem>>, %arg11: memref<10240x2x128xbf16, #tpu.memory_space<vmem_shared>>, %arg12: memref<!tpu.dma_semaphore, #tpu.memory_space<semaphore_mem>>, %arg13: memref<!tpu.dma_semaphore, #tpu.memory_space<semaphore_mem>>, %arg14: memref<!tpu.dma_semaphore, #tpu.memory_space<semaphore_mem>>, %arg15: memref<!tpu.dma_semaphore, #tpu.memory_space<semaphore_mem>>) attributes {dimension_semantics = [#tpu.dimension_semantics<core_parallel>, #tpu.dimension_semantics<subcore_parallel>], iteration_bounds = array<i64: 2, 16>, scalar_prefetch = 0 : i64, scratch_operands = 9 : i64, tpu.core_type = #tpu.core_type<sc_vector_subcore>, window_params = [{transform_indices = #map}, {transform_indices = #map}, {transform_indices = #map}, {transform_indices = #map}, {transform_indices = #map}]} {
    %mul3A = arith.constant 16 : i32
    %mul3A_0 = arith.muli %arg0, %mul3A : i32
    %add3A = arith.addi %mul3A_0, %arg1 : i32
    %mul3A_1 = arith.constant 640 : i32
    %mul3A_2 = arith.muli %arg1, %mul3A_1 : i32
    "tpu.region"() ({
      %run_scoped3A = tpu.sem_alloc : memref<!tpu.dma_semaphore, #tpu.memory_space<semaphore_mem>>
      %dma_start3A_77 = arith.constant 0 : i32
      %dma_start3A_78 = arith.constant 0 : i32
      %dma_start3A_79 = tpu.memref_slice %arg11[%mul3A_2, %dma_start3A_77, %dma_start3A_78] : memref<10240x2x128xbf16, #tpu.memory_space<vmem_shared>> -> memref<640x2x128xbf16, #tpu.memory_space<vmem_shared>>
      tpu.enqueue_dma source(%arg5 : memref<640x2x128xbf16, #tpu.memory_space<hbm>>) target(%dma_start3A_79 : memref<640x2x128xbf16, #tpu.memory_space<vmem_shared>>) target_semaphore(%run_scoped3A : memref<!tpu.dma_semaphore, #tpu.memory_space<semaphore_mem>>)
      %dma_wait3A_80 = arith.constant 0 : i32
      %dma_wait3A_81 = arith.constant 0 : i32
      %dma_wait3A_82 = tpu.memref_slice %arg11[%mul3A_2, %dma_wait3A_80, %dma_wait3A_81] : memref<10240x2x128xbf16, #tpu.memory_space<vmem_shared>> -> memref<640x2x128xbf16, #tpu.memory_space<vmem_shared>>
      tpu.wait_dma2 semaphore(%run_scoped3A : memref<!tpu.dma_semaphore, #tpu.memory_space<semaphore_mem>>) src(%arg5 : memref<640x2x128xbf16, #tpu.memory_space<hbm>>) dst(%dma_wait3A_82 : memref<640x2x128xbf16, #tpu.memory_space<vmem_shared>>)
      tpu.yield
    }) : () -> ()
    "tpu.region"() ({
      %run_scoped3A = tpu.sem_alloc : memref<!tpu.dma_semaphore, #tpu.memory_space<semaphore_mem>>
      %dma_start3A_77 = arith.constant 0 : i32
      %dma_start3A_78 = arith.constant 0 : i32
      %dma_start3A_79 = tpu.memref_slice %arg3[%add3A, %dma_start3A_77, %dma_start3A_78] : memref<32x40x125xi32, #tpu.memory_space<hbm>> -> memref<1x40x125xi32, #tpu.memory_space<hbm>>
      %dma_start3A_80 = tpu.memref_squeeze %dma_start3A_79 : memref<1x40x125xi32, #tpu.memory_space<hbm>> -> memref<40x125xi32, #tpu.memory_space<hbm>>
      %dma_start3A_81 = arith.constant 0 : i32
      %dma_start3A_82 = arith.constant 0 : i32
      %dma_start3A_83 = tpu.memref_slice %arg3[%add3A, %dma_start3A_81, %dma_start3A_82] : memref<32x40x125xi32, #tpu.memory_space<hbm>> -> memref<1x40x125xi32, #tpu.memory_space<hbm>>
      %dma_start3A_84 = tpu.memref_squeeze %dma_start3A_83 : memref<1x40x125xi32, #tpu.memory_space<hbm>> -> memref<40x125xi32, #tpu.memory_space<hbm>>
      tpu.enqueue_dma source(%dma_start3A_84 : memref<40x125xi32, #tpu.memory_space<hbm>>) target(%arg7 : memref<40x125xi32, #tpu.memory_space<vmem>>) target_semaphore(%run_scoped3A : memref<!tpu.dma_semaphore, #tpu.memory_space<semaphore_mem>>)
      %dma_wait3A_85 = arith.constant 0 : i32
      %dma_wait3A_86 = arith.constant 0 : i32
      %dma_wait3A_87 = tpu.memref_slice %arg3[%add3A, %dma_wait3A_85, %dma_wait3A_86] : memref<32x40x125xi32, #tpu.memory_space<hbm>> -> memref<1x40x125xi32, #tpu.memory_space<hbm>>
      %dma_wait3A_88 = tpu.memref_squeeze %dma_wait3A_87 : memref<1x40x125xi32, #tpu.memory_space<hbm>> -> memref<40x125xi32, #tpu.memory_space<hbm>>
      %dma_wait3A_89 = arith.constant 0 : i32
      %dma_wait3A_90 = arith.constant 0 : i32
      %dma_wait3A_91 = tpu.memref_slice %arg3[%add3A, %dma_wait3A_89, %dma_wait3A_90] : memref<32x40x125xi32, #tpu.memory_space<hbm>> -> memref<1x40x125xi32, #tpu.memory_space<hbm>>
      %dma_wait3A_92 = tpu.memref_squeeze %dma_wait3A_91 : memref<1x40x125xi32, #tpu.memory_space<hbm>> -> memref<40x125xi32, #tpu.memory_space<hbm>>
      tpu.wait_dma2 semaphore(%run_scoped3A : memref<!tpu.dma_semaphore, #tpu.memory_space<semaphore_mem>>) src(%dma_wait3A_92 : memref<40x125xi32, #tpu.memory_space<hbm>>) dst(%arg7 : memref<40x125xi32, #tpu.memory_space<vmem>>)
      tpu.yield
    }) : () -> ()
    "tpu.region"() ({
      %run_scoped3A = tpu.sem_alloc : memref<!tpu.dma_semaphore, #tpu.memory_space<semaphore_mem>>
      %dma_start3A_77 = arith.constant 0 : i32
      %dma_start3A_78 = arith.constant 0 : i32
      %dma_start3A_79 = tpu.memref_slice %arg4[%add3A, %dma_start3A_77, %dma_start3A_78] : memref<32x40x125xi32, #tpu.memory_space<hbm>> -> memref<1x40x125xi32, #tpu.memory_space<hbm>>
      %dma_start3A_80 = tpu.memref_squeeze %dma_start3A_79 : memref<1x40x125xi32, #tpu.memory_space<hbm>> -> memref<40x125xi32, #tpu.memory_space<hbm>>
      %dma_start3A_81 = arith.constant 0 : i32
      %dma_start3A_82 = arith.constant 0 : i32
      %dma_start3A_83 = tpu.memref_slice %arg4[%add3A, %dma_start3A_81, %dma_start3A_82] : memref<32x40x125xi32, #tpu.memory_space<hbm>> -> memref<1x40x125xi32, #tpu.memory_space<hbm>>
      %dma_start3A_84 = tpu.memref_squeeze %dma_start3A_83 : memref<1x40x125xi32, #tpu.memory_space<hbm>> -> memref<40x125xi32, #tpu.memory_space<hbm>>
      tpu.enqueue_dma source(%dma_start3A_84 : memref<40x125xi32, #tpu.memory_space<hbm>>) target(%arg8 : memref<40x125xi32, #tpu.memory_space<vmem>>) target_semaphore(%run_scoped3A : memref<!tpu.dma_semaphore, #tpu.memory_space<semaphore_mem>>)
      %dma_wait3A_85 = arith.constant 0 : i32
      %dma_wait3A_86 = arith.constant 0 : i32
      %dma_wait3A_87 = tpu.memref_slice %arg4[%add3A, %dma_wait3A_85, %dma_wait3A_86] : memref<32x40x125xi32, #tpu.memory_space<hbm>> -> memref<1x40x125xi32, #tpu.memory_space<hbm>>
      %dma_wait3A_88 = tpu.memref_squeeze %dma_wait3A_87 : memref<1x40x125xi32, #tpu.memory_space<hbm>> -> memref<40x125xi32, #tpu.memory_space<hbm>>
      %dma_wait3A_89 = arith.constant 0 : i32
      %dma_wait3A_90 = arith.constant 0 : i32
      %dma_wait3A_91 = tpu.memref_slice %arg4[%add3A, %dma_wait3A_89, %dma_wait3A_90] : memref<32x40x125xi32, #tpu.memory_space<hbm>> -> memref<1x40x125xi32, #tpu.memory_space<hbm>>
      %dma_wait3A_92 = tpu.memref_squeeze %dma_wait3A_91 : memref<1x40x125xi32, #tpu.memory_space<hbm>> -> memref<40x125xi32, #tpu.memory_space<hbm>>
      tpu.wait_dma2 semaphore(%run_scoped3A : memref<!tpu.dma_semaphore, #tpu.memory_space<semaphore_mem>>) src(%dma_wait3A_92 : memref<40x125xi32, #tpu.memory_space<hbm>>) dst(%arg8 : memref<40x125xi32, #tpu.memory_space<vmem>>)
      tpu.yield
    }) : () -> ()
    %barrier3A = arith.constant 0 : index
    tpu.barrier barrier_id(%barrier3A)
    %dma_start3A = arith.constant 0 : i32
    %dma_start3A_3 = arith.constant 0 : i32
    %dma_start3A_4 = tpu.memref_slice %arg7[%dma_start3A, %dma_start3A_3] : memref<40x125xi32, #tpu.memory_space<vmem>> -> memref<1x125xi32, #tpu.memory_space<vmem>>
    %dma_start3A_5 = tpu.memref_squeeze %dma_start3A_4 : memref<1x125xi32, #tpu.memory_space<vmem>> -> memref<125xi32, #tpu.memory_space<vmem>>
    %dma_start3A_6 = arith.constant 0 : i32
    %dma_start3A_7 = arith.constant 0 : i32
    %dma_start3A_8 = arith.constant 0 : i32
    %dma_start3A_9 = tpu.memref_slice %arg2[%dma_start3A_6, %dma_start3A_7, %dma_start3A_8] : memref<10000x2x128xbf16, #tpu.memory_space<hbm>> -> memref<10000x2x128xbf16, #tpu.memory_space<hbm>>
    tpu.enqueue_indirect_dma source(%dma_start3A_9 : memref<10000x2x128xbf16, #tpu.memory_space<hbm>>) target(%arg9 : memref<125x2x128xbf16, #tpu.memory_space<vmem>>) offsets(%dma_start3A_5 : memref<125xi32, #tpu.memory_space<vmem>>) semaphore(%arg12 : memref<!tpu.dma_semaphore, #tpu.memory_space<semaphore_mem>>)
    %dma_start3A_10 = arith.constant 1 : i32
    %dma_start3A_11 = arith.constant 0 : i32
    %dma_start3A_12 = tpu.memref_slice %arg7[%dma_start3A_10, %dma_start3A_11] : memref<40x125xi32, #tpu.memory_space<vmem>> -> memref<1x125xi32, #tpu.memory_space<vmem>>
    %dma_start3A_13 = tpu.memref_squeeze %dma_start3A_12 : memref<1x125xi32, #tpu.memory_space<vmem>> -> memref<125xi32, #tpu.memory_space<vmem>>
    %dma_start3A_14 = arith.constant 0 : i32
    %dma_start3A_15 = arith.constant 0 : i32
    %dma_start3A_16 = arith.constant 0 : i32
    %dma_start3A_17 = tpu.memref_slice %arg2[%dma_start3A_14, %dma_start3A_15, %dma_start3A_16] : memref<10000x2x128xbf16, #tpu.memory_space<hbm>> -> memref<10000x2x128xbf16, #tpu.memory_space<hbm>>
    tpu.enqueue_indirect_dma source(%dma_start3A_17 : memref<10000x2x128xbf16, #tpu.memory_space<hbm>>) target(%arg10 : memref<125x2x128xbf16, #tpu.memory_space<vmem>>) offsets(%dma_start3A_13 : memref<125xi32, #tpu.memory_space<vmem>>) semaphore(%arg13 : memref<!tpu.dma_semaphore, #tpu.memory_space<semaphore_mem>>)
    %scan3A = arith.constant 0 : i32
    %scan3A_18 = arith.constant 19 : i32
    %scan3A_19 = arith.addi %scan3A, %scan3A_18 : i32
    %scan3A_20 = arith.constant 1 : i32
    scf.for %scan3A_77 = %scan3A to %scan3A_19 step %scan3A_20  : i32 {
      %mul3A_78 = arith.constant 2 : i32
      %mul3A_79 = arith.muli %scan3A_77, %mul3A_78 : i32
      %add3A_80 = arith.constant 0 : i32
      %add3A_81 = arith.addi %add3A_80, %mul3A_79 : i32
      %add3A_82 = arith.constant 0 : i32
      %add3A_83 = arith.addi %add3A_81, %add3A_82 : i32
      %dma_wait3A_84 = arith.constant 0 : i32
      %dma_wait3A_85 = tpu.memref_slice %arg7[%add3A_83, %dma_wait3A_84] : memref<40x125xi32, #tpu.memory_space<vmem>> -> memref<1x125xi32, #tpu.memory_space<vmem>>
      %dma_wait3A_86 = tpu.memref_squeeze %dma_wait3A_85 : memref<1x125xi32, #tpu.memory_space<vmem>> -> memref<125xi32, #tpu.memory_space<vmem>>
      %dma_wait3A_87 = arith.constant 0 : i32
      %dma_wait3A_88 = arith.constant 0 : i32
      %dma_wait3A_89 = arith.constant 0 : i32
      %dma_wait3A_90 = tpu.memref_slice %arg2[%dma_wait3A_87, %dma_wait3A_88, %dma_wait3A_89] : memref<10000x2x128xbf16, #tpu.memory_space<hbm>> -> memref<10000x2x128xbf16, #tpu.memory_space<hbm>>
      tpu.wait_indirect_dma semaphore(%arg12 : memref<!tpu.dma_semaphore, #tpu.memory_space<semaphore_mem>>) src(%dma_wait3A_90 : memref<10000x2x128xbf16, #tpu.memory_space<hbm>>) dst(%arg9 : memref<125x2x128xbf16, #tpu.memory_space<vmem>>)
      %add3A_91 = arith.constant 0 : i32
      %add3A_92 = arith.addi %add3A_81, %add3A_91 : i32
      %dma_start3A_93 = arith.constant 0 : i32
      %dma_start3A_94 = tpu.memref_slice %arg8[%add3A_92, %dma_start3A_93] : memref<40x125xi32, #tpu.memory_space<vmem>> -> memref<1x125xi32, #tpu.memory_space<vmem>>
      %dma_start3A_95 = tpu.memref_squeeze %dma_start3A_94 : memref<1x125xi32, #tpu.memory_space<vmem>> -> memref<125xi32, #tpu.memory_space<vmem>>
      %dma_start3A_96 = arith.constant 0 : i32
      %dma_start3A_97 = arith.constant 0 : i32
      %dma_start3A_98 = arith.constant 0 : i32
      %dma_start3A_99 = tpu.memref_slice %arg11[%dma_start3A_96, %dma_start3A_97, %dma_start3A_98] : memref<10240x2x128xbf16, #tpu.memory_space<vmem_shared>> -> memref<10240x2x128xbf16, #tpu.memory_space<vmem_shared>>
      tpu.enqueue_indirect_dma source(%arg9 : memref<125x2x128xbf16, #tpu.memory_space<vmem>>) target(%dma_start3A_99 : memref<10240x2x128xbf16, #tpu.memory_space<vmem_shared>>) offsets(%dma_start3A_95 : memref<125xi32, #tpu.memory_space<vmem>>) semaphore(%arg14 : memref<!tpu.dma_semaphore, #tpu.memory_space<semaphore_mem>>) {add = true}
      %add3A_100 = arith.constant 1 : i32
      %add3A_101 = arith.addi %add3A_81, %add3A_100 : i32
      %dma_wait3A_102 = arith.constant 0 : i32
      %dma_wait3A_103 = tpu.memref_slice %arg7[%add3A_101, %dma_wait3A_102] : memref<40x125xi32, #tpu.memory_space<vmem>> -> memref<1x125xi32, #tpu.memory_space<vmem>>
      %dma_wait3A_104 = tpu.memref_squeeze %dma_wait3A_103 : memref<1x125xi32, #tpu.memory_space<vmem>> -> memref<125xi32, #tpu.memory_space<vmem>>
      %dma_wait3A_105 = arith.constant 0 : i32
      %dma_wait3A_106 = arith.constant 0 : i32
      %dma_wait3A_107 = arith.constant 0 : i32
      %dma_wait3A_108 = tpu.memref_slice %arg2[%dma_wait3A_105, %dma_wait3A_106, %dma_wait3A_107] : memref<10000x2x128xbf16, #tpu.memory_space<hbm>> -> memref<10000x2x128xbf16, #tpu.memory_space<hbm>>
      tpu.wait_indirect_dma semaphore(%arg13 : memref<!tpu.dma_semaphore, #tpu.memory_space<semaphore_mem>>) src(%dma_wait3A_108 : memref<10000x2x128xbf16, #tpu.memory_space<hbm>>) dst(%arg10 : memref<125x2x128xbf16, #tpu.memory_space<vmem>>)
      %add3A_109 = arith.constant 1 : i32
      %add3A_110 = arith.addi %add3A_81, %add3A_109 : i32
      %dma_start3A_111 = arith.constant 0 : i32
      %dma_start3A_112 = tpu.memref_slice %arg8[%add3A_110, %dma_start3A_111] : memref<40x125xi32, #tpu.memory_space<vmem>> -> memref<1x125xi32, #tpu.memory_space<vmem>>
      %dma_start3A_113 = tpu.memref_squeeze %dma_start3A_112 : memref<1x125xi32, #tpu.memory_space<vmem>> -> memref<125xi32, #tpu.memory_space<vmem>>
      %dma_start3A_114 = arith.constant 0 : i32
      %dma_start3A_115 = arith.constant 0 : i32
      %dma_start3A_116 = arith.constant 0 : i32
      %dma_start3A_117 = tpu.memref_slice %arg11[%dma_start3A_114, %dma_start3A_115, %dma_start3A_116] : memref<10240x2x128xbf16, #tpu.memory_space<vmem_shared>> -> memref<10240x2x128xbf16, #tpu.memory_space<vmem_shared>>
      tpu.enqueue_indirect_dma source(%arg10 : memref<125x2x128xbf16, #tpu.memory_space<vmem>>) target(%dma_start3A_117 : memref<10240x2x128xbf16, #tpu.memory_space<vmem_shared>>) offsets(%dma_start3A_113 : memref<125xi32, #tpu.memory_space<vmem>>) semaphore(%arg15 : memref<!tpu.dma_semaphore, #tpu.memory_space<semaphore_mem>>) {add = true}
      %dma_wait3A_118 = arith.constant 0 : i32
      %dma_wait3A_119 = tpu.memref_slice %arg8[%add3A_92, %dma_wait3A_118] : memref<40x125xi32, #tpu.memory_space<vmem>> -> memref<1x125xi32, #tpu.memory_space<vmem>>
      %dma_wait3A_120 = tpu.memref_squeeze %dma_wait3A_119 : memref<1x125xi32, #tpu.memory_space<vmem>> -> memref<125xi32, #tpu.memory_space<vmem>>
      %dma_wait3A_121 = arith.constant 0 : i32
      %dma_wait3A_122 = arith.constant 0 : i32
      %dma_wait3A_123 = arith.constant 0 : i32
      %dma_wait3A_124 = tpu.memref_slice %arg11[%dma_wait3A_121, %dma_wait3A_122, %dma_wait3A_123] : memref<10240x2x128xbf16, #tpu.memory_space<vmem_shared>> -> memref<10240x2x128xbf16, #tpu.memory_space<vmem_shared>>
      tpu.wait_indirect_dma semaphore(%arg14 : memref<!tpu.dma_semaphore, #tpu.memory_space<semaphore_mem>>) src(%arg9 : memref<125x2x128xbf16, #tpu.memory_space<vmem>>) dst(%dma_wait3A_124 : memref<10240x2x128xbf16, #tpu.memory_space<vmem_shared>>)
      %add3A_125 = arith.constant 0 : i32
      %add3A_126 = arith.addi %add3A_81, %add3A_125 : i32
      %add3A_127 = arith.constant 2 : i32
      %add3A_128 = arith.addi %add3A_126, %add3A_127 : i32
      %dma_start3A_129 = arith.constant 0 : i32
      %dma_start3A_130 = tpu.memref_slice %arg7[%add3A_128, %dma_start3A_129] : memref<40x125xi32, #tpu.memory_space<vmem>> -> memref<1x125xi32, #tpu.memory_space<vmem>>
      %dma_start3A_131 = tpu.memref_squeeze %dma_start3A_130 : memref<1x125xi32, #tpu.memory_space<vmem>> -> memref<125xi32, #tpu.memory_space<vmem>>
      %dma_start3A_132 = arith.constant 0 : i32
      %dma_start3A_133 = arith.constant 0 : i32
      %dma_start3A_134 = arith.constant 0 : i32
      %dma_start3A_135 = tpu.memref_slice %arg2[%dma_start3A_132, %dma_start3A_133, %dma_start3A_134] : memref<10000x2x128xbf16, #tpu.memory_space<hbm>> -> memref<10000x2x128xbf16, #tpu.memory_space<hbm>>
      tpu.enqueue_indirect_dma source(%dma_start3A_135 : memref<10000x2x128xbf16, #tpu.memory_space<hbm>>) target(%arg9 : memref<125x2x128xbf16, #tpu.memory_space<vmem>>) offsets(%dma_start3A_131 : memref<125xi32, #tpu.memory_space<vmem>>) semaphore(%arg12 : memref<!tpu.dma_semaphore, #tpu.memory_space<semaphore_mem>>)
      %dma_wait3A_136 = arith.constant 0 : i32
      %dma_wait3A_137 = tpu.memref_slice %arg8[%add3A_110, %dma_wait3A_136] : memref<40x125xi32, #tpu.memory_space<vmem>> -> memref<1x125xi32, #tpu.memory_space<vmem>>
      %dma_wait3A_138 = tpu.memref_squeeze %dma_wait3A_137 : memref<1x125xi32, #tpu.memory_space<vmem>> -> memref<125xi32, #tpu.memory_space<vmem>>
      %dma_wait3A_139 = arith.constant 0 : i32
      %dma_wait3A_140 = arith.constant 0 : i32
      %dma_wait3A_141 = arith.constant 0 : i32
      %dma_wait3A_142 = tpu.memref_slice %arg11[%dma_wait3A_139, %dma_wait3A_140, %dma_wait3A_141] : memref<10240x2x128xbf16, #tpu.memory_space<vmem_shared>> -> memref<10240x2x128xbf16, #tpu.memory_space<vmem_shared>>
      tpu.wait_indirect_dma semaphore(%arg15 : memref<!tpu.dma_semaphore, #tpu.memory_space<semaphore_mem>>) src(%arg10 : memref<125x2x128xbf16, #tpu.memory_space<vmem>>) dst(%dma_wait3A_142 : memref<10240x2x128xbf16, #tpu.memory_space<vmem_shared>>)
      %add3A_143 = arith.constant 1 : i32
      %add3A_144 = arith.addi %add3A_81, %add3A_143 : i32
      %add3A_145 = arith.constant 2 : i32
      %add3A_146 = arith.addi %add3A_144, %add3A_145 : i32
      %dma_start3A_147 = arith.constant 0 : i32
      %dma_start3A_148 = tpu.memref_slice %arg7[%add3A_146, %dma_start3A_147] : memref<40x125xi32, #tpu.memory_space<vmem>> -> memref<1x125xi32, #tpu.memory_space<vmem>>
      %dma_start3A_149 = tpu.memref_squeeze %dma_start3A_148 : memref<1x125xi32, #tpu.memory_space<vmem>> -> memref<125xi32, #tpu.memory_space<vmem>>
      %dma_start3A_150 = arith.constant 0 : i32
      %dma_start3A_151 = arith.constant 0 : i32
      %dma_start3A_152 = arith.constant 0 : i32
      %dma_start3A_153 = tpu.memref_slice %arg2[%dma_start3A_150, %dma_start3A_151, %dma_start3A_152] : memref<10000x2x128xbf16, #tpu.memory_space<hbm>> -> memref<10000x2x128xbf16, #tpu.memory_space<hbm>>
      tpu.enqueue_indirect_dma source(%dma_start3A_153 : memref<10000x2x128xbf16, #tpu.memory_space<hbm>>) target(%arg10 : memref<125x2x128xbf16, #tpu.memory_space<vmem>>) offsets(%dma_start3A_149 : memref<125xi32, #tpu.memory_space<vmem>>) semaphore(%arg13 : memref<!tpu.dma_semaphore, #tpu.memory_space<semaphore_mem>>)
    }
    %scan3A_21 = arith.constant 19 : i32
    %dma_wait3A = arith.constant 38 : i32
    %dma_wait3A_22 = arith.constant 0 : i32
    %dma_wait3A_23 = tpu.memref_slice %arg7[%dma_wait3A, %dma_wait3A_22] : memref<40x125xi32, #tpu.memory_space<vmem>> -> memref<1x125xi32, #tpu.memory_space<vmem>>
    %dma_wait3A_24 = tpu.memref_squeeze %dma_wait3A_23 : memref<1x125xi32, #tpu.memory_space<vmem>> -> memref<125xi32, #tpu.memory_space<vmem>>
    %dma_wait3A_25 = arith.constant 0 : i32
    %dma_wait3A_26 = arith.constant 0 : i32
    %dma_wait3A_27 = arith.constant 0 : i32
    %dma_wait3A_28 = tpu.memref_slice %arg2[%dma_wait3A_25, %dma_wait3A_26, %dma_wait3A_27] : memref<10000x2x128xbf16, #tpu.memory_space<hbm>> -> memref<10000x2x128xbf16, #tpu.memory_space<hbm>>
    tpu.wait_indirect_dma semaphore(%arg12 : memref<!tpu.dma_semaphore, #tpu.memory_space<semaphore_mem>>) src(%dma_wait3A_28 : memref<10000x2x128xbf16, #tpu.memory_space<hbm>>) dst(%arg9 : memref<125x2x128xbf16, #tpu.memory_space<vmem>>)
    %dma_start3A_29 = arith.constant 38 : i32
    %dma_start3A_30 = arith.constant 0 : i32
    %dma_start3A_31 = tpu.memref_slice %arg8[%dma_start3A_29, %dma_start3A_30] : memref<40x125xi32, #tpu.memory_space<vmem>> -> memref<1x125xi32, #tpu.memory_space<vmem>>
    %dma_start3A_32 = tpu.memref_squeeze %dma_start3A_31 : memref<1x125xi32, #tpu.memory_space<vmem>> -> memref<125xi32, #tpu.memory_space<vmem>>
    %dma_start3A_33 = arith.constant 0 : i32
    %dma_start3A_34 = arith.constant 0 : i32
    %dma_start3A_35 = arith.constant 0 : i32
    %dma_start3A_36 = tpu.memref_slice %arg11[%dma_start3A_33, %dma_start3A_34, %dma_start3A_35] : memref<10240x2x128xbf16, #tpu.memory_space<vmem_shared>> -> memref<10240x2x128xbf16, #tpu.memory_space<vmem_shared>>
    tpu.enqueue_indirect_dma source(%arg9 : memref<125x2x128xbf16, #tpu.memory_space<vmem>>) target(%dma_start3A_36 : memref<10240x2x128xbf16, #tpu.memory_space<vmem_shared>>) offsets(%dma_start3A_32 : memref<125xi32, #tpu.memory_space<vmem>>) semaphore(%arg14 : memref<!tpu.dma_semaphore, #tpu.memory_space<semaphore_mem>>) {add = true}
    %dma_wait3A_37 = arith.constant 39 : i32
    %dma_wait3A_38 = arith.constant 0 : i32
    %dma_wait3A_39 = tpu.memref_slice %arg7[%dma_wait3A_37, %dma_wait3A_38] : memref<40x125xi32, #tpu.memory_space<vmem>> -> memref<1x125xi32, #tpu.memory_space<vmem>>
    %dma_wait3A_40 = tpu.memref_squeeze %dma_wait3A_39 : memref<1x125xi32, #tpu.memory_space<vmem>> -> memref<125xi32, #tpu.memory_space<vmem>>
    %dma_wait3A_41 = arith.constant 0 : i32
    %dma_wait3A_42 = arith.constant 0 : i32
    %dma_wait3A_43 = arith.constant 0 : i32
    %dma_wait3A_44 = tpu.memref_slice %arg2[%dma_wait3A_41, %dma_wait3A_42, %dma_wait3A_43] : memref<10000x2x128xbf16, #tpu.memory_space<hbm>> -> memref<10000x2x128xbf16, #tpu.memory_space<hbm>>
    tpu.wait_indirect_dma semaphore(%arg13 : memref<!tpu.dma_semaphore, #tpu.memory_space<semaphore_mem>>) src(%dma_wait3A_44 : memref<10000x2x128xbf16, #tpu.memory_space<hbm>>) dst(%arg10 : memref<125x2x128xbf16, #tpu.memory_space<vmem>>)
    %dma_start3A_45 = arith.constant 39 : i32
    %dma_start3A_46 = arith.constant 0 : i32
    %dma_start3A_47 = tpu.memref_slice %arg8[%dma_start3A_45, %dma_start3A_46] : memref<40x125xi32, #tpu.memory_space<vmem>> -> memref<1x125xi32, #tpu.memory_space<vmem>>
    %dma_start3A_48 = tpu.memref_squeeze %dma_start3A_47 : memref<1x125xi32, #tpu.memory_space<vmem>> -> memref<125xi32, #tpu.memory_space<vmem>>
    %dma_start3A_49 = arith.constant 0 : i32
    %dma_start3A_50 = arith.constant 0 : i32
    %dma_start3A_51 = arith.constant 0 : i32
    %dma_start3A_52 = tpu.memref_slice %arg11[%dma_start3A_49, %dma_start3A_50, %dma_start3A_51] : memref<10240x2x128xbf16, #tpu.memory_space<vmem_shared>> -> memref<10240x2x128xbf16, #tpu.memory_space<vmem_shared>>
    tpu.enqueue_indirect_dma source(%arg10 : memref<125x2x128xbf16, #tpu.memory_space<vmem>>) target(%dma_start3A_52 : memref<10240x2x128xbf16, #tpu.memory_space<vmem_shared>>) offsets(%dma_start3A_48 : memref<125xi32, #tpu.memory_space<vmem>>) semaphore(%arg15 : memref<!tpu.dma_semaphore, #tpu.memory_space<semaphore_mem>>) {add = true}
    %dma_wait3A_53 = arith.constant 38 : i32
    %dma_wait3A_54 = arith.constant 0 : i32
    %dma_wait3A_55 = tpu.memref_slice %arg8[%dma_wait3A_53, %dma_wait3A_54] : memref<40x125xi32, #tpu.memory_space<vmem>> -> memref<1x125xi32, #tpu.memory_space<vmem>>
    %dma_wait3A_56 = tpu.memref_squeeze %dma_wait3A_55 : memref<1x125xi32, #tpu.memory_space<vmem>> -> memref<125xi32, #tpu.memory_space<vmem>>
    %dma_wait3A_57 = arith.constant 0 : i32
    %dma_wait3A_58 = arith.constant 0 : i32
    %dma_wait3A_59 = arith.constant 0 : i32
    %dma_wait3A_60 = tpu.memref_slice %arg11[%dma_wait3A_57, %dma_wait3A_58, %dma_wait3A_59] : memref<10240x2x128xbf16, #tpu.memory_space<vmem_shared>> -> memref<10240x2x128xbf16, #tpu.memory_space<vmem_shared>>
    tpu.wait_indirect_dma semaphore(%arg14 : memref<!tpu.dma_semaphore, #tpu.memory_space<semaphore_mem>>) src(%arg9 : memref<125x2x128xbf16, #tpu.memory_space<vmem>>) dst(%dma_wait3A_60 : memref<10240x2x128xbf16, #tpu.memory_space<vmem_shared>>)
    %dma_wait3A_61 = arith.constant 39 : i32
    %dma_wait3A_62 = arith.constant 0 : i32
    %dma_wait3A_63 = tpu.memref_slice %arg8[%dma_wait3A_61, %dma_wait3A_62] : memref<40x125xi32, #tpu.memory_space<vmem>> -> memref<1x125xi32, #tpu.memory_space<vmem>>
    %dma_wait3A_64 = tpu.memref_squeeze %dma_wait3A_63 : memref<1x125xi32, #tpu.memory_space<vmem>> -> memref<125xi32, #tpu.memory_space<vmem>>
    %dma_wait3A_65 = arith.constant 0 : i32
    %dma_wait3A_66 = arith.constant 0 : i32
    %dma_wait3A_67 = arith.constant 0 : i32
    %dma_wait3A_68 = tpu.memref_slice %arg11[%dma_wait3A_65, %dma_wait3A_66, %dma_wait3A_67] : memref<10240x2x128xbf16, #tpu.memory_space<vmem_shared>> -> memref<10240x2x128xbf16, #tpu.memory_space<vmem_shared>>
    tpu.wait_indirect_dma semaphore(%arg15 : memref<!tpu.dma_semaphore, #tpu.memory_space<semaphore_mem>>) src(%arg10 : memref<125x2x128xbf16, #tpu.memory_space<vmem>>) dst(%dma_wait3A_68 : memref<10240x2x128xbf16, #tpu.memory_space<vmem_shared>>)
    %barrier3A_69 = arith.constant 0 : index
    tpu.barrier barrier_id(%barrier3A_69)
    %mul3A_70 = arith.constant 640 : i32
    %mul3A_71 = arith.muli %arg1, %mul3A_70 : i32
    %mul3A_72 = arith.constant 10240 : i32
    %mul3A_73 = arith.muli %arg0, %mul3A_72 : i32
    %mul3A_74 = arith.constant 640 : i32
    %mul3A_75 = arith.muli %arg1, %mul3A_74 : i32
    %add3A_76 = arith.addi %mul3A_73, %mul3A_75 : i32
    "tpu.region"() ({
      %run_scoped3A = tpu.sem_alloc : memref<!tpu.dma_semaphore, #tpu.memory_space<semaphore_mem>>
      %dma_start3A_77 = arith.constant 0 : i32
      %dma_start3A_78 = arith.constant 0 : i32
      %dma_start3A_79 = tpu.memref_slice %arg6[%add3A_76, %dma_start3A_77, %dma_start3A_78] : memref<20480x2x128xbf16, #tpu.memory_space<hbm>> -> memref<640x2x128xbf16, #tpu.memory_space<hbm>>
      %dma_start3A_80 = arith.constant 0 : i32
      %dma_start3A_81 = arith.constant 0 : i32
      %dma_start3A_82 = tpu.memref_slice %arg11[%mul3A_71, %dma_start3A_80, %dma_start3A_81] : memref<10240x2x128xbf16, #tpu.memory_space<vmem_shared>> -> memref<640x2x128xbf16, #tpu.memory_space<vmem_shared>>
      tpu.enqueue_dma source(%dma_start3A_82 : memref<640x2x128xbf16, #tpu.memory_space<vmem_shared>>) target(%dma_start3A_79 : memref<640x2x128xbf16, #tpu.memory_space<hbm>>) target_semaphore(%run_scoped3A : memref<!tpu.dma_semaphore, #tpu.memory_space<semaphore_mem>>)
      %dma_wait3A_83 = arith.constant 0 : i32
      %dma_wait3A_84 = arith.constant 0 : i32
      %dma_wait3A_85 = tpu.memref_slice %arg6[%add3A_76, %dma_wait3A_83, %dma_wait3A_84] : memref<20480x2x128xbf16, #tpu.memory_space<hbm>> -> memref<640x2x128xbf16, #tpu.memory_space<hbm>>
      %dma_wait3A_86 = arith.constant 0 : i32
      %dma_wait3A_87 = arith.constant 0 : i32
      %dma_wait3A_88 = tpu.memref_slice %arg11[%mul3A_71, %dma_wait3A_86, %dma_wait3A_87] : memref<10240x2x128xbf16, #tpu.memory_space<vmem_shared>> -> memref<640x2x128xbf16, #tpu.memory_space<vmem_shared>>
      tpu.wait_dma2 semaphore(%run_scoped3A : memref<!tpu.dma_semaphore, #tpu.memory_space<semaphore_mem>>) src(%dma_wait3A_88 : memref<640x2x128xbf16, #tpu.memory_space<vmem_shared>>) dst(%dma_wait3A_85 : memref<640x2x128xbf16, #tpu.memory_space<hbm>>)
      tpu.yield
    }) : () -> ()
    return
  }
}

module attributes {stable_mosaic.version = 14 : i64} {
  func.func @_y_body(%arg0: i32, %arg1: memref<2x2000x16xf32, #tpu.memory_space<vmem>>, %arg2: memref<2000x256xf32, #tpu.memory_space<vmem>>, %arg3: memref<256x256xf32, #tpu.memory_space<vmem>>, %arg4: memref<2x2000x128xf32, #tpu.memory_space<vmem>>, %arg5: memref<2000x2x128xbf16, #tpu.memory_space<vmem>>) attributes {dimension_semantics = [#tpu.dimension_semantics<arbitrary>], iteration_bounds = array<i64: 5>, scalar_prefetch = 0 : i64, scratch_operands = 0 : i64, tpu.core_type = #tpu.core_type<tc>, window_params = [{transform_indices = @transform_0, window_bounds = array<i64: 2, 2000, 16>}, {transform_indices = @transform_1, window_bounds = array<i64: 2000, 256>}, {pipeline_mode = #tpu.pipeline_mode<synchronous>, transform_indices = @transform_2, window_bounds = array<i64: 256, 256>}, {transform_indices = @transform_3, window_bounds = array<i64: 2, 2000, 128>}, {transform_indices = @transform_4, window_bounds = array<i64: 2000, 2, 128>}]} {
    %get3A = arith.constant 0 : index
    %get3A_0 = arith.constant 0 : index
    %get3A_1 = arith.constant 0 : index
    %get3A_2 = vector.load %arg1[%get3A, %get3A_0, %get3A_1] : memref<2x2000x16xf32, #tpu.memory_space<vmem>>, vector<2x2000x16xf32>
    %slice3A = vector.extract_strided_slice %get3A_2 {offsets = [0, 0, 0], sizes = [1, 2000, 1], strides = [1, 1, 1]} : vector<2x2000x16xf32> to vector<1x2000x1xf32>
    %squeeze3A = vector.shape_cast %slice3A : vector<1x2000x1xf32> to vector<2000xf32>
    %slice3A_3 = vector.extract_strided_slice %get3A_2 {offsets = [1, 0, 0], sizes = [1, 2000, 1], strides = [1, 1, 1]} : vector<2x2000x16xf32> to vector<1x2000x1xf32>
    %squeeze3A_4 = vector.shape_cast %slice3A_3 : vector<1x2000x1xf32> to vector<2000xf32>
    %add3A = arith.addf %squeeze3A, %squeeze3A_4 : vector<2000xf32>
    %add3A_5 = arith.constant 1.000000e+00 : f32
    %add3A_6 = vector.broadcast %add3A_5 : f32 to vector<2000xf32>
    %add3A_7 = arith.addf %add3A, %add3A_6 : vector<2000xf32>
    %rsqrt3A = math.rsqrt %add3A_7 : vector<2000xf32>
    %broadcast_in_dim3A = vector.shape_cast %rsqrt3A : vector<2000xf32> to vector<2000x1xf32>
    %get3A_8 = arith.constant 0 : index
    %get3A_9 = arith.constant 0 : index
    %get3A_10 = vector.load %arg2[%get3A_8, %get3A_9] : memref<2000x256xf32, #tpu.memory_space<vmem>>, vector<2000x256xf32>
    %get3A_11 = arith.constant 0 : index
    %get3A_12 = arith.constant 0 : index
    %get3A_13 = vector.load %arg3[%get3A_11, %get3A_12] : memref<256x256xf32, #tpu.memory_space<vmem>>, vector<256x256xf32>
    %dot_general3A = arith.constant dense<0.000000e+00> : vector<2000x256xf32>
    %dot_general3A_14 = tpu.matmul %get3A_10, %get3A_13, %dot_general3A {dimension_numbers = #tpu.dot_dimension_numbers<[1], [0], [0], [1], [0, 0, 1, 1], [], []>, transpose_lhs_hint = false} : vector<2000x256xf32>, vector<256x256xf32>, vector<2000x256xf32> -> vector<2000x256xf32>
    %mul3A = vector.broadcast %broadcast_in_dim3A : vector<2000x1xf32> to vector<2000x256xf32>
    %mul3A_15 = arith.mulf %dot_general3A_14, %mul3A : vector<2000x256xf32>
    %slice3A_16 = vector.extract_strided_slice %mul3A_15 {offsets = [0, 0], sizes = [2000, 128], strides = [1, 1]} : vector<2000x256xf32> to vector<2000x128xf32>
    %swap3A = arith.constant 0 : index
    %swap3A_17 = arith.constant 0 : index
    %swap3A_18 = arith.constant 0 : index
    %swap3A_19 = vector.load %arg4[%swap3A, %swap3A_17, %swap3A_18] : memref<2x2000x128xf32, #tpu.memory_space<vmem>>, vector<1x2000x128xf32>
    %swap3A_20 = vector.shape_cast %swap3A_19 : vector<1x2000x128xf32> to vector<2000x128xf32>
    %swap3A_21 = vector.shape_cast %slice3A_16 : vector<2000x128xf32> to vector<1x2000x128xf32>
    tpu.vector_store %arg4[%swap3A, %swap3A_17, %swap3A_18], %swap3A_21 {strides = array<i32>} : memref<2x2000x128xf32, #tpu.memory_space<vmem>>, vector<1x2000x128xf32>,
    %slice3A_22 = vector.extract_strided_slice %mul3A_15 {offsets = [0, 128], sizes = [2000, 128], strides = [1, 1]} : vector<2000x256xf32> to vector<2000x128xf32>
    %swap3A_23 = arith.constant 1 : index
    %swap3A_24 = arith.constant 0 : index
    %swap3A_25 = arith.constant 0 : index
    %swap3A_26 = vector.load %arg4[%swap3A_23, %swap3A_24, %swap3A_25] : memref<2x2000x128xf32, #tpu.memory_space<vmem>>, vector<1x2000x128xf32>
    %swap3A_27 = vector.shape_cast %swap3A_26 : vector<1x2000x128xf32> to vector<2000x128xf32>
    %swap3A_28 = vector.shape_cast %slice3A_22 : vector<2000x128xf32> to vector<1x2000x128xf32>
    tpu.vector_store %arg4[%swap3A_23, %swap3A_24, %swap3A_25], %swap3A_28 {strides = array<i32>} : memref<2x2000x128xf32, #tpu.memory_space<vmem>>, vector<1x2000x128xf32>,
    %convert_element_type3A = arith.truncf %mul3A_15 : vector<2000x256xf32> to vector<2000x256xbf16>
    %reshape3A = vector.shape_cast %convert_element_type3A : vector<2000x256xbf16> to vector<2000x2x128xbf16>
    %swap3A_29 = arith.constant 0 : index
    %swap3A_30 = arith.constant 0 : index
    %swap3A_31 = arith.constant 0 : index
    %swap3A_32 = vector.load %arg5[%swap3A_29, %swap3A_30, %swap3A_31] : memref<2000x2x128xbf16, #tpu.memory_space<vmem>>, vector<2000x2x128xbf16>
    tpu.vector_store %arg5[%swap3A_29, %swap3A_30, %swap3A_31], %reshape3A {strides = array<i32>} : memref<2000x2x128xbf16, #tpu.memory_space<vmem>>, vector<2000x2x128xbf16>,
    return
  }
  func.func @transform_0(%arg0: i32) -> (i32, i32, i32) {
    %c0_i32 = arith.constant 0 : i32
    %c0_i32_0 = arith.constant 0 : i32
    %c0_i32_1 = arith.constant 0 : i32
    return %c0_i32, %arg0, %c0_i32_0 : i32, i32, i32
  }
  func.func @transform_1(%arg0: i32) -> (i32, i32) {
    %c0_i32 = arith.constant 0 : i32
    %c0_i32_0 = arith.constant 0 : i32
    return %arg0, %c0_i32 : i32, i32
  }
  func.func @transform_2(%arg0: i32) -> (i32, i32) {
    %c0_i32 = arith.constant 0 : i32
    %c0_i32_0 = arith.constant 0 : i32
    %c0_i32_1 = arith.constant 0 : i32
    return %c0_i32, %c0_i32_0 : i32, i32
  }
  func.func @transform_3(%arg0: i32) -> (i32, i32, i32) {
    %c0_i32 = arith.constant 0 : i32
    %c0_i32_0 = arith.constant 0 : i32
    %c0_i32_1 = arith.constant 0 : i32
    return %c0_i32, %arg0, %c0_i32_0 : i32, i32, i32
  }
  func.func @transform_4(%arg0: i32) -> (i32, i32, i32) {
    %c0_i32 = arith.constant 0 : i32
    %c0_i32_0 = arith.constant 0 : i32
    %c0_i32_1 = arith.constant 0 : i32
    return %arg0, %c0_i32, %c0_i32_0 : i32, i32, i32
  }
}

module attributes {stable_mosaic.version = 14 : i64} {
  func.func @_h_body(%arg0: i32, %arg1: memref<2x2000x16xf32, #tpu.memory_space<vmem>>, %arg2: memref<2x2000x256xbf16, #tpu.memory_space<vmem>>, %arg3: memref<2x2000x128xf32, #tpu.memory_space<vmem>>, %arg4: memref<256x16xf32, #tpu.memory_space<vmem>>, %arg5: memref<1x256xf32, #tpu.memory_space<vmem>>, %arg6: memref<2000x16xf32, #tpu.memory_space<vmem>>) attributes {dimension_semantics = [#tpu.dimension_semantics<arbitrary>], iteration_bounds = array<i64: 5>, scalar_prefetch = 0 : i64, scratch_operands = 0 : i64, tpu.core_type = #tpu.core_type<tc>, window_params = [{transform_indices = @transform_0, window_bounds = array<i64: 2, 2000, 16>}, {transform_indices = @transform_1, window_bounds = array<i64: 2, 2000, 256>}, {transform_indices = @transform_2, window_bounds = array<i64: 2, 2000, 128>}, {pipeline_mode = #tpu.pipeline_mode<synchronous>, transform_indices = @transform_3, window_bounds = array<i64: 256, 16>}, {pipeline_mode = #tpu.pipeline_mode<synchronous>, transform_indices = @transform_4, window_bounds = array<i64: 1, 256>}, {transform_indices = @transform_5, window_bounds = array<i64: 2000, 16>}]} {
    %get3A = arith.constant 0 : index
    %get3A_0 = arith.constant 0 : index
    %get3A_1 = arith.constant 0 : index
    %get3A_2 = vector.load %arg1[%get3A, %get3A_0, %get3A_1] : memref<2x2000x16xf32, #tpu.memory_space<vmem>>, vector<2x2000x16xf32>
    %slice3A = vector.extract_strided_slice %get3A_2 {offsets = [0, 0, 0], sizes = [1, 2000, 1], strides = [1, 1, 1]} : vector<2x2000x16xf32> to vector<1x2000x1xf32>
    %squeeze3A = vector.shape_cast %slice3A : vector<1x2000x1xf32> to vector<2000xf32>
    %slice3A_3 = vector.extract_strided_slice %get3A_2 {offsets = [1, 0, 0], sizes = [1, 2000, 1], strides = [1, 1, 1]} : vector<2x2000x16xf32> to vector<1x2000x1xf32>
    %squeeze3A_4 = vector.shape_cast %slice3A_3 : vector<1x2000x1xf32> to vector<2000xf32>
    %add3A = arith.addf %squeeze3A, %squeeze3A_4 : vector<2000xf32>
    %add3A_5 = arith.constant 1.000000e+00 : f32
    %add3A_6 = vector.broadcast %add3A_5 : f32 to vector<2000xf32>
    %add3A_7 = arith.addf %add3A, %add3A_6 : vector<2000xf32>
    %rsqrt3A = math.rsqrt %add3A_7 : vector<2000xf32>
    %broadcast_in_dim3A = vector.shape_cast %rsqrt3A : vector<2000xf32> to vector<2000x1xf32>
    %get3A_8 = arith.constant 0 : index
    %get3A_9 = arith.constant 0 : index
    %get3A_10 = arith.constant 0 : index
    %get3A_11 = vector.load %arg2[%get3A_8, %get3A_9, %get3A_10] : memref<2x2000x256xbf16, #tpu.memory_space<vmem>>, vector<2x2000x256xbf16>
    %convert_element_type3A = arith.extf %get3A_11 : vector<2x2000x256xbf16> to vector<2x2000x256xf32>
    %slice3A_12 = vector.extract_strided_slice %convert_element_type3A {offsets = [0, 0, 0], sizes = [1, 2000, 256], strides = [1, 1, 1]} : vector<2x2000x256xf32> to vector<1x2000x256xf32>
    %squeeze3A_13 = vector.shape_cast %slice3A_12 : vector<1x2000x256xf32> to vector<2000x256xf32>
    %slice3A_14 = vector.extract_strided_slice %convert_element_type3A {offsets = [1, 0, 0], sizes = [1, 2000, 256], strides = [1, 1, 1]} : vector<2x2000x256xf32> to vector<1x2000x256xf32>
    %squeeze3A_15 = vector.shape_cast %slice3A_14 : vector<1x2000x256xf32> to vector<2000x256xf32>
    %add3A_16 = arith.addf %squeeze3A_13, %squeeze3A_15 : vector<2000x256xf32>
    %get3A_17 = arith.constant 0 : index
    %get3A_18 = arith.constant 0 : index
    %get3A_19 = arith.constant 0 : index
    %get3A_20 = vector.load %arg3[%get3A_17, %get3A_18, %get3A_19] : memref<2x2000x128xf32, #tpu.memory_space<vmem>>, vector<1x2000x128xf32>
    %get3A_21 = vector.shape_cast %get3A_20 : vector<1x2000x128xf32> to vector<2000x128xf32>
    %get3A_22 = arith.constant 1 : index
    %get3A_23 = arith.constant 0 : index
    %get3A_24 = arith.constant 0 : index
    %get3A_25 = vector.load %arg3[%get3A_22, %get3A_23, %get3A_24] : memref<2x2000x128xf32, #tpu.memory_space<vmem>>, vector<1x2000x128xf32>
    %get3A_26 = vector.shape_cast %get3A_25 : vector<1x2000x128xf32> to vector<2000x128xf32>
    %concatenate3A = tpu.concatenate %get3A_21, %get3A_26 in 1 : vector<2000x128xf32>, vector<2000x128xf32> -> vector<2000x256xf32>
    %add3A_27 = arith.addf %add3A_16, %concatenate3A : vector<2000x256xf32>
    %mul3A = vector.broadcast %broadcast_in_dim3A : vector<2000x1xf32> to vector<2000x256xf32>
    %mul3A_28 = arith.mulf %add3A_27, %mul3A : vector<2000x256xf32>
    %get3A_29 = arith.constant 0 : index
    %get3A_30 = arith.constant 0 : index
    %get3A_31 = vector.load %arg5[%get3A_29, %get3A_30] : memref<1x256xf32, #tpu.memory_space<vmem>>, vector<1x256xf32>
    %add3A_32 = vector.broadcast %get3A_31 : vector<1x256xf32> to vector<2000x256xf32>
    %add3A_33 = arith.addf %mul3A_28, %add3A_32 : vector<2000x256xf32>
    %max3A = arith.constant 0.000000e+00 : f32
    %max3A_34 = vector.broadcast %max3A : f32 to vector<2000x256xf32>
    %max3A_35 = arith.maximumf %add3A_33, %max3A_34 : vector<2000x256xf32>
    %get3A_36 = arith.constant 0 : index
    %get3A_37 = arith.constant 0 : index
    %get3A_38 = vector.load %arg4[%get3A_36, %get3A_37] : memref<256x16xf32, #tpu.memory_space<vmem>>, vector<256x16xf32>
    %dot_general3A = arith.constant dense<0.000000e+00> : vector<2000x16xf32>
    %dot_general3A_39 = tpu.matmul %max3A_35, %get3A_38, %dot_general3A {dimension_numbers = #tpu.dot_dimension_numbers<[1], [0], [0], [1], [0, 0, 1, 1], [], []>, transpose_lhs_hint = false} : vector<2000x256xf32>, vector<256x16xf32>, vector<2000x16xf32> -> vector<2000x16xf32>
    %mul3A_40 = vector.broadcast %broadcast_in_dim3A : vector<2000x1xf32> to vector<2000x16xf32>
    %mul3A_41 = arith.mulf %dot_general3A_39, %mul3A_40 : vector<2000x16xf32>
    %swap3A = arith.constant 0 : index
    %swap3A_42 = arith.constant 0 : index
    %swap3A_43 = vector.load %arg6[%swap3A, %swap3A_42] : memref<2000x16xf32, #tpu.memory_space<vmem>>, vector<2000x16xf32>
    tpu.vector_store %arg6[%swap3A, %swap3A_42], %mul3A_41 {strides = array<i32>} : memref<2000x16xf32, #tpu.memory_space<vmem>>, vector<2000x16xf32>,
    return
  }
  func.func @transform_0(%arg0: i32) -> (i32, i32, i32) {
    %c0_i32 = arith.constant 0 : i32
    %c0_i32_0 = arith.constant 0 : i32
    %c0_i32_1 = arith.constant 0 : i32
    return %c0_i32, %arg0, %c0_i32_0 : i32, i32, i32
  }
  func.func @transform_1(%arg0: i32) -> (i32, i32, i32) {
    %c0_i32 = arith.constant 0 : i32
    %c0_i32_0 = arith.constant 0 : i32
    %c0_i32_1 = arith.constant 0 : i32
    return %c0_i32, %arg0, %c0_i32_0 : i32, i32, i32
  }
  func.func @transform_2(%arg0: i32) -> (i32, i32, i32) {
    %c0_i32 = arith.constant 0 : i32
    %c0_i32_0 = arith.constant 0 : i32
    %c0_i32_1 = arith.constant 0 : i32
    return %c0_i32, %arg0, %c0_i32_0 : i32, i32, i32
  }
  func.func @transform_3(%arg0: i32) -> (i32, i32) {
    %c0_i32 = arith.constant 0 : i32
    %c0_i32_0 = arith.constant 0 : i32
    %c0_i32_1 = arith.constant 0 : i32
    return %c0_i32, %c0_i32_0 : i32, i32
  }
  func.func @transform_4(%arg0: i32) -> (i32, i32) {
    %c0_i32 = arith.constant 0 : i32
    %c0_i32_0 = arith.constant 0 : i32
    %c0_i32_1 = arith.constant 0 : i32
    return %c0_i32, %c0_i32_0 : i32, i32
  }
  func.func @transform_5(%arg0: i32) -> (i32, i32) {
    %c0_i32 = arith.constant 0 : i32
    %c0_i32_0 = arith.constant 0 : i32
    return %arg0, %c0_i32 : i32, i32
  }
}

module attributes {stable_mosaic.version = 14 : i64} {
  func.func @_out_body(%arg0: i32, %arg1: memref<2x2000x16xf32, #tpu.memory_space<vmem>>, %arg2: memref<2x2000x16xf32, #tpu.memory_space<vmem>>, %arg3: memref<2000x16xf32, #tpu.memory_space<vmem>>, %arg4: memref<1x16xf32, #tpu.memory_space<vmem>>, %arg5: memref<2000x16xf32, #tpu.memory_space<vmem>>) attributes {dimension_semantics = [#tpu.dimension_semantics<arbitrary>], iteration_bounds = array<i64: 5>, scalar_prefetch = 0 : i64, scratch_operands = 0 : i64, tpu.core_type = #tpu.core_type<tc>, window_params = [{transform_indices = @transform_0, window_bounds = array<i64: 2, 2000, 16>}, {transform_indices = @transform_1, window_bounds = array<i64: 2, 2000, 16>}, {transform_indices = @transform_2, window_bounds = array<i64: 2000, 16>}, {pipeline_mode = #tpu.pipeline_mode<synchronous>, transform_indices = @transform_3, window_bounds = array<i64: 1, 16>}, {transform_indices = @transform_4, window_bounds = array<i64: 2000, 16>}]} {
    %get3A = arith.constant 0 : index
    %get3A_0 = arith.constant 0 : index
    %get3A_1 = arith.constant 0 : index
    %get3A_2 = vector.load %arg1[%get3A, %get3A_0, %get3A_1] : memref<2x2000x16xf32, #tpu.memory_space<vmem>>, vector<2x2000x16xf32>
    %slice3A = vector.extract_strided_slice %get3A_2 {offsets = [0, 0, 0], sizes = [1, 2000, 1], strides = [1, 1, 1]} : vector<2x2000x16xf32> to vector<1x2000x1xf32>
    %squeeze3A = vector.shape_cast %slice3A : vector<1x2000x1xf32> to vector<2000xf32>
    %slice3A_3 = vector.extract_strided_slice %get3A_2 {offsets = [1, 0, 0], sizes = [1, 2000, 1], strides = [1, 1, 1]} : vector<2x2000x16xf32> to vector<1x2000x1xf32>
    %squeeze3A_4 = vector.shape_cast %slice3A_3 : vector<1x2000x1xf32> to vector<2000xf32>
    %add3A = arith.addf %squeeze3A, %squeeze3A_4 : vector<2000xf32>
    %add3A_5 = arith.constant 1.000000e+00 : f32
    %add3A_6 = vector.broadcast %add3A_5 : f32 to vector<2000xf32>
    %add3A_7 = arith.addf %add3A, %add3A_6 : vector<2000xf32>
    %rsqrt3A = math.rsqrt %add3A_7 : vector<2000xf32>
    %broadcast_in_dim3A = vector.shape_cast %rsqrt3A : vector<2000xf32> to vector<2000x1xf32>
    %get3A_8 = arith.constant 0 : index
    %get3A_9 = arith.constant 0 : index
    %get3A_10 = arith.constant 0 : index
    %get3A_11 = vector.load %arg2[%get3A_8, %get3A_9, %get3A_10] : memref<2x2000x16xf32, #tpu.memory_space<vmem>>, vector<1x2000x16xf32>
    %get3A_12 = vector.shape_cast %get3A_11 : vector<1x2000x16xf32> to vector<2000x16xf32>
    %get3A_13 = arith.constant 1 : index
    %get3A_14 = arith.constant 0 : index
    %get3A_15 = arith.constant 0 : index
    %get3A_16 = vector.load %arg2[%get3A_13, %get3A_14, %get3A_15] : memref<2x2000x16xf32, #tpu.memory_space<vmem>>, vector<1x2000x16xf32>
    %get3A_17 = vector.shape_cast %get3A_16 : vector<1x2000x16xf32> to vector<2000x16xf32>
    %add3A_18 = arith.addf %get3A_12, %get3A_17 : vector<2000x16xf32>
    %get3A_19 = arith.constant 0 : index
    %get3A_20 = arith.constant 0 : index
    %get3A_21 = vector.load %arg3[%get3A_19, %get3A_20] : memref<2000x16xf32, #tpu.memory_space<vmem>>, vector<2000x16xf32>
    %add3A_22 = arith.addf %add3A_18, %get3A_21 : vector<2000x16xf32>
    %mul3A = vector.broadcast %broadcast_in_dim3A : vector<2000x1xf32> to vector<2000x16xf32>
    %mul3A_23 = arith.mulf %add3A_22, %mul3A : vector<2000x16xf32>
    %get3A_24 = arith.constant 0 : index
    %get3A_25 = arith.constant 0 : index
    %get3A_26 = vector.load %arg4[%get3A_24, %get3A_25] : memref<1x16xf32, #tpu.memory_space<vmem>>, vector<1x16xf32>
    %add3A_27 = vector.broadcast %get3A_26 : vector<1x16xf32> to vector<2000x16xf32>
    %add3A_28 = arith.addf %mul3A_23, %add3A_27 : vector<2000x16xf32>
    %iota3A = tpu.iota {dimensions = array<i32: 1>} : vector<2000x16xi32>
    %lt3A = arith.constant 4 : i32
    %lt3A_29 = vector.broadcast %lt3A : i32 to vector<2000x16xi32>
    %lt3A_30 = arith.cmpi slt, %iota3A, %lt3A_29 : vector<2000x16xi32>
    %jit3A = arith.constant -1.000000e+30 : f32
    %broadcast_in_dim3A_31 = vector.broadcast %jit3A : f32 to vector<2000x16xf32>
    %select_n3A = arith.select %lt3A_30, %add3A_28, %broadcast_in_dim3A_31 : vector<2000x16xi1>, vector<2000x16xf32>
    %reduce_max3A = arith.constant dense<0xFF800000> : vector<2000xf32>
    %reduce_max3A_32 = vector.multi_reduction <maximumf>, %select_n3A, %reduce_max3A [1] : vector<2000x16xf32> to vector<2000xf32>
    %broadcast_in_dim3A_33 = vector.shape_cast %reduce_max3A_32 : vector<2000xf32> to vector<2000x1xf32>
    %sub3A = vector.broadcast %broadcast_in_dim3A_33 : vector<2000x1xf32> to vector<2000x16xf32>
    %sub3A_34 = arith.subf %add3A_28, %sub3A : vector<2000x16xf32>
    %exp3A = math.exp %sub3A_34 : vector<2000x16xf32>
    %jit3A_35 = arith.constant 0.000000e+00 : f32
    %broadcast_in_dim3A_36 = vector.broadcast %jit3A_35 : f32 to vector<2000x16xf32>
    %select_n3A_37 = arith.select %lt3A_30, %exp3A, %broadcast_in_dim3A_36 : vector<2000x16xi1>, vector<2000x16xf32>
    %reduce_sum3A = arith.constant dense<0.000000e+00> : vector<2000xf32>
    %reduce_sum3A_38 = vector.multi_reduction <add>, %select_n3A_37, %reduce_sum3A [1] : vector<2000x16xf32> to vector<2000xf32>
    %broadcast_in_dim3A_39 = vector.shape_cast %reduce_sum3A_38 : vector<2000xf32> to vector<2000x1xf32>
    %log3A = math.log %broadcast_in_dim3A_39 : vector<2000x1xf32>
    %sub3A_40 = vector.broadcast %broadcast_in_dim3A_33 : vector<2000x1xf32> to vector<2000x16xf32>
    %sub3A_41 = arith.subf %add3A_28, %sub3A_40 : vector<2000x16xf32>
    %sub3A_42 = vector.broadcast %log3A : vector<2000x1xf32> to vector<2000x16xf32>
    %sub3A_43 = arith.subf %sub3A_41, %sub3A_42 : vector<2000x16xf32>
    %swap3A = arith.constant 0 : index
    %swap3A_44 = arith.constant 0 : index
    %swap3A_45 = vector.load %arg5[%swap3A, %swap3A_44] : memref<2000x16xf32, #tpu.memory_space<vmem>>, vector<2000x16xf32>
    tpu.vector_store %arg5[%swap3A, %swap3A_44], %sub3A_43 {strides = array<i32>} : memref<2000x16xf32, #tpu.memory_space<vmem>>, vector<2000x16xf32>,
    return
  }
  func.func @transform_0(%arg0: i32) -> (i32, i32, i32) {
    %c0_i32 = arith.constant 0 : i32
    %c0_i32_0 = arith.constant 0 : i32
    %c0_i32_1 = arith.constant 0 : i32
    return %c0_i32, %arg0, %c0_i32_0 : i32, i32, i32
  }
  func.func @transform_1(%arg0: i32) -> (i32, i32, i32) {
    %c0_i32 = arith.constant 0 : i32
    %c0_i32_0 = arith.constant 0 : i32
    %c0_i32_1 = arith.constant 0 : i32
    return %c0_i32, %arg0, %c0_i32_0 : i32, i32, i32
  }
  func.func @transform_2(%arg0: i32) -> (i32, i32) {
    %c0_i32 = arith.constant 0 : i32
    %c0_i32_0 = arith.constant 0 : i32
    return %arg0, %c0_i32 : i32, i32
  }
  func.func @transform_3(%arg0: i32) -> (i32, i32) {
    %c0_i32 = arith.constant 0 : i32
    %c0_i32_0 = arith.constant 0 : i32
    %c0_i32_1 = arith.constant 0 : i32
    return %c0_i32, %c0_i32_0 : i32, i32
  }
  func.func @transform_4(%arg0: i32) -> (i32, i32) {
    %c0_i32 = arith.constant 0 : i32
    %c0_i32_0 = arith.constant 0 : i32
    return %arg0, %c0_i32 : i32, i32
  }
}

</mosaic_0001>

<sc_bundles>
// kernel: kernel.11.cloned.1.call-start
scs
__scs_entry_jumppad:
0x0: {  	(pc) =	sbr.rel $0x88, $3  }
0x1: {  	(tag) =	ssettag $0x0;
	lr =	simm.s32 $0x1  }
0x2: {  	[smem:$0x3F9B] =	sst lr;
	_ =	strace $0xD0000000  }
0x3: {  	_ = 	snop  }
0x4: {  	_ = 	snop  }
0x5: {  	_ = 	snop  }
0x6: {  	_ = 	snop  }
0x7: {  	_ = 	snop  }
__scs_overlays_trampoline_lowered:
0x8: {  	[smem:$0x3FAA] =	sst s0  }
0x9: {  	[smem:$0x3FAB] =	sst s1  }
0xa: {  	[smem:$0x3FAC] =	sst s2  }
0xb: {  	[smem:$0x3FAD] =	sst s3  }
0xc: {  	[smem:$0x3FAE] =	sst s4  }
0xd: {  	[smem:$0x3FAF] =	sst s5  }
0xe: {  	[smem:$0x3FB0] =	sst s6  }
0xf: {  	[smem:$0x3FB1] =	sst s7  }
0x10: {  	[smem:$0x3FB2] =	sst s8  }
0x11: {  	[smem:$0x3FB3] =	sst s9;
	s0 =	simm.s32 @!p0 $0x0  }
0x12: {  	s1 =	sld [smem:$0x3F99];
	s0 =	simm.s32 @p0 $0x1  }
0x13: {  	[smem:$0x3FB4] =	sst s0;
	s0 =	simm.s32 @!p1 $0x0  }
0x14: {  	s2 =	sld [smem:$0x3F98];
	s0 =	simm.s32 @p1 $0x1  }
0x15: {  	[smem:$0x3FB5] =	sst s0;
	s0 =	simm.s32 @!p2 $0x0  }
0x16: {  	s3 =	sld [smem:$0x3FDB];
	s0 =	simm.s32 @p2 $0x1  }
0x17: {  	s4 =	simm.s32 $0x1BF5;
	[smem:$0x3FB7] =	sst s0  }
0x18: {  	s0 =	sld [smem:$0x3F9A];
	_ =	swait.ge [sflag:s4], $0x0  }
0x19: {  	s7 =	sld [smem:$0x3F9B]  }
0x1a: {  	s8 =	sadd.s32 $0xFFFFE003, lr  }
0x1b: {  	s9 =	sadd.s32 $0xFFFFFEF7, lr;
	s5 =	simm.s32 $0xFFFFFFFF;
	p2 =	slt.u32 s8, $0xFFFFF086  }
0x1c: {  	p1 =	slt.u32 s9, $0xF7A;
	s5 =	simm.s32 @!p2 $0x0  }
0x1d: {  	s5 =	simm.s32 @p1 $0x1;
	p0 =	seq.s32 s7, s2  }
0x1e: {  	s7 =	smul.u32 @!p0 $0xF7A, s2;
	p2 =	seq.s32 @!p0 s5, $0x0  }
0x1f: {  	s9 =	smul.u32 $0xF7A, s1;
	s8 =	simm.s32 @!p0 $0x1BF5;
	p2 =	por !p2, p0  }
0x20: {  	[sflag:s8] =	ssyncset.s32 @!p0 $0xFFFFF086;
	s6 =	sadd.s32 @!p0 s3, s7;
	s7 =	simm.s32 @!p0 $0x108  }
0x21: {  	s3 =	sadd.s32 s3, s9;
	s6 =	sadd.s32 @!p0 $0x88, s6;
	s7 =	simm.s32 @p2 $0x1082  }
0x22: {  	[simem:s7], [sflag:s8] =	dma.local @!p0 [hbm:s6], $0xF7A  }
0x23: {  	s9 =	sor.u32 $0xD0000000, s2;
	s6 =	simm.s32 $0x108;
	_ =	swait.ge @!p0 [sflag:s8], $0x0  }
0x24: {  	s3 =	sadd.s32 $0x88, s3;
	s6 =	simm.s32 @!p1 $0x1082;
	[sflag:s4] =	ssyncset.s32 $0xFFFFF086  }
0x25: {  	[simem:s6], [sflag:s4] =	dma.local [hbm:s3], $0xF7A  }
0x26: {  	[smem:$0x3F9B] =	sst s1;
	(tag) =	ssettag s2;
	_ =	strace s9  }
0x27: {  	s1 =	sld [smem:$0x3FAB]  }
0x28: {  	s2 =	sld [smem:$0x3FAC]  }
0x29: {  	s4 =	sld [smem:$0x3FAE]  }
0x2a: {  	p0 =	seq.s32 s5, $0x0;
	s5 =	sld [smem:$0x3FAF]  }
0x2b: {  	s6 =	sld [smem:$0x3FB0]  }
0x2c: {  	s7 =	sld [smem:$0x3FB1]  }
0x2d: {  	s3 =	simm.s32 $0x108;
	s8 =	sld [smem:$0x3FB2]  }
0x2e: {  	s3 =	simm.s32 @!p0 $0x1082;
	s9 =	sld [smem:$0x3FB3]  }
0x2f: {  	lr =	sadd.s32 s0, s3;
	s0 =	sld [smem:$0x3FAA]  }
0x30: {  	s3 =	sld [smem:$0x3FAD]  }
0x31: {  	[smem:$0x3FB6] =	sst s10  }
0x32: {  	s10 =	sld [smem:$0x3FB4];
	_ =	sdelay $0x3  }
0x33: {  	p0 =	seq.s32 s10, $0x1;
	s10 =	sld [smem:$0x3FB6];
	_ =	sdelay $0x3  }
0x34: {  	[smem:$0x3FB6] =	sst s10  }
0x35: {  	s10 =	sld [smem:$0x3FB5];
	_ =	sdelay $0x3  }
0x36: {  	p1 =	seq.s32 s10, $0x1;
	s10 =	sld [smem:$0x3FB6];
	_ =	sdelay $0x3  }
0x37: {  	[smem:$0x3FB6] =	sst s10  }
0x38: {  	s10 =	sld [smem:$0x3FB7]  }
0x39: {  	_ = 	snop;
	(pc) =	sbr.ind lr, $3  }
0x3a: {  	_ = 	snop  }
0x3b: {  	_ = 	snop  }
0x3c: {  	p2 =	seq.s32 s10, $0x1;
	s10 =	sld [smem:$0x3FB6]  }
0x3d: {  	_ =	shalt  }
0x3e: {  	_ =	shalt  }
0x3f: {  	_ =	shalt  }
0x40: {  	_ =	shalt  }
0x41: {  	_ =	shalt  }
0x42: {  	_ =	shalt  }
0x43: {  	_ =	shalt  }
0x44: {  	_ =	shalt  }
0x45: {  	_ =	shalt  }
0x46: {  	_ =	shalt  }
0x47: {  	_ =	shalt  }
0x48: {  	_ =	shalt  }
0x49: {  	_ =	shalt  }
0x4a: {  	_ =	shalt  }
0x4b: {  	_ =	shalt  }
0x4c: {  	_ =	shalt  }
0x4d: {  	_ =	shalt  }
0x4e: {  	_ =	shalt  }
0x4f: {  	_ =	shalt  }
0x50: {  	_ =	shalt  }
0x51: {  	_ =	shalt  }
0x52: {  	_ =	shalt  }
0x53: {  	_ =	shalt  }
0x54: {  	_ =	shalt  }
0x55: {  	_ =	shalt  }
0x56: {  	_ =	shalt  }
0x57: {  	_ =	shalt  }
0x58: {  	_ =	shalt  }
0x59: {  	_ =	shalt  }
0x5a: {  	_ =	shalt  }
0x5b: {  	_ =	shalt  }
0x5c: {  	_ =	shalt  }
0x5d: {  	_ =	shalt  }
0x5e: {  	_ =	shalt  }
0x5f: {  	_ =	shalt  }
0x60: {  	_ =	shalt  }
0x61: {  	_ =	shalt  }
0x62: {  	_ =	shalt  }
0x63: {  	_ =	shalt  }
0x64: {  	_ =	shalt  }
0x65: {  	_ =	shalt  }
0x66: {  	_ =	shalt  }
0x67: {  	_ =	shalt  }
0x68: {  	_ =	shalt  }
0x69: {  	_ =	shalt  }
0x6a: {  	_ =	shalt  }
0x6b: {  	_ =	shalt  }
0x6c: {  	_ =	shalt  }
0x6d: {  	_ =	shalt  }
0x6e: {  	_ =	shalt  }
0x6f: {  	_ =	shalt  }
0x70: {  	_ =	shalt  }
0x71: {  	_ =	shalt  }
0x72: {  	_ =	shalt  }
0x73: {  	_ =	shalt  }
0x74: {  	_ =	shalt  }
0x75: {  	_ =	shalt  }
0x76: {  	_ =	shalt  }
0x77: {  	_ =	shalt  }
0x78: {  	_ =	shalt  }
0x79: {  	_ =	shalt  }
0x7a: {  	_ =	shalt  }
0x7b: {  	_ =	shalt  }
0x7c: {  	_ =	shalt  }
0x7d: {  	_ =	shalt  }
0x7e: {  	_ =	shalt  }
0x7f: {  	_ =	shalt  }
0x80: {  	_ =	shalt  }
0x81: {  	_ =	shalt  }
0x82: {  	_ =	shalt  }
0x83: {  	_ =	shalt  }
0x84: {  	_ =	shalt  }
0x85: {  	_ =	shalt  }
0x86: {  	_ =	shalt  }
0x87: {  	_ =	shalt  }
.Lfunc_end0:
.L_simem_size_0:
called_computation.1_lowered:
.L_overlay_start_0:
0x88: {  	s2 =	sld [smem:$0x3FD9]  }
0x89: {  	s3 =	sld [smem:$0x3FFE];
	_ =	sdelay $0x1  }
0x8a: {  	s1 =	srdreg.scid  }
0x8b: {  	s0 =	sand.u32 $0x1, s1  }
0x8c: {  	s16 =	sshll.u32 s0, $0xA;
	s2 =	sadd.s32 s3, s2  }
0x8d: {  	s2 =	sadd.s32 s2, s16  }
0x8e: {  	[smem:$0x3FC2] =	sst s2  }
0x8f: {  	_ = 	snop  }
0x90: {  	(tm) =	ssettm $0x1  }
0x91: {  	s17 =	sld [smem:$0x3FFB];
	_ =	sdelay $0x3  }
0x92: {  	_ =	strace s17  }
0x93: {  	s2 =	sld [smem:$0x3FFC];
	_ =	sdelay $0x3  }
0x94: {  	_ =	strace s2  }
0x95: {  	s2 =	sld [smem:$0x3FFD];
	_ =	sdelay $0x3  }
0x96: {  	_ =	strace s2  }
0x97: {  	_ =	strace $0x8FFFFFFF  }
0x98: {  	s18 =	sld [smem:$0x3FDB];
	_ =	sdelay $0x1  }
0x99: {  	s19 =	simm.s32 $_scs_section_size  }
0x9a: {  	s4 =	simm.s32 $_size__tile_overlayer_lowered;
	s5 =	simm.s32 $_tile_overlayer_lowered  }
0x9b: {  	s22 =	simm.s32 $0x1BFF;
	s21 =	sshll.u32 s5, $0x1;
	s2 =	sadd.s32 s19, s18  }
0x9c: {  	s6 =	simm.s32 $0x0;
	s20 =	sshll.u32 s4, $0x1;
	s4 =	sadd.s32 s21, s2  }
0x9d: {  	[timem:s6], [sflag:s22] =	dma.local [hbm:s4], s20  }
0x9e: {  	_ =	swait.ge [sflag:s22], s20  }
0x9f: {  	s3 =	ssub.s32 $0x0, s20;
	[sflag:s22] =	ssyncset.done $0x0  }
0xa0: {  	[sflag:s22] =	ssyncadd.s32 s3;
	_ =	sdelay $0x1  }
0xa1: {  	s23 =	simm.s32 $0x1B8B  }
0xa2: {  	_ =	swait.ge [sflag:s23], $0x1  }
0xa3: {  	[sflag:s23] =	ssyncset.done $0x0  }
0xa4: {  	s25 =	simm.s32 $0x1B8E;
	s24 =	sld [smem:$0x3FFE];
	[sflag:s23] =	ssyncadd.s32 $0xFFFFFFFF  }
0xa5: {  	s26 =	simm.s32 $execute0_lowered;
	[smem:$0x3FD2] =	sst s25  }
0xa6: {  	s4 =	sshll.u32 s26, $0x1;
	_ =	strace $0x80000049;
	[dreg:$0x1] =	wrdreg $0xFFFFFFFF  }
0xa7: {  	s28 =	simm.s32 $_size_execute0_lowered;
	s2 =	sadd.s32 s2, s4;
	[dreg:$0x0] =	wrdreg $0x0  }
0xa8: {  	s4 =	sshll.u32 s28, $0x1;
	[dreg:$0x2] =	wrdreg s2  }
0xa9: {  	[dreg:$0x3] =	wrdreg s4  }
0xaa: {  	[dreg:$0x4] =	wrdreg $0xC0  }
0xab: {  	_ =	task [dreg:s6], $0x5FFFF  }
0xac: {  	[dreg:$0x1] =	wrdreg $0xFFFFFFFF  }
0xad: {  	[dreg:$0x0] =	wrdreg $0x60  }
0xae: {  	[dreg:$0x2] =	wrdreg s24  }
0xaf: {  	[dreg:$0x3] =	wrdreg $0xA5000  }
0xb0: {  	[dreg:$0x4] =	wrdreg $0x9  }
0xb1: {  	_ =	task.clear_ibuf [dreg:s6], $0x5FFFF;
	_ =	strace $0x90000049  }
0xb2: {  	s29 =	simm.s32 $0x9;
	_ =	strace $0x8000004B  }
0xb3: {  	_ =	swait.ge [sflag:s29], $0x1  }
0xb4: {  	[sflag:s29] =	ssyncadd.s32 $0xFFFFFFFF  }
0xb5: {  	_ =	strace $0x9000004B  }
0xb6: {  	_ =	sfence  }
0xb7: {  	s30 =	sld [smem:$0x0];
	_ =	sdelay $0x2  }
0xb8: {  	s31 =	sshll.u32 s1, $0xD;
	s1 =	sshrl.u32 s1, $0x2  }
0xb9: {  	s3 =	sand.u32 $0x4000, s31;
	s1 =	sadd.s32 s1, s30  }
0xba: {  	s0 =	sor.u32 s3, s0;
	s1 =	sshll.u32 s1, $0x11  }
0xbb: {  	s0 =	sor.u32 s1, s0  }
0xbc: {  	s0 =	sadd.s32 $0x8F2B, s0  }
0xbd: {  	[sflag:s0] =	ssyncadd.remote.s32 $0x1  }
0xbe: {  	_ =	sfence.sel $0xFFFF  }
0xbf: {  	[dreg:$0x0] =	wrdreg $0xFFFFFFFF;
	(pc) =	sbr.abs _section_cstart, $3  }
0xc0: {  	[dreg:$0x1] =	wrdreg $0xFFFFFFFF  }
0xc1: {  	_ =	task.clear_ibuf [dreg:s6], $0x2FFFF;
	_ =	strace $0x9FFFFFFF  }
0xc2: {  	(tm) =	ssettm $0x7FFFFFFF  }
0xc3: {  	_ =	shalt  }
tec
execute0_lowered:
.L_overlay_start_1:
0x0: {  	(tag) =	ssettag $0x1  }
0x1: {  	s7 =	rddreg [dreg:$0x0]  }
0x2: {  	s0 =	srdreg.scid;
	s2 =	rddreg [dreg:$0x1]  }
0x3: {  	s3 =	simm.s32 $0x0;
	s14 =	simm.s32 $0x7D;
	s15 =	simm.s32 $0x2800  }
0x4: {  	s16 =	simm.s32 $0x80;
	s17 =	simm.s32 $0x6680;
	s18 =	simm.s32 $0x1  }
0x5: {  	s19 =	simm.s32 $0x2;
	s20 =	simm.s32 $0x3;
	s21 =	simm.s32 $0x4  }
0x6: {  	s22 =	simm.s32 $0x2700;
	s6 =	sand.u32 $0x1, s0;
	s0 =	stileid.u32  }
0x7: {  	s23 =	simm.s32 $0x2780;
	s24 =	simm.s32 $0x0;
	s8 =	smul.u32 $0x2800, s0  }
0x8: {  	[smem:$0x7FF] =	sst s3;
	s4 =	sadd.s32 $0xB7400, s7;
	s9 =	smul.u32 $0x28000, s6  }
0x9: {  	s1 =	sshll.u32 s6, $0x4;
	s28 =	smul.u32 $0x50000, s0;
	s6 =	ssub.s32 $0x2, s6  }
0xa: {  	s31 =	sshll.u32 s0, $0x6;
	s1 =	sor.u32 s0, s1;
	s29 =	sshrl.u32 s6, $0x1  }
0xb: {  	s5 =	smul.u32 $0x280, s1;
	s1 =	rddreg [dreg:$0x2];
	_ =	strace $0x8000004A  }
0xc: {  	s8 =	sadd.s32 s8, s9;
	s30 =	sshrl.u32 s28, $0x2;
	s12 =	ssub.s32 s6, s29  }
0xd: {  	s6 =	sor.u32 $0x1C05, s31;
	s11 =	sadd.s32 s8, s7;
	s13 =	sadd.s32 s30, s2  }
0xe: {  	s10 =	sadd.s32 s5, s7;
	s5 =	sadd.s32 $0x16A00, s7;
	s9 =	sadd.s32 $0xDE600, s11  }
0xf: {  	s11 =	sshrl.u32 s13, $0x3;
	s13 =	simm.s32 $0x1400;
	s7 =	sadd.s32 $0x11A00, s10  }
0x10: {  	s8 =	sadd.s32 $0x2800, s10;
	s10 =	smax.u32 s12, $0x1;
	s12 =	simm.s32 $0x5  }
.LBB2_1:
0x11: {  	[spmem:s11], [sflag:s6] =	dma.local [hbm:s5], $0x2800  }
0x12: {  	_ =	swait.ge [sflag:s12], $0x2800  }
0x13: {  	[sflag:s12] =	ssyncset.done $0x0  }
0x14: {  	[sflag:s12] =	ssyncadd.s32 $0xFFFFD800  }
0x15: {  	[tilespmem:s3], [sflag:$0x5] =	stream.linear.gather [hbm4b:s7+s3], $0x1400, $0x38;
	[tilespmem:$0x1E500] =	vst v63  }
0x16: {  	_ =	swait.ge [sflag:s12], $0x1400  }
0x17: {  	[sflag:s12] =	ssyncset.done $0x0  }
0x18: {  	[sflag:s12] =	ssyncadd.s32 $0xFFFFEC00  }
0x19: {  	[tilespmem:s13], [sflag:$0x5] =	stream.linear.gather [hbm4b:s8+s3], $0x1400, $0x38;
	[tilespmem:$0x1E500] =	vst v63  }
0x1a: {  	_ =	swait.ge [sflag:s12], $0x1400  }
0x1b: {  	[sflag:s12] =	ssyncset.done $0x0  }
0x1c: {  	[sflag:s12] =	ssyncadd.s32 $0xFFFFEC00  }
0x1d: {  	[bflag:$0x0] =	sbarrier.arrive $0xFFFF  }
0x1e: {  	[tilespmem:s15], [sflag:$0x1] =	stream.indirect.gather [hbm4b:s4+s14], $0x80, s3, s14, $0xb8;
	[tilespmem:$0x1E500] =	vst v63  }
0x1f: {  	_ = 	snop  }
0x20: {  	[tilespmem:s17], [sflag:$0x2] =	stream.indirect.gather [hbm4b:s4+s14], $0x80, s16, s14, $0xb8;
	[tilespmem:$0x1E500] =	vst v63  }
0x21: {  	_ =	swait.ge [sflag:s18], $0x3E80  }
0x22: {  	[sflag:s18] =	ssyncset.done $0x0  }
0x23: {  	s25 =	simm.s32 $0x1400;
	[sflag:s18] =	ssyncadd.s32 $0xFFFFC180  }
0x24: {  	[spmem:s2] =	stream.indirect.scatter.add.bf16 [tilespmem:s15], [sflag:$0x3], $0x80, s25, s14, $0xb8;
	[tilespmem:$0x1E500] =	vst v63  }
0x25: {  	_ =	swait.ge [sflag:s19], $0x3E80  }
0x26: {  	[sflag:s19] =	ssyncset.done $0x0  }
0x27: {  	s30 =	simm.s32 $0x1480;
	[sflag:s19] =	ssyncadd.s32 $0xFFFFC180  }
0x28: {  	[spmem:s2] =	stream.indirect.scatter.add.bf16 [tilespmem:s17], [sflag:$0x4], $0x80, s30, s14, $0xb8;
	[tilespmem:$0x1E500] =	vst v63  }
0x29: {  	_ =	swait.ge [sflag:s20], $0x3E80  }
0x2a: {  	[sflag:s20] =	ssyncset.done $0x0  }
0x2b: {  	s31 =	simm.s32 $0x100;
	[sflag:s20] =	ssyncadd.s32 $0xFFFFC180  }
0x2c: {  	[tilespmem:s15], [sflag:$0x1] =	stream.indirect.gather [hbm4b:s4+s14], $0x80, s31, s14, $0xb8;
	[tilespmem:$0x1E500] =	vst v63  }
0x2d: {  	_ =	swait.ge [sflag:s21], $0x3E80  }
0x2e: {  	[sflag:s21] =	ssyncset.done $0x0  }
0x2f: {  	s26 =	simm.s32 $0x180;
	s25 =	simm.s32 $0x400;
	[sflag:s21] =	ssyncadd.s32 $0xFFFFC180  }
.LBB2_2:
0x30: {  	[tilespmem:s17], [sflag:$0x2] =	stream.indirect.gather [hbm4b:s4+s14], $0x80, s26, s14, $0xb8;
	[tilespmem:$0x1E500] =	vst v63  }
0x31: {  	s26 =	smov.u32 s25  }
0x32: {  	p0 =	sne.s32 s25, $0x4800;
	s25 =	sadd.s32 $0x400, s25;
	_ =	swait.ge [sflag:s18], $0x3E80  }
0x33: {  	s26 =	sshra.s32 s26, $0x2;
	[sflag:s18] =	ssyncset.done $0x0  }
0x34: {  	s28 =	sadd.s32 $0x1400, s26;
	[sflag:s18] =	ssyncadd.s32 $0xFFFFC180  }
0x35: {  	[spmem:s2] =	stream.indirect.scatter.add.bf16 [tilespmem:s15], [sflag:$0x3], $0x80, s28, s14, $0xb8;
	[tilespmem:$0x1E500] =	vst v63  }
0x36: {  	_ =	swait.ge [sflag:s19], $0x3E80  }
0x37: {  	[sflag:s19] =	ssyncset.done $0x0  }
0x38: {  	s28 =	sadd.s32 $0x1480, s26;
	[sflag:s19] =	ssyncadd.s32 $0xFFFFC180  }
0x39: {  	[spmem:s2] =	stream.indirect.scatter.add.bf16 [tilespmem:s17], [sflag:$0x4], $0x80, s28, s14, $0xb8;
	[tilespmem:$0x1E500] =	vst v63  }
0x3a: {  	_ =	swait.ge [sflag:s20], $0x3E80  }
0x3b: {  	[sflag:s20] =	ssyncset.done $0x0  }
.Ltmp0:
0x3c: {  	s28 =	sadd.s32 $0x100, s26;
	[sflag:s20] =	ssyncadd.s32 $0xFFFFC180;
	(pc) =	sbr.rel @p0 .LBB2_2-.Ltmp0, $4  }
0x3d: {  	[tilespmem:s15], [sflag:$0x1] =	stream.indirect.gather [hbm4b:s4+s14], $0x80, s28, s14, $0xb8;
	[tilespmem:$0x1E500] =	vst v63  }
0x3e: {  	_ =	swait.ge [sflag:s21], $0x3E80  }
0x3f: {  	[sflag:s21] =	ssyncset.done $0x0  }
0x40: {  	s26 =	sadd.s32 $0x180, s26;
	[sflag:s21] =	ssyncadd.s32 $0xFFFFC180  }
0x41: {  	[tilespmem:s17], [sflag:$0x2] =	stream.indirect.gather [hbm4b:s4+s14], $0x80, s26, s14, $0xb8;
	[tilespmem:$0x1E500] =	vst v63  }
0x42: {  	_ =	swait.ge [sflag:s18], $0x3E80  }
0x43: {  	[sflag:s18] =	ssyncset.done $0x0  }
0x44: {  	[sflag:s18] =	ssyncadd.s32 $0xFFFFC180  }
0x45: {  	[spmem:s2] =	stream.indirect.scatter.add.bf16 [tilespmem:s15], [sflag:$0x3], $0x80, s22, s14, $0xb8;
	[tilespmem:$0x1E500] =	vst v63  }
0x46: {  	_ =	swait.ge [sflag:s19], $0x3E80  }
0x47: {  	[sflag:s19] =	ssyncset.done $0x0  }
0x48: {  	[sflag:s19] =	ssyncadd.s32 $0xFFFFC180  }
0x49: {  	[spmem:s2] =	stream.indirect.scatter.add.bf16 [tilespmem:s17], [sflag:$0x4], $0x80, s23, s14, $0xb8;
	[tilespmem:$0x1E500] =	vst v63  }
0x4a: {  	_ =	swait.ge [sflag:s20], $0x3E80  }
0x4b: {  	[sflag:s20] =	ssyncset.done $0x0  }
0x4c: {  	[sflag:s20] =	ssyncadd.s32 $0xFFFFC180  }
0x4d: {  	_ =	swait.ge [sflag:s21], $0x3E80  }
0x4e: {  	s24 =	sadd.s32 $0x1, s24;
	[sflag:s21] =	ssyncset.done $0x0  }
0x4f: {  	p0 =	sne.s32 s24, s10;
	[sflag:s21] =	ssyncadd.s32 $0xFFFFC180  }
.Ltmp1:
0x50: {  	[bflag:$0x0] =	sbarrier.arrive $0xFFFF;
	(pc) =	sbr.rel @p0 .LBB2_1-.Ltmp1, $4  }
0x51: {  	[hbm:s9], [sflag:s6] =	dma.local [spmem:s11], $0x2800  }
0x52: {  	_ =	swait.ge [sflag:s12], $0x2800  }
0x53: {  	[sflag:s12] =	ssyncset.done $0x0  }
0x54: {  	[sflag:s12] =	ssyncadd.s32 $0xFFFFD800  }
0x55: {  	_ =	sfence.sel $0x180000  }
0x56: {  	[bflag:$0x0] =	sbarrier.arrive $0xFFFF  }
0x57: {  	p0 =	sne.s32 s0, $0x0;
	_ =	strace $0x9000004A  }
0x58: {  	s0 =	sadd.s32 @!p0 $0x100000, s1;
	[bflag:$0x2] =	sbarrier.arrive $0xFFFF  }
0x59: {  	[sflag:s0] =	ssyncadd.tile.s32 @!p0 $0x1;
	_ =	shalt  }
.Lfunc_end2:
_tile_overlayer_lowered:
.L_overlay_start_2:
0x5a: {  	(tag) =	ssettag $0x2  }
0x5b: {  	s0 =	rddreg [dreg:$0x0];
	s2 =	stileid.u32  }
0x5c: {  	s1 =	rddreg [dreg:$0x1];
	p0 =	sne.s32 s2, $0x0  }
0x5d: {  	s3 =	rddreg [dreg:$0x2];
	[bflag:$0x3] =	sbarrier.arrive $0xFFFF;
	s2 =	simm.s32 @!p0 $0x1C05  }
0x5e: {  	[timem:s3], [sflag:s2] =	dma.local @!p0 [hbm:s0], s1  }
0x5f: {  	s0 =	simm.s32 @!p0 $0x5  }
0x60: {  	_ =	swait.ge @!p0 [sflag:s0], s1  }
0x61: {  	s1 =	ssub.s32 @!p0 $0x0, s1;
	[sflag:s0] =	ssyncset.done @!p0 $0x0  }
0x62: {  	[sflag:s0] =	ssyncadd.s32 @!p0 s1  }
0x63: {  	[bflag:$0x3] =	sbarrier.arrive $0xFFFF  }
0x64: {  	_ =	shalt  }

// kernel: kernel.14.cloned.1.call-start
scs
__scs_entry_jumppad:
0x0: {  	(pc) =	sbr.rel $0x88, $3  }
0x1: {  	(tag) =	ssettag $0x0;
	lr =	simm.s32 $0x1  }
0x2: {  	[smem:$0x3F9B] =	sst lr;
	_ =	strace $0xD0000000  }
0x3: {  	_ = 	snop  }
0x4: {  	_ = 	snop  }
0x5: {  	_ = 	snop  }
0x6: {  	_ = 	snop  }
0x7: {  	_ = 	snop  }
__scs_overlays_trampoline_lowered:
0x8: {  	[smem:$0x3FAA] =	sst s0  }
0x9: {  	[smem:$0x3FAB] =	sst s1  }
0xa: {  	[smem:$0x3FAC] =	sst s2  }
0xb: {  	[smem:$0x3FAD] =	sst s3  }
0xc: {  	[smem:$0x3FAE] =	sst s4  }
0xd: {  	[smem:$0x3FAF] =	sst s5  }
0xe: {  	[smem:$0x3FB0] =	sst s6  }
0xf: {  	[smem:$0x3FB1] =	sst s7  }
0x10: {  	[smem:$0x3FB2] =	sst s8  }
0x11: {  	[smem:$0x3FB3] =	sst s9;
	s0 =	simm.s32 @!p0 $0x0  }
0x12: {  	s1 =	sld [smem:$0x3F99];
	s0 =	simm.s32 @p0 $0x1  }
0x13: {  	[smem:$0x3FB4] =	sst s0;
	s0 =	simm.s32 @!p1 $0x0  }
0x14: {  	s2 =	sld [smem:$0x3F98];
	s0 =	simm.s32 @p1 $0x1  }
0x15: {  	[smem:$0x3FB5] =	sst s0;
	s0 =	simm.s32 @!p2 $0x0  }
0x16: {  	s3 =	sld [smem:$0x3FDB];
	s0 =	simm.s32 @p2 $0x1  }
0x17: {  	s4 =	simm.s32 $0x1BF5;
	[smem:$0x3FB7] =	sst s0  }
0x18: {  	s0 =	sld [smem:$0x3F9A];
	_ =	swait.ge [sflag:s4], $0x0  }
0x19: {  	s7 =	sld [smem:$0x3F9B]  }
0x1a: {  	s8 =	sadd.s32 $0xFFFFE003, lr  }
0x1b: {  	s9 =	sadd.s32 $0xFFFFFEF7, lr;
	s5 =	simm.s32 $0xFFFFFFFF;
	p2 =	slt.u32 s8, $0xFFFFF086  }
0x1c: {  	p1 =	slt.u32 s9, $0xF7A;
	s5 =	simm.s32 @!p2 $0x0  }
0x1d: {  	s5 =	simm.s32 @p1 $0x1;
	p0 =	seq.s32 s7, s2  }
0x1e: {  	s7 =	smul.u32 @!p0 $0xF7A, s2;
	p2 =	seq.s32 @!p0 s5, $0x0  }
0x1f: {  	s9 =	smul.u32 $0xF7A, s1;
	s8 =	simm.s32 @!p0 $0x1BF5;
	p2 =	por !p2, p0  }
0x20: {  	[sflag:s8] =	ssyncset.s32 @!p0 $0xFFFFF086;
	s6 =	sadd.s32 @!p0 s3, s7;
	s7 =	simm.s32 @!p0 $0x108  }
0x21: {  	s3 =	sadd.s32 s3, s9;
	s6 =	sadd.s32 @!p0 $0x88, s6;
	s7 =	simm.s32 @p2 $0x1082  }
0x22: {  	[simem:s7], [sflag:s8] =	dma.local @!p0 [hbm:s6], $0xF7A  }
0x23: {  	s9 =	sor.u32 $0xD0000000, s2;
	s6 =	simm.s32 $0x108;
	_ =	swait.ge @!p0 [sflag:s8], $0x0  }
0x24: {  	s3 =	sadd.s32 $0x88, s3;
	s6 =	simm.s32 @!p1 $0x1082;
	[sflag:s4] =	ssyncset.s32 $0xFFFFF086  }
0x25: {  	[simem:s6], [sflag:s4] =	dma.local [hbm:s3], $0xF7A  }
0x26: {  	[smem:$0x3F9B] =	sst s1;
	(tag) =	ssettag s2;
	_ =	strace s9  }
0x27: {  	s1 =	sld [smem:$0x3FAB]  }
0x28: {  	s2 =	sld [smem:$0x3FAC]  }
0x29: {  	s4 =	sld [smem:$0x3FAE]  }
0x2a: {  	p0 =	seq.s32 s5, $0x0;
	s5 =	sld [smem:$0x3FAF]  }
0x2b: {  	s6 =	sld [smem:$0x3FB0]  }
0x2c: {  	s7 =	sld [smem:$0x3FB1]  }
0x2d: {  	s3 =	simm.s32 $0x108;
	s8 =	sld [smem:$0x3FB2]  }
0x2e: {  	s3 =	simm.s32 @!p0 $0x1082;
	s9 =	sld [smem:$0x3FB3]  }
0x2f: {  	lr =	sadd.s32 s0, s3;
	s0 =	sld [smem:$0x3FAA]  }
0x30: {  	s3 =	sld [smem:$0x3FAD]  }
0x31: {  	[smem:$0x3FB6] =	sst s10  }
0x32: {  	s10 =	sld [smem:$0x3FB4];
	_ =	sdelay $0x3  }
0x33: {  	p0 =	seq.s32 s10, $0x1;
	s10 =	sld [smem:$0x3FB6];
	_ =	sdelay $0x3  }
0x34: {  	[smem:$0x3FB6] =	sst s10  }
0x35: {  	s10 =	sld [smem:$0x3FB5];
	_ =	sdelay $0x3  }
0x36: {  	p1 =	seq.s32 s10, $0x1;
	s10 =	sld [smem:$0x3FB6];
	_ =	sdelay $0x3  }
0x37: {  	[smem:$0x3FB6] =	sst s10  }
0x38: {  	s10 =	sld [smem:$0x3FB7]  }
0x39: {  	_ = 	snop;
	(pc) =	sbr.ind lr, $3  }
0x3a: {  	_ = 	snop  }
0x3b: {  	_ = 	snop  }
0x3c: {  	p2 =	seq.s32 s10, $0x1;
	s10 =	sld [smem:$0x3FB6]  }
0x3d: {  	_ =	shalt  }
0x3e: {  	_ =	shalt  }
0x3f: {  	_ =	shalt  }
0x40: {  	_ =	shalt  }
0x41: {  	_ =	shalt  }
0x42: {  	_ =	shalt  }
0x43: {  	_ =	shalt  }
0x44: {  	_ =	shalt  }
0x45: {  	_ =	shalt  }
0x46: {  	_ =	shalt  }
0x47: {  	_ =	shalt  }
0x48: {  	_ =	shalt  }
0x49: {  	_ =	shalt  }
0x4a: {  	_ =	shalt  }
0x4b: {  	_ =	shalt  }
0x4c: {  	_ =	shalt  }
0x4d: {  	_ =	shalt  }
0x4e: {  	_ =	shalt  }
0x4f: {  	_ =	shalt  }
0x50: {  	_ =	shalt  }
0x51: {  	_ =	shalt  }
0x52: {  	_ =	shalt  }
0x53: {  	_ =	shalt  }
0x54: {  	_ =	shalt  }
0x55: {  	_ =	shalt  }
0x56: {  	_ =	shalt  }
0x57: {  	_ =	shalt  }
0x58: {  	_ =	shalt  }
0x59: {  	_ =	shalt  }
0x5a: {  	_ =	shalt  }
0x5b: {  	_ =	shalt  }
0x5c: {  	_ =	shalt  }
0x5d: {  	_ =	shalt  }
0x5e: {  	_ =	shalt  }
0x5f: {  	_ =	shalt  }
0x60: {  	_ =	shalt  }
0x61: {  	_ =	shalt  }
0x62: {  	_ =	shalt  }
0x63: {  	_ =	shalt  }
0x64: {  	_ =	shalt  }
0x65: {  	_ =	shalt  }
0x66: {  	_ =	shalt  }
0x67: {  	_ =	shalt  }
0x68: {  	_ =	shalt  }
0x69: {  	_ =	shalt  }
0x6a: {  	_ =	shalt  }
0x6b: {  	_ =	shalt  }
0x6c: {  	_ =	shalt  }
0x6d: {  	_ =	shalt  }
0x6e: {  	_ =	shalt  }
0x6f: {  	_ =	shalt  }
0x70: {  	_ =	shalt  }
0x71: {  	_ =	shalt  }
0x72: {  	_ =	shalt  }
0x73: {  	_ =	shalt  }
0x74: {  	_ =	shalt  }
0x75: {  	_ =	shalt  }
0x76: {  	_ =	shalt  }
0x77: {  	_ =	shalt  }
0x78: {  	_ =	shalt  }
0x79: {  	_ =	shalt  }
0x7a: {  	_ =	shalt  }
0x7b: {  	_ =	shalt  }
0x7c: {  	_ =	shalt  }
0x7d: {  	_ =	shalt  }
0x7e: {  	_ =	shalt  }
0x7f: {  	_ =	shalt  }
0x80: {  	_ =	shalt  }
0x81: {  	_ =	shalt  }
0x82: {  	_ =	shalt  }
0x83: {  	_ =	shalt  }
0x84: {  	_ =	shalt  }
0x85: {  	_ =	shalt  }
0x86: {  	_ =	shalt  }
0x87: {  	_ =	shalt  }
.Lfunc_end0:
.L_simem_size_0:
called_computation.2_lowered:
.L_overlay_start_0:
0x88: {  	s2 =	sld [smem:$0x3FD9]  }
0x89: {  	s3 =	sld [smem:$0x3FFE];
	_ =	sdelay $0x1  }
0x8a: {  	s1 =	srdreg.scid  }
0x8b: {  	s0 =	sand.u32 $0x1, s1  }
0x8c: {  	s17 =	sshll.u32 s0, $0xA;
	s2 =	sadd.s32 s3, s2  }
0x8d: {  	s2 =	sadd.s32 s2, s17  }
0x8e: {  	[smem:$0x3FC2] =	sst s2  }
0x8f: {  	_ = 	snop  }
0x90: {  	s2 =	sld [smem:$0x3FD0];
	(tm) =	ssettm $0x1  }
0x91: {  	s18 =	sld [smem:$0x3FFB];
	_ =	sdelay $0x3  }
0x92: {  	_ =	strace s18  }
0x93: {  	s3 =	sld [smem:$0x3FFC];
	_ =	sdelay $0x3  }
0x94: {  	_ =	strace s3  }
0x95: {  	s3 =	sld [smem:$0x3FFD];
	_ =	sdelay $0x3  }
0x96: {  	_ =	strace s3  }
0x97: {  	_ =	strace $0x8FFFFFFF  }
0x98: {  	s19 =	sld [smem:$0x3FDB];
	_ =	sdelay $0x1  }
0x99: {  	s4 =	simm.s32 $_scs_section_size  }
0x9a: {  	s5 =	simm.s32 $_size__tile_overlayer_lowered;
	s6 =	simm.s32 $_tile_overlayer_lowered  }
0x9b: {  	s22 =	simm.s32 $0x1BFF;
	s21 =	sshll.u32 s6, $0x1;
	s3 =	sadd.s32 s4, s19  }
0x9c: {  	s7 =	simm.s32 $0x0;
	s20 =	sshll.u32 s5, $0x1;
	s5 =	sadd.s32 s21, s3  }
0x9d: {  	[timem:s7], [sflag:s22] =	dma.local [hbm:s5], s20  }
0x9e: {  	_ =	swait.ge [sflag:s22], s20  }
0x9f: {  	s4 =	ssub.s32 $0x0, s20;
	[sflag:s22] =	ssyncset.done $0x0  }
0xa0: {  	[sflag:s22] =	ssyncadd.s32 s4;
	_ =	sdelay $0x1  }
0xa1: {  	s23 =	simm.s32 $0x1B8B  }
0xa2: {  	_ =	swait.ge [sflag:s23], $0x1  }
0xa3: {  	[sflag:s23] =	ssyncset.done $0x0  }
0xa4: {  	s25 =	simm.s32 $0x1B8E;
	s24 =	sld [smem:$0x3FFE];
	[sflag:s23] =	ssyncadd.s32 $0xFFFFFFFF  }
0xa5: {  	s26 =	simm.s32 $execute0_lowered;
	[smem:$0x3FD2] =	sst s25  }
0xa6: {  	s5 =	sshll.u32 s26, $0x1;
	_ =	strace $0x8000004C;
	[dreg:$0x1] =	wrdreg $0xFFFFFFFF  }
0xa7: {  	s28 =	simm.s32 $_size_execute0_lowered;
	s3 =	sadd.s32 s3, s5;
	[dreg:$0x0] =	wrdreg $0x0  }
0xa8: {  	s5 =	sshll.u32 s28, $0x1;
	[dreg:$0x2] =	wrdreg s3  }
0xa9: {  	[dreg:$0x3] =	wrdreg s5  }
0xaa: {  	[dreg:$0x4] =	wrdreg $0xC0  }
0xab: {  	_ =	task [dreg:s7], $0x5FFFF  }
0xac: {  	[dreg:$0x1] =	wrdreg $0xFFFFFFFF  }
0xad: {  	[dreg:$0x0] =	wrdreg $0x60  }
0xae: {  	[dreg:$0x2] =	wrdreg s24  }
0xaf: {  	[dreg:$0x3] =	wrdreg s2  }
0xb0: {  	[dreg:$0x4] =	wrdreg $0x47400  }
0xb1: {  	[dreg:$0x5] =	wrdreg $0x9  }
0xb2: {  	_ =	task.clear_ibuf [dreg:s7], $0x6FFFF;
	_ =	strace $0x9000004C  }
0xb3: {  	s29 =	simm.s32 $0x9;
	_ =	strace $0x8000004E  }
0xb4: {  	_ =	swait.ge [sflag:s29], $0x1  }
0xb5: {  	[sflag:s29] =	ssyncadd.s32 $0xFFFFFFFF  }
0xb6: {  	_ =	strace $0x9000004E  }
0xb7: {  	_ =	sfence  }
0xb8: {  	s30 =	sld [smem:$0x0];
	_ =	sdelay $0x2  }
0xb9: {  	s31 =	sshll.u32 s1, $0xD;
	s1 =	sshrl.u32 s1, $0x2  }
0xba: {  	s3 =	sand.u32 $0x4000, s31;
	s1 =	sadd.s32 s1, s30  }
0xbb: {  	s0 =	sor.u32 s3, s0;
	s1 =	sshll.u32 s1, $0x11  }
0xbc: {  	s0 =	sor.u32 s1, s0  }
0xbd: {  	s0 =	sadd.s32 $0x8F2B, s0  }
0xbe: {  	[sflag:s0] =	ssyncadd.remote.s32 $0x1  }
0xbf: {  	_ =	sfence.sel $0xFFFF  }
0xc0: {  	[dreg:$0x0] =	wrdreg $0xFFFFFFFF;
	(pc) =	sbr.abs _section_cstart, $3  }
0xc1: {  	[dreg:$0x1] =	wrdreg $0xFFFFFFFF  }
0xc2: {  	_ =	task.clear_ibuf [dreg:s7], $0x2FFFF;
	_ =	strace $0x9FFFFFFF  }
0xc3: {  	(tm) =	ssettm $0x7FFFFFFF  }
tec
execute0_lowered:
.L_overlay_start_1:
0x0: {  	(tag) =	ssettag $0x1  }
0x1: {  	s0 =	rddreg [dreg:$0x0]  }
0x2: {  	s3 =	rddreg [dreg:$0x2]  }
0x3: {  	s1 =	srdreg.scid;
	s8 =	stileid.u32  }
0x4: {  	s4 =	simm.s32 $0x0;
	s12 =	simm.s32 $0x9;
	s14 =	simm.s32 $0x7D  }
0x5: {  	s15 =	simm.s32 $0x2800;
	s17 =	simm.s32 $0x2FD0;
	s19 =	simm.s32 $0x37A0  }
0x6: {  	s21 =	simm.s32 $0x3F70;
	s22 =	simm.s32 $0x1;
	s28 =	simm.s32 $0x6  }
0x7: {  	s29 =	simm.s32 $0x7;
	s30 =	simm.s32 $0x8;
	s31 =	simm.s32 $0x2600  }
0x8: {  	s13 =	simm.s32 $0x0;
	s1 =	sand.u32 $0x1, s1;
	s6 =	smul.u32 $0x500, s8  }
0x9: {  	[smem:$0x7FF] =	sst s4;
	s5 =	sadd.s32 $0x7800, s0;
	s23 =	smul.u32 $0xA000, s8  }
0xa: {  	s26 =	sshll.u32 s8, $0x6;
	s2 =	sshll.u32 s1, $0x4;
	s7 =	smul.u32 $0x5000, s1  }
0xb: {  	_ =	strace $0x8000004D;
	s1 =	ssub.s32 $0x2, s1;
	s2 =	sor.u32 s8, s2  }
0xc: {  	s24 =	sshrl.u32 s1, $0x1;
	s25 =	sshrl.u32 s23, $0x2;
	s23 =	simm.s32 $0x2  }
0xd: {  	s2 =	smul.u32 $0x280, s2;
	s6 =	sadd.s32 s6, s7;
	s1 =	ssub.s32 s1, s24  }
0xe: {  	s11 =	sadd.s32 s25, s3;
	s24 =	simm.s32 $0x3;
	s25 =	simm.s32 $0x4  }
0xf: {  	s10 =	smax.u32 s1, $0x1;
	s11 =	sshrl.u32 s11, $0x3;
	s1 =	simm.s32 $0x2700  }
0x10: {  	s2 =	sadd.s32 s2, s0;
	s0 =	sadd.s32 s6, s0;
	s6 =	sor.u32 $0x1C09, s26  }
0x11: {  	s26 =	simm.s32 $0x5;
	s7 =	sadd.s32 $0x11A00, s2;
	s8 =	sadd.s32 $0x2800, s2  }
0x12: {  	s9 =	sadd.s32 $0x69200, s0;
	s0 =	simm.s32 $0x2680;
	s2 =	simm.s32 $0x2780  }
.LBB2_1:
0x13: {  	s16 =	rddreg [dreg:$0x1]  }
0x14: {  	[spmem:s11], [sflag:s6] =	dma.local [hbm:s16], $0x500  }
0x15: {  	_ =	swait.ge [sflag:s12], $0x500  }
0x16: {  	[sflag:s12] =	ssyncset.done $0x0  }
0x17: {  	[sflag:s12] =	ssyncadd.s32 $0xFFFFFB00  }
0x18: {  	[tilespmem:s4], [sflag:$0x9] =	stream.linear.gather [hbm4b:s7+s4], $0x1400, $0x38;
	[tilespmem:$0x6F40] =	vst v63  }
0x19: {  	_ =	swait.ge [sflag:s12], $0x1400  }
0x1a: {  	[sflag:s12] =	ssyncset.done $0x0  }
0x1b: {  	s20 =	simm.s32 $0x1400;
	[sflag:s12] =	ssyncadd.s32 $0xFFFFEC00  }
0x1c: {  	[tilespmem:s20], [sflag:$0x9] =	stream.linear.gather [hbm4b:s8+s4], $0x1400, $0x38;
	[tilespmem:$0x6F40] =	vst v63  }
0x1d: {  	_ =	swait.ge [sflag:s12], $0x1400  }
0x1e: {  	[sflag:s12] =	ssyncset.done $0x0  }
0x1f: {  	[sflag:s12] =	ssyncadd.s32 $0xFFFFEC00  }
0x20: {  	[bflag:$0x0] =	sbarrier.arrive $0xFFFF  }
0x21: {  	[tilespmem:s15], [sflag:$0x1] =	stream.indirect.gather [hbm4b:s5+s14], $0x10, s4, s14, $0xb8;
	[tilespmem:$0x6F40] =	vst v63  }
0x22: {  	s18 =	simm.s32 $0x80  }
0x23: {  	[tilespmem:s17], [sflag:$0x2] =	stream.indirect.gather [hbm4b:s5+s14], $0x10, s18, s14, $0xb8;
	[tilespmem:$0x6F40] =	vst v63  }
0x24: {  	s20 =	simm.s32 $0x100  }
0x25: {  	[tilespmem:s19], [sflag:$0x3] =	stream.indirect.gather [hbm4b:s5+s14], $0x10, s20, s14, $0xb8;
	[tilespmem:$0x6F40] =	vst v63  }
0x26: {  	s18 =	simm.s32 $0x180  }
0x27: {  	[tilespmem:s21], [sflag:$0x4] =	stream.indirect.gather [hbm4b:s5+s14], $0x10, s18, s14, $0xb8;
	[tilespmem:$0x6F40] =	vst v63  }
0x28: {  	_ =	swait.ge [sflag:s22], $0x7D0  }
0x29: {  	[sflag:s22] =	ssyncset.done $0x0  }
0x2a: {  	s20 =	simm.s32 $0x1400;
	[sflag:s22] =	ssyncadd.s32 $0xFFFFF830  }
0x2b: {  	[spmem:s3] =	stream.indirect.scatter.add.f32 [tilespmem:s15], [sflag:$0x5], $0x10, s20, s14, $0xb8;
	[tilespmem:$0x6F40] =	vst v63  }
0x2c: {  	_ =	swait.ge [sflag:s23], $0x7D0  }
0x2d: {  	[sflag:s23] =	ssyncset.done $0x0  }
0x2e: {  	s18 =	simm.s32 $0x1480;
	[sflag:s23] =	ssyncadd.s32 $0xFFFFF830  }
0x2f: {  	[spmem:s3] =	stream.indirect.scatter.add.f32 [tilespmem:s17], [sflag:$0x6], $0x10, s18, s14, $0xb8;
	[tilespmem:$0x6F40] =	vst v63  }
0x30: {  	_ =	swait.ge [sflag:s24], $0x7D0  }
0x31: {  	[sflag:s24] =	ssyncset.done $0x0  }
0x32: {  	s20 =	simm.s32 $0x1500;
	[sflag:s24] =	ssyncadd.s32 $0xFFFFF830  }
0x33: {  	[spmem:s3] =	stream.indirect.scatter.add.f32 [tilespmem:s19], [sflag:$0x7], $0x10, s20, s14, $0xb8;
	[tilespmem:$0x6F40] =	vst v63  }
0x34: {  	_ =	swait.ge [sflag:s25], $0x7D0  }
0x35: {  	[sflag:s25] =	ssyncset.done $0x0  }
0x36: {  	s18 =	simm.s32 $0x1580;
	[sflag:s25] =	ssyncadd.s32 $0xFFFFF830  }
0x37: {  	[spmem:s3] =	stream.indirect.scatter.add.f32 [tilespmem:s21], [sflag:$0x8], $0x10, s18, s14, $0xb8;
	[tilespmem:$0x6F40] =	vst v63  }
0x38: {  	_ =	swait.ge [sflag:s26], $0x7D0  }
0x39: {  	[sflag:s26] =	ssyncset.done $0x0  }
0x3a: {  	s20 =	simm.s32 $0x200;
	[sflag:s26] =	ssyncadd.s32 $0xFFFFF830  }
0x3b: {  	[tilespmem:s15], [sflag:$0x1] =	stream.indirect.gather [hbm4b:s5+s14], $0x10, s20, s14, $0xb8;
	[tilespmem:$0x6F40] =	vst v63  }
0x3c: {  	_ =	swait.ge [sflag:s28], $0x7D0  }
0x3d: {  	[sflag:s28] =	ssyncset.done $0x0  }
0x3e: {  	s18 =	simm.s32 $0x280;
	[sflag:s28] =	ssyncadd.s32 $0xFFFFF830  }
0x3f: {  	[tilespmem:s17], [sflag:$0x2] =	stream.indirect.gather [hbm4b:s5+s14], $0x10, s18, s14, $0xb8;
	[tilespmem:$0x6F40] =	vst v63  }
0x40: {  	_ =	swait.ge [sflag:s29], $0x7D0  }
0x41: {  	[sflag:s29] =	ssyncset.done $0x0  }
0x42: {  	s20 =	simm.s32 $0x300;
	[sflag:s29] =	ssyncadd.s32 $0xFFFFF830  }
0x43: {  	[tilespmem:s19], [sflag:$0x3] =	stream.indirect.gather [hbm4b:s5+s14], $0x10, s20, s14, $0xb8;
	[tilespmem:$0x6F40] =	vst v63  }
0x44: {  	_ =	swait.ge [sflag:s30], $0x7D0  }
0x45: {  	[sflag:s30] =	ssyncset.done $0x0  }
0x46: {  	s16 =	simm.s32 $0x800;
	s18 =	simm.s32 $0x380;
	[sflag:s30] =	ssyncadd.s32 $0xFFFFF830  }
.LBB2_2:
0x47: {  	[tilespmem:s21], [sflag:$0x4] =	stream.indirect.gather [hbm4b:s5+s14], $0x10, s18, s14, $0xb8;
	[tilespmem:$0x6F40] =	vst v63  }
0x48: {  	s18 =	smov.u32 s16  }
0x49: {  	p0 =	sne.s32 s16, $0x4000;
	s16 =	sadd.s32 $0x800, s16;
	_ =	swait.ge [sflag:s22], $0x7D0  }
0x4a: {  	s18 =	sshra.s32 s18, $0x2;
	[sflag:s22] =	ssyncset.done $0x0  }
0x4b: {  	s20 =	sadd.s32 $0x1400, s18;
	[sflag:s22] =	ssyncadd.s32 $0xFFFFF830  }
0x4c: {  	[spmem:s3] =	stream.indirect.scatter.add.f32 [tilespmem:s15], [sflag:$0x5], $0x10, s20, s14, $0xb8;
	[tilespmem:$0x6F40] =	vst v63  }
0x4d: {  	_ =	swait.ge [sflag:s23], $0x7D0  }
0x4e: {  	[sflag:s23] =	ssyncset.done $0x0  }
0x4f: {  	s20 =	sadd.s32 $0x1480, s18;
	[sflag:s23] =	ssyncadd.s32 $0xFFFFF830  }
0x50: {  	[spmem:s3] =	stream.indirect.scatter.add.f32 [tilespmem:s17], [sflag:$0x6], $0x10, s20, s14, $0xb8;
	[tilespmem:$0x6F40] =	vst v63  }
0x51: {  	_ =	swait.ge [sflag:s24], $0x7D0  }
0x52: {  	[sflag:s24] =	ssyncset.done $0x0  }
0x53: {  	s20 =	sadd.s32 $0x1500, s18;
	[sflag:s24] =	ssyncadd.s32 $0xFFFFF830  }
0x54: {  	[spmem:s3] =	stream.indirect.scatter.add.f32 [tilespmem:s19], [sflag:$0x7], $0x10, s20, s14, $0xb8;
	[tilespmem:$0x6F40] =	vst v63  }
0x55: {  	_ =	swait.ge [sflag:s25], $0x7D0  }
0x56: {  	[sflag:s25] =	ssyncset.done $0x0  }
0x57: {  	s20 =	sadd.s32 $0x1580, s18;
	[sflag:s25] =	ssyncadd.s32 $0xFFFFF830  }
0x58: {  	[spmem:s3] =	stream.indirect.scatter.add.f32 [tilespmem:s21], [sflag:$0x8], $0x10, s20, s14, $0xb8;
	[tilespmem:$0x6F40] =	vst v63  }
0x59: {  	_ =	swait.ge [sflag:s26], $0x7D0  }
0x5a: {  	[sflag:s26] =	ssyncset.done $0x0  }
0x5b: {  	s20 =	sadd.s32 $0x200, s18;
	[sflag:s26] =	ssyncadd.s32 $0xFFFFF830  }
0x5c: {  	[tilespmem:s15], [sflag:$0x1] =	stream.indirect.gather [hbm4b:s5+s14], $0x10, s20, s14, $0xb8;
	[tilespmem:$0x6F40] =	vst v63  }
0x5d: {  	_ =	swait.ge [sflag:s28], $0x7D0  }
0x5e: {  	[sflag:s28] =	ssyncset.done $0x0  }
0x5f: {  	s20 =	sadd.s32 $0x280, s18;
	[sflag:s28] =	ssyncadd.s32 $0xFFFFF830  }
0x60: {  	[tilespmem:s17], [sflag:$0x2] =	stream.indirect.gather [hbm4b:s5+s14], $0x10, s20, s14, $0xb8;
	[tilespmem:$0x6F40] =	vst v63  }
0x61: {  	_ =	swait.ge [sflag:s29], $0x7D0  }
0x62: {  	[sflag:s29] =	ssyncset.done $0x0  }
.Ltmp0:
0x63: {  	s20 =	sadd.s32 $0x300, s18;
	[sflag:s29] =	ssyncadd.s32 $0xFFFFF830;
	(pc) =	sbr.rel @p0 .LBB2_2-.Ltmp0, $4  }
0x64: {  	[tilespmem:s19], [sflag:$0x3] =	stream.indirect.gather [hbm4b:s5+s14], $0x10, s20, s14, $0xb8;
	[tilespmem:$0x6F40] =	vst v63  }
0x65: {  	_ =	swait.ge [sflag:s30], $0x7D0  }
0x66: {  	[sflag:s30] =	ssyncset.done $0x0  }
0x67: {  	s18 =	sadd.s32 $0x380, s18;
	[sflag:s30] =	ssyncadd.s32 $0xFFFFF830  }
0x68: {  	[tilespmem:s21], [sflag:$0x4] =	stream.indirect.gather [hbm4b:s5+s14], $0x10, s18, s14, $0xb8;
	[tilespmem:$0x6F40] =	vst v63  }
0x69: {  	_ =	swait.ge [sflag:s22], $0x7D0  }
0x6a: {  	[sflag:s22] =	ssyncset.done $0x0  }
0x6b: {  	[sflag:s22] =	ssyncadd.s32 $0xFFFFF830  }
0x6c: {  	[spmem:s3] =	stream.indirect.scatter.add.f32 [tilespmem:s15], [sflag:$0x5], $0x10, s31, s14, $0xb8;
	[tilespmem:$0x6F40] =	vst v63  }
0x6d: {  	_ =	swait.ge [sflag:s23], $0x7D0  }
0x6e: {  	[sflag:s23] =	ssyncset.done $0x0  }
0x6f: {  	[sflag:s23] =	ssyncadd.s32 $0xFFFFF830  }
0x70: {  	[spmem:s3] =	stream.indirect.scatter.add.f32 [tilespmem:s17], [sflag:$0x6], $0x10, s0, s14, $0xb8;
	[tilespmem:$0x6F40] =	vst v63  }
0x71: {  	_ =	swait.ge [sflag:s24], $0x7D0  }
0x72: {  	[sflag:s24] =	ssyncset.done $0x0  }
0x73: {  	[sflag:s24] =	ssyncadd.s32 $0xFFFFF830  }
0x74: {  	[spmem:s3] =	stream.indirect.scatter.add.f32 [tilespmem:s19], [sflag:$0x7], $0x10, s1, s14, $0xb8;
	[tilespmem:$0x6F40] =	vst v63  }
0x75: {  	_ =	swait.ge [sflag:s25], $0x7D0  }
0x76: {  	[sflag:s25] =	ssyncset.done $0x0  }
0x77: {  	[sflag:s25] =	ssyncadd.s32 $0xFFFFF830  }
0x78: {  	[spmem:s3] =	stream.indirect.scatter.add.f32 [tilespmem:s21], [sflag:$0x8], $0x10, s2, s14, $0xb8;
	[tilespmem:$0x6F40] =	vst v63  }
0x79: {  	_ =	swait.ge [sflag:s26], $0x7D0  }
0x7a: {  	[sflag:s26] =	ssyncset.done $0x0  }
0x7b: {  	[sflag:s26] =	ssyncadd.s32 $0xFFFFF830  }
0x7c: {  	_ =	swait.ge [sflag:s28], $0x7D0  }
0x7d: {  	[sflag:s28] =	ssyncset.done $0x0  }
0x7e: {  	[sflag:s28] =	ssyncadd.s32 $0xFFFFF830  }
0x7f: {  	_ =	swait.ge [sflag:s29], $0x7D0  }
0x80: {  	[sflag:s29] =	ssyncset.done $0x0  }
0x81: {  	[sflag:s29] =	ssyncadd.s32 $0xFFFFF830  }
0x82: {  	_ =	swait.ge [sflag:s30], $0x7D0  }
0x83: {  	s13 =	sadd.s32 $0x1, s13;
	[sflag:s30] =	ssyncset.done $0x0  }
0x84: {  	p0 =	sne.s32 s13, s10;
	[sflag:s30] =	ssyncadd.s32 $0xFFFFF830  }
.Ltmp1:
0x85: {  	[bflag:$0x0] =	sbarrier.arrive $0xFFFF;
	(pc) =	sbr.rel @p0 .LBB2_1-.Ltmp1, $4  }
0x86: {  	[hbm:s9], [sflag:s6] =	dma.local [spmem:s11], $0x500  }
0x87: {  	_ =	swait.ge [sflag:s12], $0x500  }
0x88: {  	[sflag:s12] =	ssyncset.done $0x0  }
0x89: {  	[sflag:s12] =	ssyncadd.s32 $0xFFFFFB00  }
0x8a: {  	_ =	sfence.sel $0x180000  }
0x8b: {  	[bflag:$0x0] =	sbarrier.arrive $0xFFFF  }
0x8c: {  	_ =	strace $0x9000004D  }
0x8d: {  	s0 =	stileid.u32;
	[bflag:$0x2] =	sbarrier.arrive $0xFFFF  }
0x8e: {  	p0 =	sne.s32 s0, $0x0;
	s0 =	rddreg [dreg:$0x3]  }
0x8f: {  	s0 =	sadd.s32 @!p0 $0x100000, s0  }
0x90: {  	[sflag:s0] =	ssyncadd.tile.s32 @!p0 $0x1;
	_ =	shalt  }
.Lfunc_end2:
_tile_overlayer_lowered:
.L_overlay_start_2:
0x91: {  	(tag) =	ssettag $0x2  }
0x92: {  	s0 =	rddreg [dreg:$0x0];
	s2 =	stileid.u32  }
0x93: {  	s1 =	rddreg [dreg:$0x1];
	p0 =	sne.s32 s2, $0x0  }
0x94: {  	s3 =	rddreg [dreg:$0x2];
	[bflag:$0x3] =	sbarrier.arrive $0xFFFF;
	s2 =	simm.s32 @!p0 $0x1C09  }
0x95: {  	[timem:s3], [sflag:s2] =	dma.local @!p0 [hbm:s0], s1  }
0x96: {  	s0 =	simm.s32 @!p0 $0x9  }
0x97: {  	_ =	swait.ge @!p0 [sflag:s0], s1  }
0x98: {  	s1 =	ssub.s32 @!p0 $0x0, s1;
	[sflag:s0] =	ssyncset.done @!p0 $0x0  }
0x99: {  	[sflag:s0] =	ssyncadd.s32 @!p0 s1  }
0x9a: {  	[bflag:$0x3] =	sbarrier.arrive $0xFFFF  }
0x9b: {  	_ =	shalt  }

// kernel: kernel.8.cloned.1.call-start
scs
__scs_entry_jumppad:
0x0: {  	(pc) =	sbr.rel $0x88, $3  }
0x1: {  	(tag) =	ssettag $0x0;
	lr =	simm.s32 $0x1  }
0x2: {  	[smem:$0x3F9B] =	sst lr;
	_ =	strace $0xD0000000  }
0x3: {  	_ = 	snop  }
0x4: {  	_ = 	snop  }
0x5: {  	_ = 	snop  }
0x6: {  	_ = 	snop  }
0x7: {  	_ = 	snop  }
__scs_overlays_trampoline_lowered:
0x8: {  	[smem:$0x3FAA] =	sst s0  }
0x9: {  	[smem:$0x3FAB] =	sst s1  }
0xa: {  	[smem:$0x3FAC] =	sst s2  }
0xb: {  	[smem:$0x3FAD] =	sst s3  }
0xc: {  	[smem:$0x3FAE] =	sst s4  }
0xd: {  	[smem:$0x3FAF] =	sst s5  }
0xe: {  	[smem:$0x3FB0] =	sst s6  }
0xf: {  	[smem:$0x3FB1] =	sst s7  }
0x10: {  	[smem:$0x3FB2] =	sst s8  }
0x11: {  	[smem:$0x3FB3] =	sst s9;
	s0 =	simm.s32 @!p0 $0x0  }
0x12: {  	s1 =	sld [smem:$0x3F99];
	s0 =	simm.s32 @p0 $0x1  }
0x13: {  	[smem:$0x3FB4] =	sst s0;
	s0 =	simm.s32 @!p1 $0x0  }
0x14: {  	s2 =	sld [smem:$0x3F98];
	s0 =	simm.s32 @p1 $0x1  }
0x15: {  	[smem:$0x3FB5] =	sst s0;
	s0 =	simm.s32 @!p2 $0x0  }
0x16: {  	s3 =	sld [smem:$0x3FDB];
	s0 =	simm.s32 @p2 $0x1  }
0x17: {  	s4 =	simm.s32 $0x1BF5;
	[smem:$0x3FB7] =	sst s0  }
0x18: {  	s0 =	sld [smem:$0x3F9A];
	_ =	swait.ge [sflag:s4], $0x0  }
0x19: {  	s7 =	sld [smem:$0x3F9B]  }
0x1a: {  	s8 =	sadd.s32 $0xFFFFE003, lr  }
0x1b: {  	s9 =	sadd.s32 $0xFFFFFEF7, lr;
	s5 =	simm.s32 $0xFFFFFFFF;
	p2 =	slt.u32 s8, $0xFFFFF086  }
0x1c: {  	p1 =	slt.u32 s9, $0xF7A;
	s5 =	simm.s32 @!p2 $0x0  }
0x1d: {  	s5 =	simm.s32 @p1 $0x1;
	p0 =	seq.s32 s7, s2  }
0x1e: {  	s7 =	smul.u32 @!p0 $0xF7A, s2;
	p2 =	seq.s32 @!p0 s5, $0x0  }
0x1f: {  	s9 =	smul.u32 $0xF7A, s1;
	s8 =	simm.s32 @!p0 $0x1BF5;
	p2 =	por !p2, p0  }
0x20: {  	[sflag:s8] =	ssyncset.s32 @!p0 $0xFFFFF086;
	s6 =	sadd.s32 @!p0 s3, s7;
	s7 =	simm.s32 @!p0 $0x108  }
0x21: {  	s3 =	sadd.s32 s3, s9;
	s6 =	sadd.s32 @!p0 $0x88, s6;
	s7 =	simm.s32 @p2 $0x1082  }
0x22: {  	[simem:s7], [sflag:s8] =	dma.local @!p0 [hbm:s6], $0xF7A  }
0x23: {  	s9 =	sor.u32 $0xD0000000, s2;
	s6 =	simm.s32 $0x108;
	_ =	swait.ge @!p0 [sflag:s8], $0x0  }
0x24: {  	s3 =	sadd.s32 $0x88, s3;
	s6 =	simm.s32 @!p1 $0x1082;
	[sflag:s4] =	ssyncset.s32 $0xFFFFF086  }
0x25: {  	[simem:s6], [sflag:s4] =	dma.local [hbm:s3], $0xF7A  }
0x26: {  	[smem:$0x3F9B] =	sst s1;
	(tag) =	ssettag s2;
	_ =	strace s9  }
0x27: {  	s1 =	sld [smem:$0x3FAB]  }
0x28: {  	s2 =	sld [smem:$0x3FAC]  }
0x29: {  	s4 =	sld [smem:$0x3FAE]  }
0x2a: {  	p0 =	seq.s32 s5, $0x0;
	s5 =	sld [smem:$0x3FAF]  }
0x2b: {  	s6 =	sld [smem:$0x3FB0]  }
0x2c: {  	s7 =	sld [smem:$0x3FB1]  }
0x2d: {  	s3 =	simm.s32 $0x108;
	s8 =	sld [smem:$0x3FB2]  }
0x2e: {  	s3 =	simm.s32 @!p0 $0x1082;
	s9 =	sld [smem:$0x3FB3]  }
0x2f: {  	lr =	sadd.s32 s0, s3;
	s0 =	sld [smem:$0x3FAA]  }
0x30: {  	s3 =	sld [smem:$0x3FAD]  }
0x31: {  	[smem:$0x3FB6] =	sst s10  }
0x32: {  	s10 =	sld [smem:$0x3FB4];
	_ =	sdelay $0x3  }
0x33: {  	p0 =	seq.s32 s10, $0x1;
	s10 =	sld [smem:$0x3FB6];
	_ =	sdelay $0x3  }
0x34: {  	[smem:$0x3FB6] =	sst s10  }
0x35: {  	s10 =	sld [smem:$0x3FB5];
	_ =	sdelay $0x3  }
0x36: {  	p1 =	seq.s32 s10, $0x1;
	s10 =	sld [smem:$0x3FB6];
	_ =	sdelay $0x3  }
0x37: {  	[smem:$0x3FB6] =	sst s10  }
0x38: {  	s10 =	sld [smem:$0x3FB7]  }
0x39: {  	_ = 	snop;
	(pc) =	sbr.ind lr, $3  }
0x3a: {  	_ = 	snop  }
0x3b: {  	_ = 	snop  }
0x3c: {  	p2 =	seq.s32 s10, $0x1;
	s10 =	sld [smem:$0x3FB6]  }
0x3d: {  	_ =	shalt  }
0x3e: {  	_ =	shalt  }
0x3f: {  	_ =	shalt  }
0x40: {  	_ =	shalt  }
0x41: {  	_ =	shalt  }
0x42: {  	_ =	shalt  }
0x43: {  	_ =	shalt  }
0x44: {  	_ =	shalt  }
0x45: {  	_ =	shalt  }
0x46: {  	_ =	shalt  }
0x47: {  	_ =	shalt  }
0x48: {  	_ =	shalt  }
0x49: {  	_ =	shalt  }
0x4a: {  	_ =	shalt  }
0x4b: {  	_ =	shalt  }
0x4c: {  	_ =	shalt  }
0x4d: {  	_ =	shalt  }
0x4e: {  	_ =	shalt  }
0x4f: {  	_ =	shalt  }
0x50: {  	_ =	shalt  }
0x51: {  	_ =	shalt  }
0x52: {  	_ =	shalt  }
0x53: {  	_ =	shalt  }
0x54: {  	_ =	shalt  }
0x55: {  	_ =	shalt  }
0x56: {  	_ =	shalt  }
0x57: {  	_ =	shalt  }
0x58: {  	_ =	shalt  }
0x59: {  	_ =	shalt  }
0x5a: {  	_ =	shalt  }
0x5b: {  	_ =	shalt  }
0x5c: {  	_ =	shalt  }
0x5d: {  	_ =	shalt  }
0x5e: {  	_ =	shalt  }
0x5f: {  	_ =	shalt  }
0x60: {  	_ =	shalt  }
0x61: {  	_ =	shalt  }
0x62: {  	_ =	shalt  }
0x63: {  	_ =	shalt  }
0x64: {  	_ =	shalt  }
0x65: {  	_ =	shalt  }
0x66: {  	_ =	shalt  }
0x67: {  	_ =	shalt  }
0x68: {  	_ =	shalt  }
0x69: {  	_ =	shalt  }
0x6a: {  	_ =	shalt  }
0x6b: {  	_ =	shalt  }
0x6c: {  	_ =	shalt  }
0x6d: {  	_ =	shalt  }
0x6e: {  	_ =	shalt  }
0x6f: {  	_ =	shalt  }
0x70: {  	_ =	shalt  }
0x71: {  	_ =	shalt  }
0x72: {  	_ =	shalt  }
0x73: {  	_ =	shalt  }
0x74: {  	_ =	shalt  }
0x75: {  	_ =	shalt  }
0x76: {  	_ =	shalt  }
0x77: {  	_ =	shalt  }
0x78: {  	_ =	shalt  }
0x79: {  	_ =	shalt  }
0x7a: {  	_ =	shalt  }
0x7b: {  	_ =	shalt  }
0x7c: {  	_ =	shalt  }
0x7d: {  	_ =	shalt  }
0x7e: {  	_ =	shalt  }
0x7f: {  	_ =	shalt  }
0x80: {  	_ =	shalt  }
0x81: {  	_ =	shalt  }
0x82: {  	_ =	shalt  }
0x83: {  	_ =	shalt  }
0x84: {  	_ =	shalt  }
0x85: {  	_ =	shalt  }
0x86: {  	_ =	shalt  }
0x87: {  	_ =	shalt  }
.Lfunc_end0:
.L_simem_size_0:
called_computation_lowered:
.L_overlay_start_0:
0x88: {  	s2 =	sld [smem:$0x3FD9]  }
0x89: {  	s3 =	sld [smem:$0x3FFE];
	_ =	sdelay $0x1  }
0x8a: {  	s1 =	srdreg.scid  }
0x8b: {  	s0 =	sand.u32 $0x1, s1  }
0x8c: {  	s17 =	sshll.u32 s0, $0xA;
	s2 =	sadd.s32 s3, s2  }
0x8d: {  	s2 =	sadd.s32 s2, s17  }
0x8e: {  	[smem:$0x3FC2] =	sst s2  }
0x8f: {  	_ = 	snop  }
0x90: {  	s2 =	sld [smem:$0x3FD0];
	(tm) =	ssettm $0x1  }
0x91: {  	s18 =	sld [smem:$0x3FFB];
	_ =	sdelay $0x3  }
0x92: {  	_ =	strace s18  }
0x93: {  	s3 =	sld [smem:$0x3FFC];
	_ =	sdelay $0x3  }
0x94: {  	_ =	strace s3  }
0x95: {  	s3 =	sld [smem:$0x3FFD];
	_ =	sdelay $0x3  }
0x96: {  	_ =	strace s3  }
0x97: {  	_ =	strace $0x8FFFFFFF  }
0x98: {  	s19 =	sld [smem:$0x3FDB];
	_ =	sdelay $0x1  }
0x99: {  	s4 =	simm.s32 $_scs_section_size  }
0x9a: {  	s5 =	simm.s32 $_size__tile_overlayer_lowered;
	s6 =	simm.s32 $_tile_overlayer_lowered  }
0x9b: {  	s22 =	simm.s32 $0x1BFF;
	s21 =	sshll.u32 s6, $0x1;
	s3 =	sadd.s32 s4, s19  }
0x9c: {  	s7 =	simm.s32 $0x0;
	s20 =	sshll.u32 s5, $0x1;
	s5 =	sadd.s32 s21, s3  }
0x9d: {  	[timem:s7], [sflag:s22] =	dma.local [hbm:s5], s20  }
0x9e: {  	_ =	swait.ge [sflag:s22], s20  }
0x9f: {  	s4 =	ssub.s32 $0x0, s20;
	[sflag:s22] =	ssyncset.done $0x0  }
0xa0: {  	[sflag:s22] =	ssyncadd.s32 s4;
	_ =	sdelay $0x1  }
0xa1: {  	s23 =	simm.s32 $0x1B8B  }
0xa2: {  	_ =	swait.ge [sflag:s23], $0x1  }
0xa3: {  	[sflag:s23] =	ssyncset.done $0x0  }
0xa4: {  	s25 =	simm.s32 $0x1B8E;
	s24 =	sld [smem:$0x3FFE];
	[sflag:s23] =	ssyncadd.s32 $0xFFFFFFFF  }
0xa5: {  	s26 =	simm.s32 $execute0_lowered;
	[smem:$0x3FD2] =	sst s25  }
0xa6: {  	s5 =	sshll.u32 s26, $0x1;
	_ =	strace $0x80000046;
	[dreg:$0x1] =	wrdreg $0xFFFFFFFF  }
0xa7: {  	s28 =	simm.s32 $_size_execute0_lowered;
	s3 =	sadd.s32 s3, s5;
	[dreg:$0x0] =	wrdreg $0x0  }
0xa8: {  	s5 =	sshll.u32 s28, $0x1;
	[dreg:$0x2] =	wrdreg s3  }
0xa9: {  	[dreg:$0x3] =	wrdreg s5  }
0xaa: {  	[dreg:$0x4] =	wrdreg $0xC0  }
0xab: {  	_ =	task [dreg:s7], $0x5FFFF  }
0xac: {  	[dreg:$0x1] =	wrdreg $0xFFFFFFFF  }
0xad: {  	[dreg:$0x0] =	wrdreg $0x60  }
0xae: {  	[dreg:$0x2] =	wrdreg s24  }
0xaf: {  	[dreg:$0x3] =	wrdreg s2  }
0xb0: {  	[dreg:$0x4] =	wrdreg $0x1BD00  }
0xb1: {  	[dreg:$0x5] =	wrdreg $0x9  }
0xb2: {  	_ =	task.clear_ibuf [dreg:s7], $0x6FFFF;
	_ =	strace $0x90000046  }
0xb3: {  	s29 =	simm.s32 $0x9;
	_ =	strace $0x80000048  }
0xb4: {  	_ =	swait.ge [sflag:s29], $0x1  }
0xb5: {  	[sflag:s29] =	ssyncadd.s32 $0xFFFFFFFF  }
0xb6: {  	_ =	strace $0x90000048  }
0xb7: {  	_ =	sfence  }
0xb8: {  	s30 =	sld [smem:$0x0];
	_ =	sdelay $0x2  }
0xb9: {  	s31 =	sshll.u32 s1, $0xD;
	s1 =	sshrl.u32 s1, $0x2  }
0xba: {  	s3 =	sand.u32 $0x4000, s31;
	s1 =	sadd.s32 s1, s30  }
0xbb: {  	s0 =	sor.u32 s3, s0;
	s1 =	sshll.u32 s1, $0x11  }
0xbc: {  	s0 =	sor.u32 s1, s0  }
0xbd: {  	s0 =	sadd.s32 $0x8F2B, s0  }
0xbe: {  	[sflag:s0] =	ssyncadd.remote.s32 $0x1  }
0xbf: {  	_ =	sfence.sel $0xFFFF  }
0xc0: {  	[dreg:$0x0] =	wrdreg $0xFFFFFFFF;
	(pc) =	sbr.abs _section_cstart, $3  }
0xc1: {  	[dreg:$0x1] =	wrdreg $0xFFFFFFFF  }
0xc2: {  	_ =	task.clear_ibuf [dreg:s7], $0x2FFFF;
	_ =	strace $0x9FFFFFFF  }
0xc3: {  	(tm) =	ssettm $0x7FFFFFFF  }
tec
execute0_lowered:
.L_overlay_start_1:
0x0: {  	(tag) =	ssettag $0x1  }
0x1: {  	s1 =	rddreg [dreg:$0x0]  }
0x2: {  	s2 =	rddreg [dreg:$0x1]  }
0x3: {  	[dreg:$0x5] =	wrdreg s2  }
0x4: {  	s0 =	srdreg.scid;
	s31 =	simm.s32 $0x0;
	s2 =	rddreg [dreg:$0x2]  }
0x5: {  	s9 =	stileid.u32;
	[smem:$0x7FF] =	sst s31;
	s6 =	sadd.s32 $0x7800, s1  }
0x6: {  	s7 =	simm.s32 $0x200;
	_ =	strace $0x80000047;
	[dreg:$0x4] =	wrdreg s6  }
0x7: {  	s8 =	simm.s32 $0x280;
	s10 =	simm.s32 $0x300;
	[dreg:$0xb] =	wrdreg s7  }
0x8: {  	s12 =	simm.s32 $0x380;
	s14 =	simm.s32 $0x400;
	[dreg:$0xc] =	wrdreg s8  }
0x9: {  	s15 =	simm.s32 $0x480;
	s17 =	simm.s32 $0x500;
	[dreg:$0xd] =	wrdreg s10  }
0xa: {  	s18 =	simm.s32 $0x580;
	s20 =	simm.s32 $0x600;
	[dreg:$0xe] =	wrdreg s12  }
0xb: {  	s21 =	simm.s32 $0x680;
	s22 =	simm.s32 $0x700;
	[dreg:$0xf] =	wrdreg s14  }
0xc: {  	s23 =	simm.s32 $0x780;
	s24 =	simm.s32 $0x800;
	[dreg:$0x10] =	wrdreg s15  }
0xd: {  	s25 =	simm.s32 $0x880;
	s26 =	simm.s32 $0x900;
	[dreg:$0x11] =	wrdreg s17  }
0xe: {  	s28 =	simm.s32 $0xA00;
	s29 =	simm.s32 $0xA80;
	[dreg:$0x12] =	wrdreg s18  }
0xf: {  	s30 =	simm.s32 $0xB00;
	p0 =	por $0x0, $0x0;
	[dreg:$0x13] =	wrdreg s20  }
0x10: {  	s0 =	sand.u32 $0x1, s0;
	s4 =	smul.u32 $0x500, s9;
	[dreg:$0x14] =	wrdreg s21  }
0x11: {  	s13 =	smul.u32 $0xA000, s9;
	s19 =	sshll.u32 s9, $0x6;
	[dreg:$0x15] =	wrdreg s22  }
0x12: {  	s3 =	sshll.u32 s0, $0x4;
	s5 =	smul.u32 $0x5000, s0;
	[dreg:$0x16] =	wrdreg s23  }
0x13: {  	s6 =	simm.s32 $0x180;
	s0 =	ssub.s32 $0x2, s0;
	[dreg:$0x17] =	wrdreg s24  }
0x14: {  	s7 =	simm.s32 $0x1400;
	s8 =	simm.s32 $0x7D;
	[dreg:$0x18] =	wrdreg s25  }
0x15: {  	[dreg:$0x19] =	wrdreg s26;
	s26 =	simm.s32 $0x980;
	s18 =	simm.s32 $0xB80  }
0x16: {  	s20 =	simm.s32 $0xD00;
	s21 =	simm.s32 $0xD80;
	s22 =	simm.s32 $0xE00  }
0x17: {  	s23 =	simm.s32 $0xE80;
	s24 =	simm.s32 $0xF00;
	s25 =	simm.s32 $0xF80  }
0x18: {  	s10 =	simm.s32 $0x1000;
	s12 =	simm.s32 $0x1100;
	s14 =	simm.s32 $0x1200  }
0x19: {  	s15 =	simm.s32 $0x1280;
	s17 =	simm.s32 $0x1380;
	s3 =	sor.u32 s9, s3  }
0x1a: {  	[dreg:$0xa] =	wrdreg s6;
	s11 =	sshrl.u32 s0, $0x1;
	s16 =	sshrl.u32 s13, $0x2  }
0x1b: {  	s6 =	simm.s32 $0x1;
	s13 =	simm.s32 $0x1180;
	s3 =	smul.u32 $0x280, s3  }
0x1c: {  	s4 =	sadd.s32 s4, s5;
	s5 =	simm.s32 $0x100;
	s0 =	ssub.s32 s0, s11  }
0x1d: {  	s11 =	simm.s32 $0x1080;
	[dreg:$0x9] =	wrdreg s5;
	s0 =	smax.u32 s0, $0x1  }
0x1e: {  	s5 =	simm.s32 $0x2;
	s3 =	sadd.s32 s3, s1;
	p1 =	sne.s32 s0, $0x1  }
.Ltmp0:
0x1f: {  	s1 =	sadd.s32 s4, s1;
	s4 =	simm.s32 $0x80;
	(pc) =	sbr.rel @!p1 .LBB2_1-.Ltmp0, $4  }
0x20: {  	s3 =	sadd.s32 $0x2800, s3;
	s1 =	sadd.s32 $0x7A00, s1;
	[dreg:$0x8] =	wrdreg s4  }
0x21: {  	s4 =	sadd.s32 s16, s2;
	s16 =	simm.s32 $0x1300;
	[dreg:$0x6] =	wrdreg s3  }
0x22: {  	[dreg:$0x7] =	wrdreg s1;
	s3 =	sor.u32 $0x1C02, s19;
	s4 =	sshrl.u32 s4, $0x3  }
0x23: {  	s19 =	simm.s32 $0xC80;
	s1 =	sadd.s32 $0xFFFFFFFF, s0;
	s0 =	rddreg [dreg:$0x5]  }
0x24: {  	[spmem:s4], [sflag:s3] =	dma.local [hbm:s0], $0x500  }
0x25: {  	_ =	swait.ge [sflag:s5], $0x500  }
0x26: {  	[sflag:s5] =	ssyncset.done $0x0  }
0x27: {  	s9 =	rddreg [dreg:$0x4];
	[sflag:s5] =	ssyncadd.s32 $0xFFFFFB00  }
0x28: {  	[tilespmem:s7], [sflag:$0x2] =	stream.linear.gather [hbm4b:s9+s31], $0x7D0, $0x38;
	[tilespmem:$0x43D0] =	vst v63  }
0x29: {  	_ =	swait.ge [sflag:s5], $0x7D0  }
0x2a: {  	[sflag:s5] =	ssyncset.done $0x0  }
0x2b: {  	s9 =	rddreg [dreg:$0x6];
	[sflag:s5] =	ssyncadd.s32 $0xFFFFF830  }
0x2c: {  	[tilespmem:s31], [sflag:$0x2] =	stream.linear.gather [hbm4b:s9+s31], $0x1400, $0x38;
	[tilespmem:$0x43D0] =	vst v63  }
0x2d: {  	_ =	swait.ge [sflag:s5], $0x1400  }
0x2e: {  	[sflag:s5] =	ssyncset.done $0x0  }
0x2f: {  	[sflag:s5] =	ssyncadd.s32 $0xFFFFEC00  }
0x30: {  	[bflag:$0x0] =	sbarrier.arrive $0xFFFF  }
0x31: {  	[spmem:s2] =	stream.indirect.scatter.add.f32 [tilespmem:s7], [sflag:$0x1], $0x10, s31, s8, $0xb8;
	[tilespmem:$0x43D0] =	vst v63  }
0x32: {  	s0 =	rddreg [dreg:$0x8]  }
0x33: {  	[spmem:s2] =	stream.indirect.scatter.add.f32 [tilespmem:s7], [sflag:$0x1], $0x10, s0, s8, $0xb8;
	[tilespmem:$0x43D0] =	vst v63  }
0x34: {  	s9 =	smov.u32 s1;
	s1 =	rddreg [dreg:$0x9]  }
0x35: {  	[spmem:s2] =	stream.indirect.scatter.add.f32 [tilespmem:s7], [sflag:$0x1], $0x10, s1, s8, $0xb8;
	[tilespmem:$0x43D0] =	vst v63  }
0x36: {  	s0 =	rddreg [dreg:$0xa]  }
0x37: {  	[spmem:s2] =	stream.indirect.scatter.add.f32 [tilespmem:s7], [sflag:$0x1], $0x10, s0, s8, $0xb8;
	[tilespmem:$0x43D0] =	vst v63  }
0x38: {  	s1 =	rddreg [dreg:$0xb]  }
0x39: {  	[spmem:s2] =	stream.indirect.scatter.add.f32 [tilespmem:s7], [sflag:$0x1], $0x10, s1, s8, $0xb8;
	[tilespmem:$0x43D0] =	vst v63  }
0x3a: {  	s0 =	rddreg [dreg:$0xc]  }
0x3b: {  	[spmem:s2] =	stream.indirect.scatter.add.f32 [tilespmem:s7], [sflag:$0x1], $0x10, s0, s8, $0xb8;
	[tilespmem:$0x43D0] =	vst v63  }
0x3c: {  	s1 =	rddreg [dreg:$0xd]  }
0x3d: {  	[spmem:s2] =	stream.indirect.scatter.add.f32 [tilespmem:s7], [sflag:$0x1], $0x10, s1, s8, $0xb8;
	[tilespmem:$0x43D0] =	vst v63  }
0x3e: {  	s0 =	rddreg [dreg:$0xe]  }
0x3f: {  	[spmem:s2] =	stream.indirect.scatter.add.f32 [tilespmem:s7], [sflag:$0x1], $0x10, s0, s8, $0xb8;
	[tilespmem:$0x43D0] =	vst v63  }
0x40: {  	_ =	swait.ge [sflag:s6], $0x7D0  }
0x41: {  	[sflag:s6] =	ssyncset.done $0x0  }
0x42: {  	[sflag:s6] =	ssyncadd.s32 $0xFFFFF830  }
0x43: {  	_ =	swait.ge [sflag:s6], $0x7D0  }
0x44: {  	[sflag:s6] =	ssyncset.done $0x0  }
0x45: {  	[sflag:s6] =	ssyncadd.s32 $0xFFFFF830  }
0x46: {  	_ =	swait.ge [sflag:s6], $0x7D0  }
0x47: {  	[sflag:s6] =	ssyncset.done $0x0  }
0x48: {  	[sflag:s6] =	ssyncadd.s32 $0xFFFFF830  }
0x49: {  	_ =	swait.ge [sflag:s6], $0x7D0  }
0x4a: {  	[sflag:s6] =	ssyncset.done $0x0  }
0x4b: {  	[sflag:s6] =	ssyncadd.s32 $0xFFFFF830  }
0x4c: {  	_ =	swait.ge [sflag:s6], $0x7D0  }
0x4d: {  	[sflag:s6] =	ssyncset.done $0x0  }
0x4e: {  	[sflag:s6] =	ssyncadd.s32 $0xFFFFF830  }
0x4f: {  	_ =	swait.ge [sflag:s6], $0x7D0  }
0x50: {  	[sflag:s6] =	ssyncset.done $0x0  }
0x51: {  	[sflag:s6] =	ssyncadd.s32 $0xFFFFF830  }
0x52: {  	_ =	swait.ge [sflag:s6], $0x7D0  }
0x53: {  	[sflag:s6] =	ssyncset.done $0x0  }
0x54: {  	[sflag:s6] =	ssyncadd.s32 $0xFFFFF830  }
0x55: {  	_ =	swait.ge [sflag:s6], $0x7D0  }
0x56: {  	[sflag:s6] =	ssyncset.done $0x0  }
0x57: {  	s0 =	rddreg [dreg:$0xf];
	[sflag:s6] =	ssyncadd.s32 $0xFFFFF830  }
0x58: {  	[spmem:s2] =	stream.indirect.scatter.add.f32 [tilespmem:s7], [sflag:$0x1], $0x10, s0, s8, $0xb8;
	[tilespmem:$0x43D0] =	vst v63  }
0x59: {  	s1 =	rddreg [dreg:$0x10]  }
0x5a: {  	[spmem:s2] =	stream.indirect.scatter.add.f32 [tilespmem:s7], [sflag:$0x1], $0x10, s1, s8, $0xb8;
	[tilespmem:$0x43D0] =	vst v63  }
0x5b: {  	s0 =	rddreg [dreg:$0x11]  }
0x5c: {  	[spmem:s2] =	stream.indirect.scatter.add.f32 [tilespmem:s7], [sflag:$0x1], $0x10, s0, s8, $0xb8;
	[tilespmem:$0x43D0] =	vst v63  }
0x5d: {  	s1 =	rddreg [dreg:$0x12]  }
0x5e: {  	[spmem:s2] =	stream.indirect.scatter.add.f32 [tilespmem:s7], [sflag:$0x1], $0x10, s1, s8, $0xb8;
	[tilespmem:$0x43D0] =	vst v63  }
0x5f: {  	s0 =	rddreg [dreg:$0x13]  }
0x60: {  	[spmem:s2] =	stream.indirect.scatter.add.f32 [tilespmem:s7], [sflag:$0x1], $0x10, s0, s8, $0xb8;
	[tilespmem:$0x43D0] =	vst v63  }
0x61: {  	s1 =	rddreg [dreg:$0x14]  }
0x62: {  	[spmem:s2] =	stream.indirect.scatter.add.f32 [tilespmem:s7], [sflag:$0x1], $0x10, s1, s8, $0xb8;
	[tilespmem:$0x43D0] =	vst v63  }
0x63: {  	s0 =	rddreg [dreg:$0x15]  }
0x64: {  	[spmem:s2] =	stream.indirect.scatter.add.f32 [tilespmem:s7], [sflag:$0x1], $0x10, s0, s8, $0xb8;
	[tilespmem:$0x43D0] =	vst v63  }
0x65: {  	s1 =	rddreg [dreg:$0x16]  }
0x66: {  	[spmem:s2] =	stream.indirect.scatter.add.f32 [tilespmem:s7], [sflag:$0x1], $0x10, s1, s8, $0xb8;
	[tilespmem:$0x43D0] =	vst v63  }
0x67: {  	_ =	swait.ge [sflag:s6], $0x7D0  }
0x68: {  	[sflag:s6] =	ssyncset.done $0x0  }
0x69: {  	[sflag:s6] =	ssyncadd.s32 $0xFFFFF830  }
0x6a: {  	_ =	swait.ge [sflag:s6], $0x7D0  }
0x6b: {  	[sflag:s6] =	ssyncset.done $0x0  }
0x6c: {  	[sflag:s6] =	ssyncadd.s32 $0xFFFFF830  }
0x6d: {  	_ =	swait.ge [sflag:s6], $0x7D0  }
0x6e: {  	[sflag:s6] =	ssyncset.done $0x0  }
0x6f: {  	[sflag:s6] =	ssyncadd.s32 $0xFFFFF830  }
0x70: {  	_ =	swait.ge [sflag:s6], $0x7D0  }
0x71: {  	[sflag:s6] =	ssyncset.done $0x0  }
0x72: {  	[sflag:s6] =	ssyncadd.s32 $0xFFFFF830  }
0x73: {  	_ =	swait.ge [sflag:s6], $0x7D0  }
0x74: {  	[sflag:s6] =	ssyncset.done $0x0  }
0x75: {  	[sflag:s6] =	ssyncadd.s32 $0xFFFFF830  }
0x76: {  	_ =	swait.ge [sflag:s6], $0x7D0  }
0x77: {  	[sflag:s6] =	ssyncset.done $0x0  }
0x78: {  	[sflag:s6] =	ssyncadd.s32 $0xFFFFF830  }
0x79: {  	_ =	swait.ge [sflag:s6], $0x7D0  }
0x7a: {  	[sflag:s6] =	ssyncset.done $0x0  }
0x7b: {  	[sflag:s6] =	ssyncadd.s32 $0xFFFFF830  }
0x7c: {  	_ =	swait.ge [sflag:s6], $0x7D0  }
0x7d: {  	[sflag:s6] =	ssyncset.done $0x0  }
0x7e: {  	s0 =	rddreg [dreg:$0x17];
	[sflag:s6] =	ssyncadd.s32 $0xFFFFF830  }
0x7f: {  	[spmem:s2] =	stream.indirect.scatter.add.f32 [tilespmem:s7], [sflag:$0x1], $0x10, s0, s8, $0xb8;
	[tilespmem:$0x43D0] =	vst v63  }
0x80: {  	s1 =	rddreg [dreg:$0x18]  }
0x81: {  	[spmem:s2] =	stream.indirect.scatter.add.f32 [tilespmem:s7], [sflag:$0x1], $0x10, s1, s8, $0xb8;
	[tilespmem:$0x43D0] =	vst v63  }
0x82: {  	s0 =	rddreg [dreg:$0x19]  }
0x83: {  	[spmem:s2] =	stream.indirect.scatter.add.f32 [tilespmem:s7], [sflag:$0x1], $0x10, s0, s8, $0xb8;
	[tilespmem:$0x43D0] =	vst v63  }
0x84: {  	_ = 	snop  }
0x85: {  	[spmem:s2] =	stream.indirect.scatter.add.f32 [tilespmem:s7], [sflag:$0x1], $0x10, s26, s8, $0xb8;
	[tilespmem:$0x43D0] =	vst v63  }
0x86: {  	_ = 	snop  }
0x87: {  	[spmem:s2] =	stream.indirect.scatter.add.f32 [tilespmem:s7], [sflag:$0x1], $0x10, s28, s8, $0xb8;
	[tilespmem:$0x43D0] =	vst v63  }
0x88: {  	_ = 	snop  }
0x89: {  	[spmem:s2] =	stream.indirect.scatter.add.f32 [tilespmem:s7], [sflag:$0x1], $0x10, s29, s8, $0xb8;
	[tilespmem:$0x43D0] =	vst v63  }
0x8a: {  	_ = 	snop  }
0x8b: {  	[spmem:s2] =	stream.indirect.scatter.add.f32 [tilespmem:s7], [sflag:$0x1], $0x10, s30, s8, $0xb8;
	[tilespmem:$0x43D0] =	vst v63  }
0x8c: {  	_ = 	snop  }
0x8d: {  	[spmem:s2] =	stream.indirect.scatter.add.f32 [tilespmem:s7], [sflag:$0x1], $0x10, s18, s8, $0xb8;
	[tilespmem:$0x43D0] =	vst v63  }
0x8e: {  	_ =	swait.ge [sflag:s6], $0x7D0  }
0x8f: {  	[sflag:s6] =	ssyncset.done $0x0  }
0x90: {  	[sflag:s6] =	ssyncadd.s32 $0xFFFFF830  }
0x91: {  	_ =	swait.ge [sflag:s6], $0x7D0  }
0x92: {  	[sflag:s6] =	ssyncset.done $0x0  }
0x93: {  	[sflag:s6] =	ssyncadd.s32 $0xFFFFF830  }
0x94: {  	_ =	swait.ge [sflag:s6], $0x7D0  }
0x95: {  	[sflag:s6] =	ssyncset.done $0x0  }
0x96: {  	[sflag:s6] =	ssyncadd.s32 $0xFFFFF830  }
0x97: {  	_ =	swait.ge [sflag:s6], $0x7D0  }
0x98: {  	[sflag:s6] =	ssyncset.done $0x0  }
0x99: {  	[sflag:s6] =	ssyncadd.s32 $0xFFFFF830  }
0x9a: {  	_ =	swait.ge [sflag:s6], $0x7D0  }
0x9b: {  	[sflag:s6] =	ssyncset.done $0x0  }
0x9c: {  	[sflag:s6] =	ssyncadd.s32 $0xFFFFF830  }
0x9d: {  	_ =	swait.ge [sflag:s6], $0x7D0  }
0x9e: {  	[sflag:s6] =	ssyncset.done $0x0  }
0x9f: {  	[sflag:s6] =	ssyncadd.s32 $0xFFFFF830  }
0xa0: {  	_ =	swait.ge [sflag:s6], $0x7D0  }
0xa1: {  	[sflag:s6] =	ssyncset.done $0x0  }
0xa2: {  	[sflag:s6] =	ssyncadd.s32 $0xFFFFF830  }
0xa3: {  	_ =	swait.ge [sflag:s6], $0x7D0  }
0xa4: {  	[sflag:s6] =	ssyncset.done $0x0  }
0xa5: {  	s1 =	simm.s32 $0xC00;
	[sflag:s6] =	ssyncadd.s32 $0xFFFFF830  }
0xa6: {  	[spmem:s2] =	stream.indirect.scatter.add.f32 [tilespmem:s7], [sflag:$0x1], $0x10, s1, s8, $0xb8;
	[tilespmem:$0x43D0] =	vst v63  }
0xa7: {  	_ = 	snop  }
0xa8: {  	[spmem:s2] =	stream.indirect.scatter.add.f32 [tilespmem:s7], [sflag:$0x1], $0x10, s19, s8, $0xb8;
	[tilespmem:$0x43D0] =	vst v63  }
0xa9: {  	_ = 	snop  }
0xaa: {  	[spmem:s2] =	stream.indirect.scatter.add.f32 [tilespmem:s7], [sflag:$0x1], $0x10, s20, s8, $0xb8;
	[tilespmem:$0x43D0] =	vst v63  }
0xab: {  	_ = 	snop  }
0xac: {  	[spmem:s2] =	stream.indirect.scatter.add.f32 [tilespmem:s7], [sflag:$0x1], $0x10, s21, s8, $0xb8;
	[tilespmem:$0x43D0] =	vst v63  }
0xad: {  	_ = 	snop  }
0xae: {  	[spmem:s2] =	stream.indirect.scatter.add.f32 [tilespmem:s7], [sflag:$0x1], $0x10, s22, s8, $0xb8;
	[tilespmem:$0x43D0] =	vst v63  }
0xaf: {  	_ = 	snop  }
0xb0: {  	[spmem:s2] =	stream.indirect.scatter.add.f32 [tilespmem:s7], [sflag:$0x1], $0x10, s23, s8, $0xb8;
	[tilespmem:$0x43D0] =	vst v63  }
0xb1: {  	_ = 	snop  }
0xb2: {  	[spmem:s2] =	stream.indirect.scatter.add.f32 [tilespmem:s7], [sflag:$0x1], $0x10, s24, s8, $0xb8;
	[tilespmem:$0x43D0] =	vst v63  }
0xb3: {  	_ = 	snop  }
0xb4: {  	[spmem:s2] =	stream.indirect.scatter.add.f32 [tilespmem:s7], [sflag:$0x1], $0x10, s25, s8, $0xb8;
	[tilespmem:$0x43D0] =	vst v63  }
0xb5: {  	_ =	swait.ge [sflag:s6], $0x7D0  }
0xb6: {  	[sflag:s6] =	ssyncset.done $0x0  }
0xb7: {  	[sflag:s6] =	ssyncadd.s32 $0xFFFFF830  }
0xb8: {  	_ =	swait.ge [sflag:s6], $0x7D0  }
0xb9: {  	[sflag:s6] =	ssyncset.done $0x0  }
0xba: {  	[sflag:s6] =	ssyncadd.s32 $0xFFFFF830  }
0xbb: {  	_ =	swait.ge [sflag:s6], $0x7D0  }
0xbc: {  	[sflag:s6] =	ssyncset.done $0x0  }
0xbd: {  	[sflag:s6] =	ssyncadd.s32 $0xFFFFF830  }
0xbe: {  	_ =	swait.ge [sflag:s6], $0x7D0  }
0xbf: {  	[sflag:s6] =	ssyncset.done $0x0  }
0xc0: {  	[sflag:s6] =	ssyncadd.s32 $0xFFFFF830  }
0xc1: {  	_ =	swait.ge [sflag:s6], $0x7D0  }
0xc2: {  	[sflag:s6] =	ssyncset.done $0x0  }
0xc3: {  	[sflag:s6] =	ssyncadd.s32 $0xFFFFF830  }
0xc4: {  	_ =	swait.ge [sflag:s6], $0x7D0  }
0xc5: {  	[sflag:s6] =	ssyncset.done $0x0  }
0xc6: {  	[sflag:s6] =	ssyncadd.s32 $0xFFFFF830  }
0xc7: {  	_ =	swait.ge [sflag:s6], $0x7D0  }
0xc8: {  	[sflag:s6] =	ssyncset.done $0x0  }
0xc9: {  	[sflag:s6] =	ssyncadd.s32 $0xFFFFF830  }
0xca: {  	_ =	swait.ge [sflag:s6], $0x7D0  }
0xcb: {  	[sflag:s6] =	ssyncset.done $0x0  }
0xcc: {  	[sflag:s6] =	ssyncadd.s32 $0xFFFFF830  }
0xcd: {  	[spmem:s2] =	stream.indirect.scatter.add.f32 [tilespmem:s7], [sflag:$0x1], $0x10, s10, s8, $0xb8;
	[tilespmem:$0x43D0] =	vst v63  }
0xce: {  	_ = 	snop  }
0xcf: {  	[spmem:s2] =	stream.indirect.scatter.add.f32 [tilespmem:s7], [sflag:$0x1], $0x10, s11, s8, $0xb8;
	[tilespmem:$0x43D0] =	vst v63  }
0xd0: {  	_ = 	snop  }
0xd1: {  	[spmem:s2] =	stream.indirect.scatter.add.f32 [tilespmem:s7], [sflag:$0x1], $0x10, s12, s8, $0xb8;
	[tilespmem:$0x43D0] =	vst v63  }
0xd2: {  	_ = 	snop  }
0xd3: {  	[spmem:s2] =	stream.indirect.scatter.add.f32 [tilespmem:s7], [sflag:$0x1], $0x10, s13, s8, $0xb8;
	[tilespmem:$0x43D0] =	vst v63  }
0xd4: {  	_ = 	snop  }
0xd5: {  	[spmem:s2] =	stream.indirect.scatter.add.f32 [tilespmem:s7], [sflag:$0x1], $0x10, s14, s8, $0xb8;
	[tilespmem:$0x43D0] =	vst v63  }
0xd6: {  	_ = 	snop  }
0xd7: {  	[spmem:s2] =	stream.indirect.scatter.add.f32 [tilespmem:s7], [sflag:$0x1], $0x10, s15, s8, $0xb8;
	[tilespmem:$0x43D0] =	vst v63  }
0xd8: {  	_ = 	snop  }
0xd9: {  	[spmem:s2] =	stream.indirect.scatter.add.f32 [tilespmem:s7], [sflag:$0x1], $0x10, s16, s8, $0xb8;
	[tilespmem:$0x43D0] =	vst v63  }
0xda: {  	_ = 	snop  }
0xdb: {  	[spmem:s2] =	stream.indirect.scatter.add.f32 [tilespmem:s7], [sflag:$0x1], $0x10, s17, s8, $0xb8;
	[tilespmem:$0x43D0] =	vst v63  }
0xdc: {  	_ =	swait.ge [sflag:s6], $0x7D0  }
0xdd: {  	[sflag:s6] =	ssyncset.done $0x0  }
0xde: {  	[sflag:s6] =	ssyncadd.s32 $0xFFFFF830  }
0xdf: {  	_ =	swait.ge [sflag:s6], $0x7D0  }
0xe0: {  	[sflag:s6] =	ssyncset.done $0x0  }
0xe1: {  	[sflag:s6] =	ssyncadd.s32 $0xFFFFF830  }
0xe2: {  	_ =	swait.ge [sflag:s6], $0x7D0  }
0xe3: {  	[sflag:s6] =	ssyncset.done $0x0  }
0xe4: {  	[sflag:s6] =	ssyncadd.s32 $0xFFFFF830  }
0xe5: {  	_ =	swait.ge [sflag:s6], $0x7D0  }
0xe6: {  	[sflag:s6] =	ssyncset.done $0x0  }
0xe7: {  	[sflag:s6] =	ssyncadd.s32 $0xFFFFF830  }
0xe8: {  	_ =	swait.ge [sflag:s6], $0x7D0  }
0xe9: {  	[sflag:s6] =	ssyncset.done $0x0  }
0xea: {  	[sflag:s6] =	ssyncadd.s32 $0xFFFFF830  }
0xeb: {  	_ =	swait.ge [sflag:s6], $0x7D0  }
0xec: {  	[sflag:s6] =	ssyncset.done $0x0  }
0xed: {  	[sflag:s6] =	ssyncadd.s32 $0xFFFFF830  }
0xee: {  	_ =	swait.ge [sflag:s6], $0x7D0  }
0xef: {  	[sflag:s6] =	ssyncset.done $0x0  }
0xf0: {  	[sflag:s6] =	ssyncadd.s32 $0xFFFFF830  }
0xf1: {  	_ =	swait.ge [sflag:s6], $0x7D0  }
0xf2: {  	[sflag:s6] =	ssyncset.done $0x0  }
0xf3: {  	p1 =	sne.s32 s9, $0x1;
	[sflag:s6] =	ssyncadd.s32 $0xFFFFF830  }
.Ltmp1:
0xf4: {  	[bflag:$0x0] =	sbarrier.arrive $0xFFFF;
	(pc) =	sbr.rel @!p1 .LBB2_3-.Ltmp1, $4  }
0xf5: {  	s1 =	rddreg [dreg:$0x7]  }
0xf6: {  	[hbm:s1], [sflag:s3] =	dma.local [spmem:s4], $0x500  }
0xf7: {  	p0 =	por $0x1, $0x1;
	_ =	swait.ge [sflag:s5], $0x500  }
0xf8: {  	s1 =	sadd.s32 $0xFFFFFFFF, s9;
	s0 =	rddreg [dreg:$0x5];
	[sflag:s5] =	ssyncset.done $0x0  }
.LBB2_4:
0xf9: {  	[sflag:s5] =	ssyncadd.s32 $0xFFFFFB00  }
0xfa: {  	[spmem:s4], [sflag:s3] =	dma.local [hbm:s0], $0x500  }
0xfb: {  	_ =	swait.ge [sflag:s5], $0x500  }
0xfc: {  	[sflag:s5] =	ssyncset.done $0x0  }
0xfd: {  	s9 =	rddreg [dreg:$0x4];
	[sflag:s5] =	ssyncadd.s32 $0xFFFFFB00  }
0xfe: {  	[tilespmem:s7], [sflag:$0x2] =	stream.linear.gather [hbm4b:s9+s31], $0x7D0, $0x38;
	[tilespmem:$0x43D0] =	vst v63  }
0xff: {  	_ =	swait.ge [sflag:s5], $0x7D0  }
0x100: {  	[sflag:s5] =	ssyncset.done $0x0  }
0x101: {  	s9 =	rddreg [dreg:$0x6];
	[sflag:s5] =	ssyncadd.s32 $0xFFFFF830  }
0x102: {  	[tilespmem:s31], [sflag:$0x2] =	stream.linear.gather [hbm4b:s9+s31], $0x1400, $0x38;
	[tilespmem:$0x43D0] =	vst v63  }
0x103: {  	_ =	swait.ge [sflag:s5], $0x1400  }
0x104: {  	[sflag:s5] =	ssyncset.done $0x0  }
0x105: {  	[sflag:s5] =	ssyncadd.s32 $0xFFFFEC00  }
0x106: {  	[bflag:$0x0] =	sbarrier.arrive $0xFFFF  }
0x107: {  	[spmem:s2] =	stream.indirect.scatter.add.f32 [tilespmem:s7], [sflag:$0x1], $0x10, s31, s8, $0xb8;
	[tilespmem:$0x43D0] =	vst v63  }
0x108: {  	s0 =	rddreg [dreg:$0x8]  }
0x109: {  	[spmem:s2] =	stream.indirect.scatter.add.f32 [tilespmem:s7], [sflag:$0x1], $0x10, s0, s8, $0xb8;
	[tilespmem:$0x43D0] =	vst v63  }
0x10a: {  	s9 =	rddreg [dreg:$0x9]  }
0x10b: {  	[spmem:s2] =	stream.indirect.scatter.add.f32 [tilespmem:s7], [sflag:$0x1], $0x10, s9, s8, $0xb8;
	[tilespmem:$0x43D0] =	vst v63  }
0x10c: {  	s0 =	rddreg [dreg:$0xa]  }
0x10d: {  	[spmem:s2] =	stream.indirect.scatter.add.f32 [tilespmem:s7], [sflag:$0x1], $0x10, s0, s8, $0xb8;
	[tilespmem:$0x43D0] =	vst v63  }
0x10e: {  	s9 =	rddreg [dreg:$0xb]  }
0x10f: {  	[spmem:s2] =	stream.indirect.scatter.add.f32 [tilespmem:s7], [sflag:$0x1], $0x10, s9, s8, $0xb8;
	[tilespmem:$0x43D0] =	vst v63  }
0x110: {  	s0 =	rddreg [dreg:$0xc]  }
0x111: {  	[spmem:s2] =	stream.indirect.scatter.add.f32 [tilespmem:s7], [sflag:$0x1], $0x10, s0, s8, $0xb8;
	[tilespmem:$0x43D0] =	vst v63  }
0x112: {  	s9 =	rddreg [dreg:$0xd]  }
0x113: {  	[spmem:s2] =	stream.indirect.scatter.add.f32 [tilespmem:s7], [sflag:$0x1], $0x10, s9, s8, $0xb8;
	[tilespmem:$0x43D0] =	vst v63  }
0x114: {  	s0 =	rddreg [dreg:$0xe]  }
0x115: {  	[spmem:s2] =	stream.indirect.scatter.add.f32 [tilespmem:s7], [sflag:$0x1], $0x10, s0, s8, $0xb8;
	[tilespmem:$0x43D0] =	vst v63  }
0x116: {  	_ =	swait.ge [sflag:s6], $0x7D0  }
0x117: {  	[sflag:s6] =	ssyncset.done $0x0  }
0x118: {  	[sflag:s6] =	ssyncadd.s32 $0xFFFFF830  }
0x119: {  	_ =	swait.ge [sflag:s6], $0x7D0  }
0x11a: {  	[sflag:s6] =	ssyncset.done $0x0  }
0x11b: {  	[sflag:s6] =	ssyncadd.s32 $0xFFFFF830  }
0x11c: {  	_ =	swait.ge [sflag:s6], $0x7D0  }
0x11d: {  	[sflag:s6] =	ssyncset.done $0x0  }
0x11e: {  	[sflag:s6] =	ssyncadd.s32 $0xFFFFF830  }
0x11f: {  	_ =	swait.ge [sflag:s6], $0x7D0  }
0x120: {  	[sflag:s6] =	ssyncset.done $0x0  }
0x121: {  	[sflag:s6] =	ssyncadd.s32 $0xFFFFF830  }
0x122: {  	_ =	swait.ge [sflag:s6], $0x7D0  }
0x123: {  	[sflag:s6] =	ssyncset.done $0x0  }
0x124: {  	[sflag:s6] =	ssyncadd.s32 $0xFFFFF830  }
0x125: {  	_ =	swait.ge [sflag:s6], $0x7D0  }
0x126: {  	[sflag:s6] =	ssyncset.done $0x0  }
0x127: {  	[sflag:s6] =	ssyncadd.s32 $0xFFFFF830  }
0x128: {  	_ =	swait.ge [sflag:s6], $0x7D0  }
0x129: {  	[sflag:s6] =	ssyncset.done $0x0  }
0x12a: {  	[sflag:s6] =	ssyncadd.s32 $0xFFFFF830  }
0x12b: {  	_ =	swait.ge [sflag:s6], $0x7D0  }
0x12c: {  	[sflag:s6] =	ssyncset.done $0x0  }
0x12d: {  	s0 =	rddreg [dreg:$0xf];
	[sflag:s6] =	ssyncadd.s32 $0xFFFFF830  }
0x12e: {  	[spmem:s2] =	stream.indirect.scatter.add.f32 [tilespmem:s7], [sflag:$0x1], $0x10, s0, s8, $0xb8;
	[tilespmem:$0x43D0] =	vst v63  }
0x12f: {  	s9 =	rddreg [dreg:$0x10]  }
0x130: {  	[spmem:s2] =	stream.indirect.scatter.add.f32 [tilespmem:s7], [sflag:$0x1], $0x10, s9, s8, $0xb8;
	[tilespmem:$0x43D0] =	vst v63  }
0x131: {  	s0 =	rddreg [dreg:$0x11]  }
0x132: {  	[spmem:s2] =	stream.indirect.scatter.add.f32 [tilespmem:s7], [sflag:$0x1], $0x10, s0, s8, $0xb8;
	[tilespmem:$0x43D0] =	vst v63  }
0x133: {  	s9 =	rddreg [dreg:$0x12]  }
0x134: {  	[spmem:s2] =	stream.indirect.scatter.add.f32 [tilespmem:s7], [sflag:$0x1], $0x10, s9, s8, $0xb8;
	[tilespmem:$0x43D0] =	vst v63  }
0x135: {  	s0 =	rddreg [dreg:$0x13]  }
0x136: {  	[spmem:s2] =	stream.indirect.scatter.add.f32 [tilespmem:s7], [sflag:$0x1], $0x10, s0, s8, $0xb8;
	[tilespmem:$0x43D0] =	vst v63  }
0x137: {  	s9 =	rddreg [dreg:$0x14]  }
0x138: {  	[spmem:s2] =	stream.indirect.scatter.add.f32 [tilespmem:s7], [sflag:$0x1], $0x10, s9, s8, $0xb8;
	[tilespmem:$0x43D0] =	vst v63  }
0x139: {  	s0 =	rddreg [dreg:$0x15]  }
0x13a: {  	[spmem:s2] =	stream.indirect.scatter.add.f32 [tilespmem:s7], [sflag:$0x1], $0x10, s0, s8, $0xb8;
	[tilespmem:$0x43D0] =	vst v63  }
0x13b: {  	s9 =	rddreg [dreg:$0x16]  }
0x13c: {  	[spmem:s2] =	stream.indirect.scatter.add.f32 [tilespmem:s7], [sflag:$0x1], $0x10, s9, s8, $0xb8;
	[tilespmem:$0x43D0] =	vst v63  }
0x13d: {  	_ =	swait.ge [sflag:s6], $0x7D0  }
0x13e: {  	[sflag:s6] =	ssyncset.done $0x0  }
0x13f: {  	[sflag:s6] =	ssyncadd.s32 $0xFFFFF830  }
0x140: {  	_ =	swait.ge [sflag:s6], $0x7D0  }
0x141: {  	[sflag:s6] =	ssyncset.done $0x0  }
0x142: {  	[sflag:s6] =	ssyncadd.s32 $0xFFFFF830  }
0x143: {  	_ =	swait.ge [sflag:s6], $0x7D0  }
0x144: {  	[sflag:s6] =	ssyncset.done $0x0  }
0x145: {  	[sflag:s6] =	ssyncadd.s32 $0xFFFFF830  }
0x146: {  	_ =	swait.ge [sflag:s6], $0x7D0  }
0x147: {  	[sflag:s6] =	ssyncset.done $0x0  }
0x148: {  	[sflag:s6] =	ssyncadd.s32 $0xFFFFF830  }
0x149: {  	_ =	swait.ge [sflag:s6], $0x7D0  }
0x14a: {  	[sflag:s6] =	ssyncset.done $0x0  }
0x14b: {  	[sflag:s6] =	ssyncadd.s32 $0xFFFFF830  }
0x14c: {  	_ =	swait.ge [sflag:s6], $0x7D0  }
0x14d: {  	[sflag:s6] =	ssyncset.done $0x0  }
0x14e: {  	[sflag:s6] =	ssyncadd.s32 $0xFFFFF830  }
0x14f: {  	_ =	swait.ge [sflag:s6], $0x7D0  }
0x150: {  	[sflag:s6] =	ssyncset.done $0x0  }
0x151: {  	[sflag:s6] =	ssyncadd.s32 $0xFFFFF830  }
0x152: {  	_ =	swait.ge [sflag:s6], $0x7D0  }
0x153: {  	[sflag:s6] =	ssyncset.done $0x0  }
0x154: {  	s0 =	rddreg [dreg:$0x17];
	[sflag:s6] =	ssyncadd.s32 $0xFFFFF830  }
0x155: {  	[spmem:s2] =	stream.indirect.scatter.add.f32 [tilespmem:s7], [sflag:$0x1], $0x10, s0, s8, $0xb8;
	[tilespmem:$0x43D0] =	vst v63  }
0x156: {  	s9 =	rddreg [dreg:$0x18]  }
0x157: {  	[spmem:s2] =	stream.indirect.scatter.add.f32 [tilespmem:s7], [sflag:$0x1], $0x10, s9, s8, $0xb8;
	[tilespmem:$0x43D0] =	vst v63  }
0x158: {  	s0 =	rddreg [dreg:$0x19]  }
0x159: {  	[spmem:s2] =	stream.indirect.scatter.add.f32 [tilespmem:s7], [sflag:$0x1], $0x10, s0, s8, $0xb8;
	[tilespmem:$0x43D0] =	vst v63  }
0x15a: {  	_ = 	snop  }
0x15b: {  	[spmem:s2] =	stream.indirect.scatter.add.f32 [tilespmem:s7], [sflag:$0x1], $0x10, s26, s8, $0xb8;
	[tilespmem:$0x43D0] =	vst v63  }
0x15c: {  	_ = 	snop  }
0x15d: {  	[spmem:s2] =	stream.indirect.scatter.add.f32 [tilespmem:s7], [sflag:$0x1], $0x10, s28, s8, $0xb8;
	[tilespmem:$0x43D0] =	vst v63  }
0x15e: {  	_ = 	snop  }
0x15f: {  	[spmem:s2] =	stream.indirect.scatter.add.f32 [tilespmem:s7], [sflag:$0x1], $0x10, s29, s8, $0xb8;
	[tilespmem:$0x43D0] =	vst v63  }
0x160: {  	_ = 	snop  }
0x161: {  	[spmem:s2] =	stream.indirect.scatter.add.f32 [tilespmem:s7], [sflag:$0x1], $0x10, s30, s8, $0xb8;
	[tilespmem:$0x43D0] =	vst v63  }
0x162: {  	_ = 	snop  }
0x163: {  	[spmem:s2] =	stream.indirect.scatter.add.f32 [tilespmem:s7], [sflag:$0x1], $0x10, s18, s8, $0xb8;
	[tilespmem:$0x43D0] =	vst v63  }
0x164: {  	_ =	swait.ge [sflag:s6], $0x7D0  }
0x165: {  	[sflag:s6] =	ssyncset.done $0x0  }
0x166: {  	[sflag:s6] =	ssyncadd.s32 $0xFFFFF830  }
0x167: {  	_ =	swait.ge [sflag:s6], $0x7D0  }
0x168: {  	[sflag:s6] =	ssyncset.done $0x0  }
0x169: {  	[sflag:s6] =	ssyncadd.s32 $0xFFFFF830  }
0x16a: {  	_ =	swait.ge [sflag:s6], $0x7D0  }
0x16b: {  	[sflag:s6] =	ssyncset.done $0x0  }
0x16c: {  	[sflag:s6] =	ssyncadd.s32 $0xFFFFF830  }
0x16d: {  	_ =	swait.ge [sflag:s6], $0x7D0  }
0x16e: {  	[sflag:s6] =	ssyncset.done $0x0  }
0x16f: {  	[sflag:s6] =	ssyncadd.s32 $0xFFFFF830  }
0x170: {  	_ =	swait.ge [sflag:s6], $0x7D0  }
0x171: {  	[sflag:s6] =	ssyncset.done $0x0  }
0x172: {  	[sflag:s6] =	ssyncadd.s32 $0xFFFFF830  }
0x173: {  	_ =	swait.ge [sflag:s6], $0x7D0  }
0x174: {  	[sflag:s6] =	ssyncset.done $0x0  }
0x175: {  	[sflag:s6] =	ssyncadd.s32 $0xFFFFF830  }
0x176: {  	_ =	swait.ge [sflag:s6], $0x7D0  }
0x177: {  	[sflag:s6] =	ssyncset.done $0x0  }
0x178: {  	[sflag:s6] =	ssyncadd.s32 $0xFFFFF830  }
0x179: {  	_ =	swait.ge [sflag:s6], $0x7D0  }
0x17a: {  	[sflag:s6] =	ssyncset.done $0x0  }
0x17b: {  	s9 =	simm.s32 $0xC00;
	[sflag:s6] =	ssyncadd.s32 $0xFFFFF830  }
0x17c: {  	[spmem:s2] =	stream.indirect.scatter.add.f32 [tilespmem:s7], [sflag:$0x1], $0x10, s9, s8, $0xb8;
	[tilespmem:$0x43D0] =	vst v63  }
0x17d: {  	_ = 	snop  }
0x17e: {  	[spmem:s2] =	stream.indirect.scatter.add.f32 [tilespmem:s7], [sflag:$0x1], $0x10, s19, s8, $0xb8;
	[tilespmem:$0x43D0] =	vst v63  }
0x17f: {  	_ = 	snop  }
0x180: {  	[spmem:s2] =	stream.indirect.scatter.add.f32 [tilespmem:s7], [sflag:$0x1], $0x10, s20, s8, $0xb8;
	[tilespmem:$0x43D0] =	vst v63  }
0x181: {  	_ = 	snop  }
0x182: {  	[spmem:s2] =	stream.indirect.scatter.add.f32 [tilespmem:s7], [sflag:$0x1], $0x10, s21, s8, $0xb8;
	[tilespmem:$0x43D0] =	vst v63  }
0x183: {  	_ = 	snop  }
0x184: {  	[spmem:s2] =	stream.indirect.scatter.add.f32 [tilespmem:s7], [sflag:$0x1], $0x10, s22, s8, $0xb8;
	[tilespmem:$0x43D0] =	vst v63  }
0x185: {  	_ = 	snop  }
0x186: {  	[spmem:s2] =	stream.indirect.scatter.add.f32 [tilespmem:s7], [sflag:$0x1], $0x10, s23, s8, $0xb8;
	[tilespmem:$0x43D0] =	vst v63  }
0x187: {  	_ = 	snop  }
0x188: {  	[spmem:s2] =	stream.indirect.scatter.add.f32 [tilespmem:s7], [sflag:$0x1], $0x10, s24, s8, $0xb8;
	[tilespmem:$0x43D0] =	vst v63  }
0x189: {  	_ = 	snop  }
0x18a: {  	[spmem:s2] =	stream.indirect.scatter.add.f32 [tilespmem:s7], [sflag:$0x1], $0x10, s25, s8, $0xb8;
	[tilespmem:$0x43D0] =	vst v63  }
0x18b: {  	_ =	swait.ge [sflag:s6], $0x7D0  }
0x18c: {  	[sflag:s6] =	ssyncset.done $0x0  }
0x18d: {  	[sflag:s6] =	ssyncadd.s32 $0xFFFFF830  }
0x18e: {  	_ =	swait.ge [sflag:s6], $0x7D0  }
0x18f: {  	[sflag:s6] =	ssyncset.done $0x0  }
0x190: {  	[sflag:s6] =	ssyncadd.s32 $0xFFFFF830  }
0x191: {  	_ =	swait.ge [sflag:s6], $0x7D0  }
0x192: {  	[sflag:s6] =	ssyncset.done $0x0  }
0x193: {  	[sflag:s6] =	ssyncadd.s32 $0xFFFFF830  }
0x194: {  	_ =	swait.ge [sflag:s6], $0x7D0  }
0x195: {  	[sflag:s6] =	ssyncset.done $0x0  }
0x196: {  	[sflag:s6] =	ssyncadd.s32 $0xFFFFF830  }
0x197: {  	_ =	swait.ge [sflag:s6], $0x7D0  }
0x198: {  	[sflag:s6] =	ssyncset.done $0x0  }
0x199: {  	[sflag:s6] =	ssyncadd.s32 $0xFFFFF830  }
0x19a: {  	_ =	swait.ge [sflag:s6], $0x7D0  }
0x19b: {  	[sflag:s6] =	ssyncset.done $0x0  }
0x19c: {  	[sflag:s6] =	ssyncadd.s32 $0xFFFFF830  }
0x19d: {  	_ =	swait.ge [sflag:s6], $0x7D0  }
0x19e: {  	[sflag:s6] =	ssyncset.done $0x0  }
0x19f: {  	[sflag:s6] =	ssyncadd.s32 $0xFFFFF830  }
0x1a0: {  	_ =	swait.ge [sflag:s6], $0x7D0  }
0x1a1: {  	[sflag:s6] =	ssyncset.done $0x0  }
0x1a2: {  	[sflag:s6] =	ssyncadd.s32 $0xFFFFF830  }
0x1a3: {  	[spmem:s2] =	stream.indirect.scatter.add.f32 [tilespmem:s7], [sflag:$0x1], $0x10, s10, s8, $0xb8;
	[tilespmem:$0x43D0] =	vst v63  }
0x1a4: {  	_ = 	snop  }
0x1a5: {  	[spmem:s2] =	stream.indirect.scatter.add.f32 [tilespmem:s7], [sflag:$0x1], $0x10, s11, s8, $0xb8;
	[tilespmem:$0x43D0] =	vst v63  }
0x1a6: {  	_ = 	snop  }
0x1a7: {  	[spmem:s2] =	stream.indirect.scatter.add.f32 [tilespmem:s7], [sflag:$0x1], $0x10, s12, s8, $0xb8;
	[tilespmem:$0x43D0] =	vst v63  }
0x1a8: {  	_ = 	snop  }
0x1a9: {  	[spmem:s2] =	stream.indirect.scatter.add.f32 [tilespmem:s7], [sflag:$0x1], $0x10, s13, s8, $0xb8;
	[tilespmem:$0x43D0] =	vst v63  }
0x1aa: {  	_ = 	snop  }
0x1ab: {  	[spmem:s2] =	stream.indirect.scatter.add.f32 [tilespmem:s7], [sflag:$0x1], $0x10, s14, s8, $0xb8;
	[tilespmem:$0x43D0] =	vst v63  }
0x1ac: {  	_ = 	snop  }
0x1ad: {  	[spmem:s2] =	stream.indirect.scatter.add.f32 [tilespmem:s7], [sflag:$0x1], $0x10, s15, s8, $0xb8;
	[tilespmem:$0x43D0] =	vst v63  }
0x1ae: {  	_ = 	snop  }
0x1af: {  	[spmem:s2] =	stream.indirect.scatter.add.f32 [tilespmem:s7], [sflag:$0x1], $0x10, s16, s8, $0xb8;
	[tilespmem:$0x43D0] =	vst v63  }
0x1b0: {  	_ = 	snop  }
0x1b1: {  	[spmem:s2] =	stream.indirect.scatter.add.f32 [tilespmem:s7], [sflag:$0x1], $0x10, s17, s8, $0xb8;
	[tilespmem:$0x43D0] =	vst v63  }
0x1b2: {  	_ =	swait.ge [sflag:s6], $0x7D0  }
0x1b3: {  	[sflag:s6] =	ssyncset.done $0x0  }
0x1b4: {  	[sflag:s6] =	ssyncadd.s32 $0xFFFFF830  }
0x1b5: {  	_ =	swait.ge [sflag:s6], $0x7D0  }
0x1b6: {  	[sflag:s6] =	ssyncset.done $0x0  }
0x1b7: {  	[sflag:s6] =	ssyncadd.s32 $0xFFFFF830  }
0x1b8: {  	_ =	swait.ge [sflag:s6], $0x7D0  }
0x1b9: {  	[sflag:s6] =	ssyncset.done $0x0  }
0x1ba: {  	[sflag:s6] =	ssyncadd.s32 $0xFFFFF830  }
0x1bb: {  	_ =	swait.ge [sflag:s6], $0x7D0  }
0x1bc: {  	[sflag:s6] =	ssyncset.done $0x0  }
0x1bd: {  	[sflag:s6] =	ssyncadd.s32 $0xFFFFF830  }
0x1be: {  	_ =	swait.ge [sflag:s6], $0x7D0  }
0x1bf: {  	[sflag:s6] =	ssyncset.done $0x0  }
0x1c0: {  	[sflag:s6] =	ssyncadd.s32 $0xFFFFF830  }
0x1c1: {  	_ =	swait.ge [sflag:s6], $0x7D0  }
0x1c2: {  	[sflag:s6] =	ssyncset.done $0x0  }
0x1c3: {  	[sflag:s6] =	ssyncadd.s32 $0xFFFFF830  }
0x1c4: {  	_ =	swait.ge [sflag:s6], $0x7D0  }
0x1c5: {  	[sflag:s6] =	ssyncset.done $0x0  }
0x1c6: {  	[sflag:s6] =	ssyncadd.s32 $0xFFFFF830  }
0x1c7: {  	_ =	swait.ge [sflag:s6], $0x7D0  }
0x1c8: {  	[sflag:s6] =	ssyncset.done $0x0  }
0x1c9: {  	p1 =	sne.s32 s1, $0x1;
	[sflag:s6] =	ssyncadd.s32 $0xFFFFF830  }
.Ltmp2:
0x1ca: {  	[bflag:$0x0] =	sbarrier.arrive $0xFFFF;
	(pc) =	sbr.rel @p1 .LBB2_4-.Ltmp2, $4  }
0x1cb: {  	s9 =	rddreg [dreg:$0x7]  }
0x1cc: {  	[hbm:s9], [sflag:s3] =	dma.local [spmem:s4], $0x500  }
0x1cd: {  	_ =	swait.ge [sflag:s5], $0x500  }
0x1ce: {  	s1 =	sadd.s32 $0xFFFFFFFF, s1;
	s0 =	rddreg [dreg:$0x5];
	[sflag:s5] =	ssyncset.done $0x0  }
0x1cf: {  	s17 =	simm.s32 $0xB80;
	s30 =	simm.s32 $0xB00;
	s29 =	simm.s32 $0xA80  }
0x1d0: {  	s28 =	simm.s32 $0xA00;
	s26 =	simm.s32 $0x980;
	s25 =	simm.s32 $0xF80  }
0x1d1: {  	s24 =	simm.s32 $0xF00;
	s23 =	simm.s32 $0xE80;
	s22 =	simm.s32 $0xE00  }
0x1d2: {  	s21 =	simm.s32 $0xD80;
	s20 =	simm.s32 $0xD00;
	s19 =	simm.s32 $0xC80  }
0x1d3: {  	s18 =	simm.s32 $0xC00;
	s16 =	simm.s32 $0x1300;
	s15 =	simm.s32 $0x1280  }
0x1d4: {  	s14 =	simm.s32 $0x1200;
	s13 =	simm.s32 $0x1180;
	s12 =	simm.s32 $0x1100  }
0x1d5: {  	s11 =	simm.s32 $0x1080;
	s10 =	simm.s32 $0x1000;
	s9 =	stileid.u32  }
.LBB2_6:
0x1d6: {  	[sflag:s5] =	ssyncadd.s32 @p0 $0xFFFFFB00  }
0x1d7: {  	[spmem:s4], [sflag:s3] =	dma.local [hbm:s0], $0x500  }
0x1d8: {  	_ =	swait.ge [sflag:s5], $0x500  }
0x1d9: {  	[sflag:s5] =	ssyncset.done $0x0  }
0x1da: {  	s1 =	rddreg [dreg:$0x4];
	[sflag:s5] =	ssyncadd.s32 $0xFFFFFB00  }
0x1db: {  	[tilespmem:s7], [sflag:$0x2] =	stream.linear.gather [hbm4b:s1+s31], $0x7D0, $0x38;
	[tilespmem:$0x43D0] =	vst v63  }
0x1dc: {  	_ =	swait.ge [sflag:s5], $0x7D0  }
0x1dd: {  	[sflag:s5] =	ssyncset.done $0x0  }
0x1de: {  	s1 =	rddreg [dreg:$0x6];
	[sflag:s5] =	ssyncadd.s32 $0xFFFFF830  }
0x1df: {  	[tilespmem:s31], [sflag:$0x2] =	stream.linear.gather [hbm4b:s1+s31], $0x1400, $0x38;
	[tilespmem:$0x43D0] =	vst v63  }
0x1e0: {  	_ =	swait.ge [sflag:s5], $0x1400  }
0x1e1: {  	[sflag:s5] =	ssyncset.done $0x0  }
0x1e2: {  	[sflag:s5] =	ssyncadd.s32 $0xFFFFEC00  }
0x1e3: {  	[bflag:$0x0] =	sbarrier.arrive $0xFFFF  }
0x1e4: {  	[spmem:s2] =	stream.indirect.scatter.add.f32 [tilespmem:s7], [sflag:$0x1], $0x10, s31, s8, $0xb8;
	[tilespmem:$0x43D0] =	vst v63  }
0x1e5: {  	s0 =	rddreg [dreg:$0x8]  }
0x1e6: {  	[spmem:s2] =	stream.indirect.scatter.add.f32 [tilespmem:s7], [sflag:$0x1], $0x10, s0, s8, $0xb8;
	[tilespmem:$0x43D0] =	vst v63  }
0x1e7: {  	s1 =	rddreg [dreg:$0x9]  }
0x1e8: {  	[spmem:s2] =	stream.indirect.scatter.add.f32 [tilespmem:s7], [sflag:$0x1], $0x10, s1, s8, $0xb8;
	[tilespmem:$0x43D0] =	vst v63  }
0x1e9: {  	s31 =	rddreg [dreg:$0xa]  }
0x1ea: {  	[spmem:s2] =	stream.indirect.scatter.add.f32 [tilespmem:s7], [sflag:$0x1], $0x10, s31, s8, $0xb8;
	[tilespmem:$0x43D0] =	vst v63  }
0x1eb: {  	s1 =	rddreg [dreg:$0xb]  }
0x1ec: {  	[spmem:s2] =	stream.indirect.scatter.add.f32 [tilespmem:s7], [sflag:$0x1], $0x10, s1, s8, $0xb8;
	[tilespmem:$0x43D0] =	vst v63  }
0x1ed: {  	s31 =	rddreg [dreg:$0xc]  }
0x1ee: {  	[spmem:s2] =	stream.indirect.scatter.add.f32 [tilespmem:s7], [sflag:$0x1], $0x10, s31, s8, $0xb8;
	[tilespmem:$0x43D0] =	vst v63  }
0x1ef: {  	s1 =	rddreg [dreg:$0xd]  }
0x1f0: {  	[spmem:s2] =	stream.indirect.scatter.add.f32 [tilespmem:s7], [sflag:$0x1], $0x10, s1, s8, $0xb8;
	[tilespmem:$0x43D0] =	vst v63  }
0x1f1: {  	s31 =	rddreg [dreg:$0xe]  }
0x1f2: {  	[spmem:s2] =	stream.indirect.scatter.add.f32 [tilespmem:s7], [sflag:$0x1], $0x10, s31, s8, $0xb8;
	[tilespmem:$0x43D0] =	vst v63  }
0x1f3: {  	_ =	swait.ge [sflag:s6], $0x7D0  }
0x1f4: {  	[sflag:s6] =	ssyncset.done $0x0  }
0x1f5: {  	[sflag:s6] =	ssyncadd.s32 $0xFFFFF830  }
0x1f6: {  	_ =	swait.ge [sflag:s6], $0x7D0  }
0x1f7: {  	[sflag:s6] =	ssyncset.done $0x0  }
0x1f8: {  	[sflag:s6] =	ssyncadd.s32 $0xFFFFF830  }
0x1f9: {  	_ =	swait.ge [sflag:s6], $0x7D0  }
0x1fa: {  	[sflag:s6] =	ssyncset.done $0x0  }
0x1fb: {  	[sflag:s6] =	ssyncadd.s32 $0xFFFFF830  }
0x1fc: {  	_ =	swait.ge [sflag:s6], $0x7D0  }
0x1fd: {  	[sflag:s6] =	ssyncset.done $0x0  }
0x1fe: {  	[sflag:s6] =	ssyncadd.s32 $0xFFFFF830  }
0x1ff: {  	_ =	swait.ge [sflag:s6], $0x7D0  }
0x200: {  	[sflag:s6] =	ssyncset.done $0x0  }
0x201: {  	[sflag:s6] =	ssyncadd.s32 $0xFFFFF830  }
0x202: {  	_ =	swait.ge [sflag:s6], $0x7D0  }
0x203: {  	[sflag:s6] =	ssyncset.done $0x0  }
0x204: {  	[sflag:s6] =	ssyncadd.s32 $0xFFFFF830  }
0x205: {  	_ =	swait.ge [sflag:s6], $0x7D0  }
0x206: {  	[sflag:s6] =	ssyncset.done $0x0  }
0x207: {  	[sflag:s6] =	ssyncadd.s32 $0xFFFFF830  }
0x208: {  	_ =	swait.ge [sflag:s6], $0x7D0  }
0x209: {  	[sflag:s6] =	ssyncset.done $0x0  }
0x20a: {  	s1 =	rddreg [dreg:$0xf];
	[sflag:s6] =	ssyncadd.s32 $0xFFFFF830  }
0x20b: {  	[spmem:s2] =	stream.indirect.scatter.add.f32 [tilespmem:s7], [sflag:$0x1], $0x10, s1, s8, $0xb8;
	[tilespmem:$0x43D0] =	vst v63  }
0x20c: {  	s31 =	rddreg [dreg:$0x10]  }
0x20d: {  	[spmem:s2] =	stream.indirect.scatter.add.f32 [tilespmem:s7], [sflag:$0x1], $0x10, s31, s8, $0xb8;
	[tilespmem:$0x43D0] =	vst v63  }
0x20e: {  	s0 =	rddreg [dreg:$0x11]  }
0x20f: {  	[spmem:s2] =	stream.indirect.scatter.add.f32 [tilespmem:s7], [sflag:$0x1], $0x10, s0, s8, $0xb8;
	[tilespmem:$0x43D0] =	vst v63  }
0x210: {  	s31 =	rddreg [dreg:$0x12]  }
0x211: {  	[spmem:s2] =	stream.indirect.scatter.add.f32 [tilespmem:s7], [sflag:$0x1], $0x10, s31, s8, $0xb8;
	[tilespmem:$0x43D0] =	vst v63  }
0x212: {  	s0 =	rddreg [dreg:$0x13]  }
0x213: {  	[spmem:s2] =	stream.indirect.scatter.add.f32 [tilespmem:s7], [sflag:$0x1], $0x10, s0, s8, $0xb8;
	[tilespmem:$0x43D0] =	vst v63  }
0x214: {  	s31 =	rddreg [dreg:$0x14]  }
0x215: {  	[spmem:s2] =	stream.indirect.scatter.add.f32 [tilespmem:s7], [sflag:$0x1], $0x10, s31, s8, $0xb8;
	[tilespmem:$0x43D0] =	vst v63  }
0x216: {  	s0 =	rddreg [dreg:$0x15]  }
0x217: {  	[spmem:s2] =	stream.indirect.scatter.add.f32 [tilespmem:s7], [sflag:$0x1], $0x10, s0, s8, $0xb8;
	[tilespmem:$0x43D0] =	vst v63  }
0x218: {  	s31 =	rddreg [dreg:$0x16]  }
0x219: {  	[spmem:s2] =	stream.indirect.scatter.add.f32 [tilespmem:s7], [sflag:$0x1], $0x10, s31, s8, $0xb8;
	[tilespmem:$0x43D0] =	vst v63  }
0x21a: {  	_ =	swait.ge [sflag:s6], $0x7D0  }
0x21b: {  	[sflag:s6] =	ssyncset.done $0x0  }
0x21c: {  	[sflag:s6] =	ssyncadd.s32 $0xFFFFF830  }
0x21d: {  	_ =	swait.ge [sflag:s6], $0x7D0  }
0x21e: {  	[sflag:s6] =	ssyncset.done $0x0  }
0x21f: {  	[sflag:s6] =	ssyncadd.s32 $0xFFFFF830  }
0x220: {  	_ =	swait.ge [sflag:s6], $0x7D0  }
0x221: {  	[sflag:s6] =	ssyncset.done $0x0  }
0x222: {  	[sflag:s6] =	ssyncadd.s32 $0xFFFFF830  }
0x223: {  	_ =	swait.ge [sflag:s6], $0x7D0  }
0x224: {  	[sflag:s6] =	ssyncset.done $0x0  }
0x225: {  	[sflag:s6] =	ssyncadd.s32 $0xFFFFF830  }
0x226: {  	_ =	swait.ge [sflag:s6], $0x7D0  }
0x227: {  	[sflag:s6] =	ssyncset.done $0x0  }
0x228: {  	[sflag:s6] =	ssyncadd.s32 $0xFFFFF830  }
0x229: {  	_ =	swait.ge [sflag:s6], $0x7D0  }
0x22a: {  	[sflag:s6] =	ssyncset.done $0x0  }
0x22b: {  	[sflag:s6] =	ssyncadd.s32 $0xFFFFF830  }
0x22c: {  	_ =	swait.ge [sflag:s6], $0x7D0  }
0x22d: {  	[sflag:s6] =	ssyncset.done $0x0  }
0x22e: {  	[sflag:s6] =	ssyncadd.s32 $0xFFFFF830  }
0x22f: {  	_ =	swait.ge [sflag:s6], $0x7D0  }
0x230: {  	[sflag:s6] =	ssyncset.done $0x0  }
0x231: {  	s31 =	rddreg [dreg:$0x17];
	[sflag:s6] =	ssyncadd.s32 $0xFFFFF830  }
0x232: {  	[spmem:s2] =	stream.indirect.scatter.add.f32 [tilespmem:s7], [sflag:$0x1], $0x10, s31, s8, $0xb8;
	[tilespmem:$0x43D0] =	vst v63  }
0x233: {  	s1 =	rddreg [dreg:$0x18]  }
0x234: {  	[spmem:s2] =	stream.indirect.scatter.add.f32 [tilespmem:s7], [sflag:$0x1], $0x10, s1, s8, $0xb8;
	[tilespmem:$0x43D0] =	vst v63  }
0x235: {  	s31 =	rddreg [dreg:$0x19]  }
0x236: {  	[spmem:s2] =	stream.indirect.scatter.add.f32 [tilespmem:s7], [sflag:$0x1], $0x10, s31, s8, $0xb8;
	[tilespmem:$0x43D0] =	vst v63  }
0x237: {  	_ = 	snop  }
0x238: {  	[spmem:s2] =	stream.indirect.scatter.add.f32 [tilespmem:s7], [sflag:$0x1], $0x10, s26, s8, $0xb8;
	[tilespmem:$0x43D0] =	vst v63  }
0x239: {  	_ = 	snop  }
0x23a: {  	[spmem:s2] =	stream.indirect.scatter.add.f32 [tilespmem:s7], [sflag:$0x1], $0x10, s28, s8, $0xb8;
	[tilespmem:$0x43D0] =	vst v63  }
0x23b: {  	_ = 	snop  }
0x23c: {  	[spmem:s2] =	stream.indirect.scatter.add.f32 [tilespmem:s7], [sflag:$0x1], $0x10, s29, s8, $0xb8;
	[tilespmem:$0x43D0] =	vst v63  }
0x23d: {  	_ = 	snop  }
0x23e: {  	[spmem:s2] =	stream.indirect.scatter.add.f32 [tilespmem:s7], [sflag:$0x1], $0x10, s30, s8, $0xb8;
	[tilespmem:$0x43D0] =	vst v63  }
0x23f: {  	_ = 	snop  }
0x240: {  	[spmem:s2] =	stream.indirect.scatter.add.f32 [tilespmem:s7], [sflag:$0x1], $0x10, s17, s8, $0xb8;
	[tilespmem:$0x43D0] =	vst v63  }
0x241: {  	_ =	swait.ge [sflag:s6], $0x7D0  }
0x242: {  	[sflag:s6] =	ssyncset.done $0x0  }
0x243: {  	[sflag:s6] =	ssyncadd.s32 $0xFFFFF830  }
0x244: {  	_ =	swait.ge [sflag:s6], $0x7D0  }
0x245: {  	[sflag:s6] =	ssyncset.done $0x0  }
0x246: {  	[sflag:s6] =	ssyncadd.s32 $0xFFFFF830  }
0x247: {  	_ =	swait.ge [sflag:s6], $0x7D0  }
0x248: {  	[sflag:s6] =	ssyncset.done $0x0  }
0x249: {  	[sflag:s6] =	ssyncadd.s32 $0xFFFFF830  }
0x24a: {  	_ =	swait.ge [sflag:s6], $0x7D0  }
0x24b: {  	[sflag:s6] =	ssyncset.done $0x0  }
0x24c: {  	[sflag:s6] =	ssyncadd.s32 $0xFFFFF830  }
0x24d: {  	_ =	swait.ge [sflag:s6], $0x7D0  }
0x24e: {  	[sflag:s6] =	ssyncset.done $0x0  }
0x24f: {  	[sflag:s6] =	ssyncadd.s32 $0xFFFFF830  }
0x250: {  	_ =	swait.ge [sflag:s6], $0x7D0  }
0x251: {  	[sflag:s6] =	ssyncset.done $0x0  }
0x252: {  	[sflag:s6] =	ssyncadd.s32 $0xFFFFF830  }
0x253: {  	_ =	swait.ge [sflag:s6], $0x7D0  }
0x254: {  	[sflag:s6] =	ssyncset.done $0x0  }
0x255: {  	[sflag:s6] =	ssyncadd.s32 $0xFFFFF830  }
0x256: {  	_ =	swait.ge [sflag:s6], $0x7D0  }
0x257: {  	[sflag:s6] =	ssyncset.done $0x0  }
0x258: {  	[sflag:s6] =	ssyncadd.s32 $0xFFFFF830  }
0x259: {  	[spmem:s2] =	stream.indirect.scatter.add.f32 [tilespmem:s7], [sflag:$0x1], $0x10, s18, s8, $0xb8;
	[tilespmem:$0x43D0] =	vst v63  }
0x25a: {  	_ = 	snop  }
0x25b: {  	[spmem:s2] =	stream.indirect.scatter.add.f32 [tilespmem:s7], [sflag:$0x1], $0x10, s19, s8, $0xb8;
	[tilespmem:$0x43D0] =	vst v63  }
0x25c: {  	_ = 	snop  }
0x25d: {  	[spmem:s2] =	stream.indirect.scatter.add.f32 [tilespmem:s7], [sflag:$0x1], $0x10, s20, s8, $0xb8;
	[tilespmem:$0x43D0] =	vst v63  }
0x25e: {  	_ = 	snop  }
0x25f: {  	[spmem:s2] =	stream.indirect.scatter.add.f32 [tilespmem:s7], [sflag:$0x1], $0x10, s21, s8, $0xb8;
	[tilespmem:$0x43D0] =	vst v63  }
0x260: {  	_ = 	snop  }
0x261: {  	[spmem:s2] =	stream.indirect.scatter.add.f32 [tilespmem:s7], [sflag:$0x1], $0x10, s22, s8, $0xb8;
	[tilespmem:$0x43D0] =	vst v63  }
0x262: {  	_ = 	snop  }
0x263: {  	[spmem:s2] =	stream.indirect.scatter.add.f32 [tilespmem:s7], [sflag:$0x1], $0x10, s23, s8, $0xb8;
	[tilespmem:$0x43D0] =	vst v63  }
0x264: {  	_ = 	snop  }
0x265: {  	[spmem:s2] =	stream.indirect.scatter.add.f32 [tilespmem:s7], [sflag:$0x1], $0x10, s24, s8, $0xb8;
	[tilespmem:$0x43D0] =	vst v63  }
0x266: {  	_ = 	snop  }
0x267: {  	[spmem:s2] =	stream.indirect.scatter.add.f32 [tilespmem:s7], [sflag:$0x1], $0x10, s25, s8, $0xb8;
	[tilespmem:$0x43D0] =	vst v63  }
0x268: {  	_ =	swait.ge [sflag:s6], $0x7D0  }
0x269: {  	[sflag:s6] =	ssyncset.done $0x0  }
0x26a: {  	[sflag:s6] =	ssyncadd.s32 $0xFFFFF830  }
0x26b: {  	_ =	swait.ge [sflag:s6], $0x7D0  }
0x26c: {  	[sflag:s6] =	ssyncset.done $0x0  }
0x26d: {  	[sflag:s6] =	ssyncadd.s32 $0xFFFFF830  }
0x26e: {  	_ =	swait.ge [sflag:s6], $0x7D0  }
0x26f: {  	[sflag:s6] =	ssyncset.done $0x0  }
0x270: {  	[sflag:s6] =	ssyncadd.s32 $0xFFFFF830  }
0x271: {  	_ =	swait.ge [sflag:s6], $0x7D0  }
0x272: {  	[sflag:s6] =	ssyncset.done $0x0  }
0x273: {  	[sflag:s6] =	ssyncadd.s32 $0xFFFFF830  }
0x274: {  	_ =	swait.ge [sflag:s6], $0x7D0  }
0x275: {  	[sflag:s6] =	ssyncset.done $0x0  }
0x276: {  	[sflag:s6] =	ssyncadd.s32 $0xFFFFF830  }
0x277: {  	_ =	swait.ge [sflag:s6], $0x7D0  }
0x278: {  	[sflag:s6] =	ssyncset.done $0x0  }
0x279: {  	[sflag:s6] =	ssyncadd.s32 $0xFFFFF830  }
0x27a: {  	_ =	swait.ge [sflag:s6], $0x7D0  }
0x27b: {  	[sflag:s6] =	ssyncset.done $0x0  }
0x27c: {  	[sflag:s6] =	ssyncadd.s32 $0xFFFFF830  }
0x27d: {  	_ =	swait.ge [sflag:s6], $0x7D0  }
0x27e: {  	[sflag:s6] =	ssyncset.done $0x0  }
0x27f: {  	[sflag:s6] =	ssyncadd.s32 $0xFFFFF830  }
0x280: {  	[spmem:s2] =	stream.indirect.scatter.add.f32 [tilespmem:s7], [sflag:$0x1], $0x10, s10, s8, $0xb8;
	[tilespmem:$0x43D0] =	vst v63  }
0x281: {  	_ = 	snop  }
0x282: {  	[spmem:s2] =	stream.indirect.scatter.add.f32 [tilespmem:s7], [sflag:$0x1], $0x10, s11, s8, $0xb8;
	[tilespmem:$0x43D0] =	vst v63  }
0x283: {  	_ = 	snop  }
0x284: {  	[spmem:s2] =	stream.indirect.scatter.add.f32 [tilespmem:s7], [sflag:$0x1], $0x10, s12, s8, $0xb8;
	[tilespmem:$0x43D0] =	vst v63  }
0x285: {  	_ = 	snop  }
0x286: {  	[spmem:s2] =	stream.indirect.scatter.add.f32 [tilespmem:s7], [sflag:$0x1], $0x10, s13, s8, $0xb8;
	[tilespmem:$0x43D0] =	vst v63  }
0x287: {  	_ = 	snop  }
0x288: {  	[spmem:s2] =	stream.indirect.scatter.add.f32 [tilespmem:s7], [sflag:$0x1], $0x10, s14, s8, $0xb8;
	[tilespmem:$0x43D0] =	vst v63  }
0x289: {  	_ = 	snop  }
0x28a: {  	[spmem:s2] =	stream.indirect.scatter.add.f32 [tilespmem:s7], [sflag:$0x1], $0x10, s15, s8, $0xb8;
	[tilespmem:$0x43D0] =	vst v63  }
0x28b: {  	_ = 	snop  }
0x28c: {  	[spmem:s2] =	stream.indirect.scatter.add.f32 [tilespmem:s7], [sflag:$0x1], $0x10, s16, s8, $0xb8;
	[tilespmem:$0x43D0] =	vst v63  }
0x28d: {  	s30 =	simm.s32 $0x1380  }
0x28e: {  	[spmem:s2] =	stream.indirect.scatter.add.f32 [tilespmem:s7], [sflag:$0x1], $0x10, s30, s8, $0xb8;
	[tilespmem:$0x43D0] =	vst v63  }
0x28f: {  	_ =	swait.ge [sflag:s6], $0x7D0  }
0x290: {  	[sflag:s6] =	ssyncset.done $0x0  }
0x291: {  	[sflag:s6] =	ssyncadd.s32 $0xFFFFF830  }
0x292: {  	_ =	swait.ge [sflag:s6], $0x7D0  }
0x293: {  	[sflag:s6] =	ssyncset.done $0x0  }
0x294: {  	[sflag:s6] =	ssyncadd.s32 $0xFFFFF830  }
0x295: {  	_ =	swait.ge [sflag:s6], $0x7D0  }
0x296: {  	[sflag:s6] =	ssyncset.done $0x0  }
0x297: {  	[sflag:s6] =	ssyncadd.s32 $0xFFFFF830  }
0x298: {  	_ =	swait.ge [sflag:s6], $0x7D0  }
0x299: {  	[sflag:s6] =	ssyncset.done $0x0  }
0x29a: {  	[sflag:s6] =	ssyncadd.s32 $0xFFFFF830  }
0x29b: {  	_ =	swait.ge [sflag:s6], $0x7D0  }
0x29c: {  	[sflag:s6] =	ssyncset.done $0x0  }
0x29d: {  	[sflag:s6] =	ssyncadd.s32 $0xFFFFF830  }
0x29e: {  	_ =	swait.ge [sflag:s6], $0x7D0  }
0x29f: {  	[sflag:s6] =	ssyncset.done $0x0  }
0x2a0: {  	[sflag:s6] =	ssyncadd.s32 $0xFFFFF830  }
0x2a1: {  	_ =	swait.ge [sflag:s6], $0x7D0  }
0x2a2: {  	[sflag:s6] =	ssyncset.done $0x0  }
0x2a3: {  	[sflag:s6] =	ssyncadd.s32 $0xFFFFF830  }
0x2a4: {  	_ =	swait.ge [sflag:s6], $0x7D0  }
0x2a5: {  	[sflag:s6] =	ssyncset.done $0x0  }
0x2a6: {  	[sflag:s6] =	ssyncadd.s32 $0xFFFFF830  }
0x2a7: {  	[bflag:$0x0] =	sbarrier.arrive $0xFFFF  }
0x2a8: {  	s31 =	rddreg [dreg:$0x7]  }
0x2a9: {  	[hbm:s31], [sflag:s3] =	dma.local [spmem:s4], $0x500  }
0x2aa: {  	_ =	swait.ge [sflag:s5], $0x500  }
0x2ab: {  	[sflag:s5] =	ssyncset.done $0x0  }
0x2ac: {  	[sflag:s5] =	ssyncadd.s32 $0xFFFFFB00  }
0x2ad: {  	_ =	sfence.sel $0x180000  }
0x2ae: {  	[bflag:$0x0] =	sbarrier.arrive $0xFFFF  }
0x2af: {  	_ =	strace $0x90000047  }
0x2b0: {  	[bflag:$0x2] =	sbarrier.arrive $0xFFFF  }
0x2b1: {  	p0 =	sne.s32 s9, $0x0;
	s0 =	rddreg [dreg:$0x3]  }
0x2b2: {  	s0 =	sadd.s32 @!p0 $0x100000, s0  }
0x2b3: {  	[sflag:s0] =	ssyncadd.tile.s32 @!p0 $0x1;
	_ =	shalt  }
.LBB2_1:
0x2b4: {  	s17 =	simm.s32 $0xB80;
	s30 =	simm.s32 $0xB00;
	s29 =	simm.s32 $0xA80  }
0x2b5: {  	s28 =	simm.s32 $0xA00;
	s26 =	simm.s32 $0x980;
	s25 =	simm.s32 $0xF80  }
.Ltmp3:
0x2b6: {  	s24 =	simm.s32 $0xF00;
	s23 =	simm.s32 $0xE80;
	(pc) =	sbr.rel .LBB2_6-.Ltmp3, $4  }
0x2b7: {  	s22 =	simm.s32 $0xE00;
	s21 =	simm.s32 $0xD80;
	s20 =	simm.s32 $0xD00  }
0x2b8: {  	s19 =	simm.s32 $0xC80;
	s18 =	simm.s32 $0xC00;
	s16 =	simm.s32 $0x1300  }
0x2b9: {  	s15 =	simm.s32 $0x1280;
	s14 =	simm.s32 $0x1200;
	s13 =	simm.s32 $0x1180  }
0x2ba: {  	s12 =	simm.s32 $0x1100;
	s11 =	simm.s32 $0x1080;
	s10 =	simm.s32 $0x1000  }
.LBB2_3:
0x2bb: {  	s17 =	simm.s32 $0xB80  }
0x2bc: {  	s30 =	simm.s32 $0xB00;
	s29 =	simm.s32 $0xA80;
	s28 =	simm.s32 $0xA00  }
0x2bd: {  	s26 =	simm.s32 $0x980;
	s25 =	simm.s32 $0xF80;
	s24 =	simm.s32 $0xF00  }
.Ltmp4:
0x2be: {  	s23 =	simm.s32 $0xE80;
	s22 =	simm.s32 $0xE00;
	(pc) =	sbr.rel .LBB2_6-.Ltmp4, $4  }
0x2bf: {  	s21 =	simm.s32 $0xD80;
	s20 =	simm.s32 $0xD00;
	s19 =	simm.s32 $0xC80  }
0x2c0: {  	s18 =	simm.s32 $0xC00;
	s16 =	simm.s32 $0x1300;
	s15 =	simm.s32 $0x1280  }
0x2c1: {  	s14 =	simm.s32 $0x1200;
	s13 =	simm.s32 $0x1180;
	s12 =	simm.s32 $0x1100  }
0x2c2: {  	s11 =	simm.s32 $0x1080;
	s10 =	simm.s32 $0x1000;
	s9 =	stileid.u32  }
.Lfunc_end2:
_tile_overlayer_lowered:
.L_overlay_start_2:
0x2c3: {  	(tag) =	ssettag $0x2  }
0x2c4: {  	s0 =	rddreg [dreg:$0x0];
	s2 =	stileid.u32  }
0x2c5: {  	s1 =	rddreg [dreg:$0x1];
	p0 =	sne.s32 s2, $0x0  }
0x2c6: {  	s3 =	rddreg [dreg:$0x2];
	[bflag:$0x3] =	sbarrier.arrive $0xFFFF;
	s2 =	simm.s32 @!p0 $0x1C02  }
0x2c7: {  	[timem:s3], [sflag:s2] =	dma.local @!p0 [hbm:s0], s1  }
0x2c8: {  	s0 =	simm.s32 @!p0 $0x2  }
0x2c9: {  	_ =	swait.ge @!p0 [sflag:s0], s1  }
0x2ca: {  	s1 =	ssub.s32 @!p0 $0x0, s1;
	[sflag:s0] =	ssyncset.done @!p0 $0x0  }
0x2cb: {  	[sflag:s0] =	ssyncadd.s32 @!p0 s1  }
0x2cc: {  	[bflag:$0x3] =	sbarrier.arrive $0xFFFF  }
0x2cd: {  	_ =	shalt  }

</sc_bundles>
